<compile_context>
chip_gen: v7x
topology: tpu7x:2x2x1
jax: 0.10.2.dev20260603
libtpu: 0.0.44.dev20260713+nightly
codegen_flags: <defaults>
</compile_context>

<pallas_src>
import functools

import jax
import jax.numpy as jnp
from jax import lax
from jax.experimental import pallas as pl
from jax.experimental.pallas import tpu as pltpu
from jax.experimental.pallas import tpu_sc as plsc

K = 16
EPS = 1e-5
NA = 256
NB = 256
DPAD = 16
DROW = 256 + 128

SC_NC = 2
SC_NS = 16
SC_NW = SC_NC * SC_NS
GCHUNK = 256
NCHUNK = 2


def _ce(v, i, a, b):
    le = v[a] <= v[b]
    va, vb = jnp.where(le, v[a], v[b]), jnp.where(le, v[b], v[a])
    ia, ib = jnp.where(le, i[a], i[b]), jnp.where(le, i[b], i[a])
    v[a], v[b], i[a], i[b] = va, vb, ia, ib


def _knn_body(q_ref, p_ref, idx_ref):
    q = q_ref[...]
    p = p_ref[0]
    nt = p.shape[1]
    w = nt // K
    psq = jnp.sum(p * p, axis=0, keepdims=True)
    d = psq - 2.0 * jnp.dot(q, p, preferred_element_type=jnp.float32)
    iota = lax.broadcasted_iota(jnp.int32, (d.shape[0], w), 1)
    v = [d[:, c * w:(c + 1) * w] for c in range(K)]
    i = [iota + c * w for c in range(K)]

    for k in (2, 4, 8, 16):
        j = k // 2
        while j >= 1:
            for a in range(K):
                b = a ^ j
                if b > a:
                    if (a & k) == 0:
                        _ce(v, i, a, b)
                    else:
                        _ce(v, i, b, a)
            j //= 2

    while w > 32:
        h = w // 2
        lo_v = [x[:, :h] for x in v]
        hi_v = [x[:, h:] for x in v]
        lo_i = [x[:, :h] for x in i]
        hi_i = [x[:, h:] for x in i]
        for a in range(K):
            le = lo_v[a] <= hi_v[K - 1 - a]
            v[a] = jnp.where(le, lo_v[a], hi_v[K - 1 - a])
            i[a] = jnp.where(le, lo_i[a], hi_i[K - 1 - a])
        w = h
        if w > 32:
            for j in (8, 4, 2, 1):
                for a in range(K):
                    b = a ^ j
                    if b > a:
                        _ce(v, i, a, b)

    dv = jnp.concatenate(v, axis=1)
    di = jnp.concatenate(i, axis=1)
    col = jax.lax.broadcasted_iota(jnp.int32, (dv.shape[0], K), 1)
    acc = jnp.zeros((dv.shape[0], K), jnp.int32)
    big = jnp.float32(3e38)
    for k in range(K):
        rmin = jnp.min(dv, axis=1, keepdims=True)
        eqm = dv == rmin
        cand = jnp.where(eqm, di, jnp.int32(1 << 30))
        sel = jnp.min(cand, axis=1, keepdims=True)
        dv = jnp.where(eqm & (di == sel), big, dv)
        acc = jnp.where(col == k, sel, acc)
    idx_ref[...] = acc


def _knn_call(qpos, fpos, b, n, nt):
    grid = (b, n // NA)
    return pl.pallas_call(
        _knn_body,
        grid=grid,
        in_specs=[
            pl.BlockSpec((NA, 8), lambda i, j: (i * (n // NA) + j, 0)),
            pl.BlockSpec((1, 8, nt), lambda i, j: (i, 0, 0)),
        ],
        out_specs=pl.BlockSpec((NA, K), lambda i, j: (i * (n // NA) + j, 0)),
        out_shape=jax.ShapeDtypeStruct((b * n, K), jnp.int32),
    )(qpos, fpos)


def _gather_body(table_hbm, idx_hbm, out_hbm, idx_v, rows_v, sem):
    wid = lax.axis_index("s") * SC_NC + lax.axis_index("c")
    rows_total = out_hbm.shape[0]
    per_w = rows_total // SC_NW
    base = wid * per_w

    def body(j, carry):
        off = base + j * GCHUNK
        pltpu.sync_copy(idx_hbm.at[pl.ds(off, GCHUNK)], idx_v)
        pltpu.async_copy(table_hbm.at[idx_v], rows_v, sem).wait()
        pltpu.sync_copy(rows_v, out_hbm.at[pl.ds(off, GCHUNK)])
        return carry

    lax.fori_loop(0, per_w // GCHUNK, body, 0)


def _gather_call(table, idx_flat):
    rows = idx_flat.shape[0]
    mesh = plsc.VectorSubcoreMesh(core_axis_name="c", subcore_axis_name="s")
    f = functools.partial(
        pl.kernel,
        mesh=mesh,
        out_type=jax.ShapeDtypeStruct((rows, DROW), jnp.float32),
        scratch_types=[
            pltpu.VMEM((GCHUNK,), jnp.int32),
            pltpu.VMEM((GCHUNK, DROW), jnp.float32),
            pltpu.SemaphoreType.DMA,
        ],
    )(_gather_body)
    return f(table, idx_flat)


def _mlp_body(g_ref, kf_ref, kp_ref, pw1_ref, pb1_ref, pw2_ref, pb2_ref,
              aw1_ref, ab1_ref, aw2_ref, ab2_ref, out_ref):
    g = g_ref[...].reshape(K * NB, DROW)
    gfeat = g[:, :256]
    gpos = g[:, 256:256 + DPAD]
    kf = kf_ref[...]
    kp = kp_ref[...]
    kfb = (jnp.broadcast_to(kf[None], (K, NB, 256)) - gfeat.reshape(K, NB, 256)
           ).reshape(K * NB, 256)
    kpb = (jnp.broadcast_to(kp[None], (K, NB, DPAD)) - gpos.reshape(K, NB, DPAD)
           ).reshape(K * NB, DPAD)

    h = jnp.maximum(
        jnp.dot(kpb, pw1_ref[...], preferred_element_type=jnp.float32)
        + pb1_ref[...], 0.0)
    pe = jnp.dot(h, pw2_ref[...], preferred_element_type=jnp.float32) + pb2_ref[...]

    x = (kfb + pe).astype(jnp.bfloat16)
    a = jnp.maximum(
        jnp.dot(x, aw1_ref[...],
                preferred_element_type=jnp.float32).astype(jnp.bfloat16)
        + ab1_ref[...], jnp.bfloat16(0.0))
    logits = (jnp.dot(a, aw2_ref[...], preferred_element_type=jnp.float32)
              + ab2_ref[...])

    l3 = logits.reshape(K, NB, 256)
    v3 = (gfeat + pe).reshape(K, NB, 256)
    m = l3[0]
    for k in range(1, K):
        m = jnp.maximum(m, l3[k])
    num = jnp.zeros((NB, 256), jnp.float32)
    den = jnp.zeros((NB, 256), jnp.float32)
    for k in range(K):
        e = jnp.exp(l3[k] - m)
        num = num + e * v3[k]
        den = den + e
    out_ref[...] = num / den


def _mlp_call(g, kfeat, kpos, pw1, pb1, pw2, pb2, aw1, ab1, aw2, ab2, b, n):
    nblk = n // NB
    grid = (b, nblk)
    gv = g.reshape(b * K, n, DROW)
    return pl.pallas_call(
        _mlp_body,
        grid=grid,
        in_specs=[
            pl.BlockSpec((K, NB, DROW), lambda i, j: (i, j, 0)),
            pl.BlockSpec((NB, 256), lambda i, j: (i * nblk + j, 0)),
            pl.BlockSpec((NB, DPAD), lambda i, j: (i * nblk + j, 0)),
            pl.BlockSpec((DPAD, 64), lambda i, j: (0, 0)),
            pl.BlockSpec((1, 64), lambda i, j: (0, 0)),
            pl.BlockSpec((64, 256), lambda i, j: (0, 0)),
            pl.BlockSpec((1, 256), lambda i, j: (0, 0)),
            pl.BlockSpec((256, 1024), lambda i, j: (0, 0)),
            pl.BlockSpec((1, 1024), lambda i, j: (0, 0)),
            pl.BlockSpec((1024, 256), lambda i, j: (0, 0)),
            pl.BlockSpec((1, 256), lambda i, j: (0, 0)),
        ],
        out_specs=pl.BlockSpec((NB, 256), lambda i, j: (i * nblk + j, 0)),
        out_shape=jax.ShapeDtypeStruct((b * n, 256), jnp.float32),
    )(gv, kfeat, kpos, pw1, pb1, pw2, pb2, aw1, ab1, aw2, ab2)


def kernel(pcd, feat, pcd_feadb, feat_feadb,
           pos_w1, pos_b1, pos_g1, pos_beta1, pos_w2, pos_b2,
           attn_w1, attn_b1, attn_g1, attn_beta1, attn_w2, attn_b2):
    b, _, n = pcd.shape
    nf = pcd_feadb.shape[2]
    nt = n + nf

    fusion_pcd = jnp.concatenate((pcd, pcd_feadb), axis=2)
    fusion_feat = jnp.concatenate((feat, feat_feadb), axis=2)

    qpos3 = jnp.pad(jnp.transpose(pcd, (0, 2, 1)), ((0, 0), (0, 0), (0, 5)))
    fpos = jnp.pad(fusion_pcd, ((0, 0), (0, 5), (0, 0)))

    feat_t = jnp.transpose(fusion_feat, (0, 2, 1)).reshape(b * nt, 256)
    pos_t = jnp.pad(jnp.transpose(fusion_pcd, (0, 2, 1)),
                    ((0, 0), (0, 0), (0, 128 - 3))).reshape(b * nt, 128)
    table = jnp.concatenate((feat_t, pos_t), axis=1)

    ps = pos_g1 / jnp.sqrt(1.0 + EPS)
    pw1 = jnp.pad(pos_w1, ((0, 0), (0, DPAD - 3))).T * ps[None, :]
    pb1 = (pos_b1 * ps + pos_beta1)[None, :]
    pw2 = pos_w2.T
    pb2 = pos_b2[None, :]
    as_ = attn_g1 / jnp.sqrt(1.0 + EPS)
    aw1 = (attn_w1.T * as_[None, :]).astype(jnp.bfloat16)
    ab1 = (attn_b1 * as_ + attn_beta1)[None, :].astype(jnp.bfloat16)
    aw2 = attn_w2.T.astype(jnp.bfloat16)
    ab2 = attn_b2[None, :]

    kfeat3 = jnp.transpose(feat, (0, 2, 1))
    kpos3 = jnp.pad(jnp.transpose(pcd, (0, 2, 1)),
                    ((0, 0), (0, 0), (0, DPAD - 3)))

    nch = n // NCHUNK
    boff = (jnp.arange(b, dtype=jnp.int32) * nt)[:, None, None]
    outs = []
    for c in range(NCHUNK):
        sl = slice(c * nch, (c + 1) * nch)
        qpos_c = qpos3[:, sl].reshape(b * nch, 8)
        idx = _knn_call(qpos_c, fpos, b, nch, nt)
        idx3 = idx.reshape(b, nch, K) + boff
        idx_flat = jnp.transpose(idx3, (0, 2, 1)).reshape(b * K * nch)
        g = _gather_call(table, idx_flat)
        kfeat_c = kfeat3[:, sl].reshape(b * nch, 256)
        kpos_c = kpos3[:, sl].reshape(b * nch, DPAD)
        out_c = _mlp_call(g, kfeat_c, kpos_c, pw1, pb1, pw2, pb2,
                          aw1, ab1, aw2, ab2, b, nch)
        outs.append(out_c.reshape(b, nch, 256))
    out = jnp.concatenate(outs, axis=1)
    return jnp.transpose(out, (0, 2, 1))

# --- scband reference (transcript-rebuilt; emitter-appended) ---
"""Pipeline reference for scband-cross-transformer-16836271801134 (READ-ONLY COPY).

The authoritative reference and input builder live on the scoring server;
editing this copy changes nothing except your own understanding.
"""

import jax, jax.numpy as jnp
import numpy as np

N_KNN = 16
EPS = 1e-5

def conv1x1(x, W, b):
    # x: [B, Cin, N, K], W: [Cout, Cin], b: [Cout]
    return jnp.einsum('oc,bcnk->bonk', W, x) + b[None, :, None, None]

def bn_eval(x, gamma, beta):
    # eval-mode BatchNorm2d with running_mean=0, running_var=1
    return x * (gamma / jnp.sqrt(1.0 + EPS))[None, :, None, None] + beta[None, :, None, None]

def query_knn(k, pos_all, pos_query):
    # pos_all: [B, Nt, 3], pos_query: [B, N, 3] -> idx [B, N, k]
    d = (jnp.sum(pos_query ** 2, axis=-1, keepdims=True)
         - 2.0 * jnp.einsum('bnd,bmd->bnm', pos_query, pos_all)
         + jnp.sum(pos_all ** 2, axis=-1)[:, None, :])
    _, idx = jax.lax.top_k(-d, k)
    return jax.lax.stop_gradient(idx)

def grouping_operation(f, idx):
    # f: [B, C, Nt], idx: [B, N, K] -> [B, C, N, K]
    B, C, Nt = f.shape
    _, N, K = idx.shape
    idxf = jnp.broadcast_to(idx.reshape(B, 1, N * K), (B, C, N * K))
    return jnp.take_along_axis(f, idxf, axis=2).reshape(B, C, N, K)

def setup_inputs(seed: int = 0) -> dict:
    key = jax.random.key(seed)
    ks = jax.random.split(key, 16)
    B, N, Nf, C = 2, 2048, 2048, 256
    pos_hidden = 64
    attn_hidden = 256 * 4
    inp = {}
    inp['pcd'] = jax.random.normal(ks[0], (B, 3, N), dtype=jnp.float32)
    inp['feat'] = jax.random.normal(ks[1], (B, C, N), dtype=jnp.float32)
    inp['pcd_feadb'] = jax.random.normal(ks[2], (B, 3, Nf), dtype=jnp.float32)
    inp['feat_feadb'] = jax.random.normal(ks[3], (B, C, Nf), dtype=jnp.float32)
    # pos_mlp params: Conv2d(3,64,1) -> BN(64) -> ReLU -> Conv2d(64,256,1)
    inp['pos_w1'] = jax.random.normal(ks[4], (pos_hidden, 3), dtype=jnp.float32) * 0.1
    inp['pos_b1'] = jnp.zeros((pos_hidden,), dtype=jnp.float32)
    inp['pos_g1'] = jnp.ones((pos_hidden,), dtype=jnp.float32)
    inp['pos_beta1'] = jnp.zeros((pos_hidden,), dtype=jnp.float32)
    inp['pos_w2'] = jax.random.normal(ks[5], (C, pos_hidden), dtype=jnp.float32) * 0.1
    inp['pos_b2'] = jnp.zeros((C,), dtype=jnp.float32)
    # attn_mlp params: Conv2d(256,1024,1) -> BN(1024) -> ReLU -> Conv2d(1024,256,1)
    inp['attn_w1'] = jax.random.normal(ks[6], (attn_hidden, C), dtype=jnp.float32) * 0.05
    inp['attn_b1'] = jnp.zeros((attn_hidden,), dtype=jnp.float32)
    inp['attn_g1'] = jnp.ones((attn_hidden,), dtype=jnp.float32)
    inp['attn_beta1'] = jnp.zeros((attn_hidden,), dtype=jnp.float32)
    inp['attn_w2'] = jax.random.normal(ks[7], (C, attn_hidden), dtype=jnp.float32) * 0.05
    inp['attn_b2'] = jnp.zeros((C,), dtype=jnp.float32)
    return inp

def reference(pcd, feat, pcd_feadb, feat_feadb,
              pos_w1, pos_b1, pos_g1, pos_beta1, pos_w2, pos_b2,
              attn_w1, attn_b1, attn_g1, attn_beta1, attn_w2, attn_b2):
    b, _, num_point = pcd.shape
    fusion_pcd = jnp.concatenate((pcd, pcd_feadb), axis=2)
    fusion_feat = jnp.concatenate((feat, feat_feadb), axis=2)
    key_point = pcd
    key_feat = feat
    idx = query_knn(N_KNN, jnp.transpose(fusion_pcd, (0, 2, 1)), jnp.transpose(key_point, (0, 2, 1)))
    group_point = grouping_operation(fusion_pcd, idx)
    group_feat = grouping_operation(fusion_feat, idx)
    qk_rel = key_feat.reshape((b, -1, num_point, 1)) - group_feat
    pos_rel = key_point.reshape((b, -1, num_point, 1)) - group_point
    h = conv1x1(pos_rel, pos_w1, pos_b1)
    h = jax.nn.relu(bn_eval(h, pos_g1, pos_beta1))
    pos_embedding = conv1x1(h, pos_w2, pos_b2)
    a = conv1x1(qk_rel + pos_embedding, attn_w1, attn_b1)
    a = jax.nn.relu(bn_eval(a, attn_g1, attn_beta1))
    sample_weight = conv1x1(a, attn_w2, attn_b2)
    sample_weight = jax.nn.softmax(sample_weight, axis=-1)
    group_feat = group_feat + pos_embedding
    refined_feat = jnp.einsum('bcij,bcij->bci', sample_weight, group_feat)
    return refined_feat

if __name__ == "__main__":
    import jax
    _d = setup_inputs()
    print(jax.jit(kernel)(*tuple(_d.values())))

</pallas_src>

<mosaic_0001>
#map = affine_map<(d0, d1) -> (0, 0)>
#map1 = affine_map<(d0, d1) -> (0)>
module attributes {stable_mosaic.version = 14 : i64} {
  func.func @_gather_body(%arg0: i32, %arg1: i32, %arg2: memref<8192x384xf32, #tpu.memory_space<hbm>>, %arg3: memref<32768xi32, #tpu.memory_space<hbm>>, %arg4: memref<32768x384xf32, #tpu.memory_space<hbm>>, %arg5: memref<256xi32, #tpu.memory_space<vmem>>, %arg6: memref<256x384xf32, #tpu.memory_space<vmem>>, %arg7: memref<!tpu.dma_semaphore, #tpu.memory_space<semaphore_mem>>) attributes {dimension_semantics = [#tpu.dimension_semantics<core_parallel>, #tpu.dimension_semantics<subcore_parallel>], iteration_bounds = array<i64: 2, 16>, scalar_prefetch = 0 : i64, scratch_operands = 3 : i64, tpu.core_type = #tpu.core_type<sc_vector_subcore>, window_params = [{transform_indices = #map}, {transform_indices = #map1}, {transform_indices = #map}]} {
    %mul3A = arith.constant 2 : i32
    %mul3A_0 = arith.muli %arg1, %mul3A : i32
    %add3A = arith.addi %mul3A_0, %arg0 : i32
    %mul3A_1 = arith.constant 1024 : i32
    %mul3A_2 = arith.muli %add3A, %mul3A_1 : i32
    %scan3A = arith.constant 0 : i32
    %scan3A_3 = arith.constant 0 : i32
    %scan3A_4 = arith.constant 4 : i32
    %scan3A_5 = arith.addi %scan3A_3, %scan3A_4 : i32
    %scan3A_6 = arith.constant 1 : i32
    scf.for %scan3A_8 = %scan3A_3 to %scan3A_5 step %scan3A_6  : i32 {
      %mul3A_9 = arith.constant 256 : i32
      %mul3A_10 = arith.muli %scan3A_8, %mul3A_9 : i32
      %add3A_11 = arith.addi %mul3A_2, %mul3A_10 : i32
      "tpu.region"() ({
        %run_scoped3A = tpu.sem_alloc : memref<!tpu.dma_semaphore, #tpu.memory_space<semaphore_mem>>
        %dma_start3A_16 = tpu.memref_slice %arg3[%add3A_11] : memref<32768xi32, #tpu.memory_space<hbm>> -> memref<256xi32, #tpu.memory_space<hbm>>
        %dma_start3A_17 = tpu.memref_slice %arg3[%add3A_11] : memref<32768xi32, #tpu.memory_space<hbm>> -> memref<256xi32, #tpu.memory_space<hbm>>
        tpu.enqueue_dma source(%dma_start3A_17 : memref<256xi32, #tpu.memory_space<hbm>>) target(%arg5 : memref<256xi32, #tpu.memory_space<vmem>>) target_semaphore(%run_scoped3A : memref<!tpu.dma_semaphore, #tpu.memory_space<semaphore_mem>>)
        %dma_wait3A_18 = tpu.memref_slice %arg3[%add3A_11] : memref<32768xi32, #tpu.memory_space<hbm>> -> memref<256xi32, #tpu.memory_space<hbm>>
        %dma_wait3A_19 = tpu.memref_slice %arg3[%add3A_11] : memref<32768xi32, #tpu.memory_space<hbm>> -> memref<256xi32, #tpu.memory_space<hbm>>
        tpu.wait_dma2 semaphore(%run_scoped3A : memref<!tpu.dma_semaphore, #tpu.memory_space<semaphore_mem>>) src(%dma_wait3A_19 : memref<256xi32, #tpu.memory_space<hbm>>) dst(%arg5 : memref<256xi32, #tpu.memory_space<vmem>>)
        tpu.yield
      }) : () -> ()
      %dma_start3A = arith.constant 0 : i32
      %dma_start3A_12 = arith.constant 0 : i32
      %dma_start3A_13 = tpu.memref_slice %arg2[%dma_start3A, %dma_start3A_12] : memref<8192x384xf32, #tpu.memory_space<hbm>> -> memref<8192x384xf32, #tpu.memory_space<hbm>>
      tpu.enqueue_indirect_dma source(%dma_start3A_13 : memref<8192x384xf32, #tpu.memory_space<hbm>>) target(%arg6 : memref<256x384xf32, #tpu.memory_space<vmem>>) offsets(%arg5 : memref<256xi32, #tpu.memory_space<vmem>>) semaphore(%arg7 : memref<!tpu.dma_semaphore, #tpu.memory_space<semaphore_mem>>)
      %dma_wait3A = arith.constant 0 : i32
      %dma_wait3A_14 = arith.constant 0 : i32
      %dma_wait3A_15 = tpu.memref_slice %arg2[%dma_wait3A, %dma_wait3A_14] : memref<8192x384xf32, #tpu.memory_space<hbm>> -> memref<8192x384xf32, #tpu.memory_space<hbm>>
      tpu.wait_indirect_dma semaphore(%arg7 : memref<!tpu.dma_semaphore, #tpu.memory_space<semaphore_mem>>) src(%dma_wait3A_15 : memref<8192x384xf32, #tpu.memory_space<hbm>>) dst(%arg6 : memref<256x384xf32, #tpu.memory_space<vmem>>)
      "tpu.region"() ({
        %run_scoped3A = tpu.sem_alloc : memref<!tpu.dma_semaphore, #tpu.memory_space<semaphore_mem>>
        %dma_start3A_16 = arith.constant 0 : i32
        %dma_start3A_17 = tpu.memref_slice %arg4[%add3A_11, %dma_start3A_16] : memref<32768x384xf32, #tpu.memory_space<hbm>> -> memref<256x384xf32, #tpu.memory_space<hbm>>
        %dma_start3A_18 = arith.constant 0 : i32
        %dma_start3A_19 = tpu.memref_slice %arg4[%add3A_11, %dma_start3A_18] : memref<32768x384xf32, #tpu.memory_space<hbm>> -> memref<256x384xf32, #tpu.memory_space<hbm>>
        tpu.enqueue_dma source(%arg6 : memref<256x384xf32, #tpu.memory_space<vmem>>) target(%dma_start3A_19 : memref<256x384xf32, #tpu.memory_space<hbm>>) target_semaphore(%run_scoped3A : memref<!tpu.dma_semaphore, #tpu.memory_space<semaphore_mem>>)
        %dma_wait3A_20 = arith.constant 0 : i32
        %dma_wait3A_21 = tpu.memref_slice %arg4[%add3A_11, %dma_wait3A_20] : memref<32768x384xf32, #tpu.memory_space<hbm>> -> memref<256x384xf32, #tpu.memory_space<hbm>>
        %dma_wait3A_22 = arith.constant 0 : i32
        %dma_wait3A_23 = tpu.memref_slice %arg4[%add3A_11, %dma_wait3A_22] : memref<32768x384xf32, #tpu.memory_space<hbm>> -> memref<256x384xf32, #tpu.memory_space<hbm>>
        tpu.wait_dma2 semaphore(%run_scoped3A : memref<!tpu.dma_semaphore, #tpu.memory_space<semaphore_mem>>) src(%arg6 : memref<256x384xf32, #tpu.memory_space<vmem>>) dst(%dma_wait3A_23 : memref<256x384xf32, #tpu.memory_space<hbm>>)
        tpu.yield
      }) : () -> ()
    }
    %scan3A_7 = arith.constant 4 : i32
    return
  }
}

#map = affine_map<(d0, d1) -> (0, 0)>
#map1 = affine_map<(d0, d1) -> (0)>
module attributes {stable_mosaic.version = 14 : i64} {
  func.func @_gather_body(%arg0: i32, %arg1: i32, %arg2: memref<8192x384xf32, #tpu.memory_space<hbm>>, %arg3: memref<32768xi32, #tpu.memory_space<hbm>>, %arg4: memref<32768x384xf32, #tpu.memory_space<hbm>>, %arg5: memref<256xi32, #tpu.memory_space<vmem>>, %arg6: memref<256x384xf32, #tpu.memory_space<vmem>>, %arg7: memref<!tpu.dma_semaphore, #tpu.memory_space<semaphore_mem>>) attributes {dimension_semantics = [#tpu.dimension_semantics<core_parallel>, #tpu.dimension_semantics<subcore_parallel>], iteration_bounds = array<i64: 2, 16>, scalar_prefetch = 0 : i64, scratch_operands = 3 : i64, tpu.core_type = #tpu.core_type<sc_vector_subcore>, window_params = [{transform_indices = #map}, {transform_indices = #map1}, {transform_indices = #map}]} {
    %mul3A = arith.constant 2 : i32
    %mul3A_0 = arith.muli %arg1, %mul3A : i32
    %add3A = arith.addi %mul3A_0, %arg0 : i32
    %mul3A_1 = arith.constant 1024 : i32
    %mul3A_2 = arith.muli %add3A, %mul3A_1 : i32
    %scan3A = arith.constant 0 : i32
    %scan3A_3 = arith.constant 0 : i32
    %scan3A_4 = arith.constant 4 : i32
    %scan3A_5 = arith.addi %scan3A_3, %scan3A_4 : i32
    %scan3A_6 = arith.constant 1 : i32
    scf.for %scan3A_8 = %scan3A_3 to %scan3A_5 step %scan3A_6  : i32 {
      %mul3A_9 = arith.constant 256 : i32
      %mul3A_10 = arith.muli %scan3A_8, %mul3A_9 : i32
      %add3A_11 = arith.addi %mul3A_2, %mul3A_10 : i32
      "tpu.region"() ({
        %run_scoped3A = tpu.sem_alloc : memref<!tpu.dma_semaphore, #tpu.memory_space<semaphore_mem>>
        %dma_start3A_16 = tpu.memref_slice %arg3[%add3A_11] : memref<32768xi32, #tpu.memory_space<hbm>> -> memref<256xi32, #tpu.memory_space<hbm>>
        %dma_start3A_17 = tpu.memref_slice %arg3[%add3A_11] : memref<32768xi32, #tpu.memory_space<hbm>> -> memref<256xi32, #tpu.memory_space<hbm>>
        tpu.enqueue_dma source(%dma_start3A_17 : memref<256xi32, #tpu.memory_space<hbm>>) target(%arg5 : memref<256xi32, #tpu.memory_space<vmem>>) target_semaphore(%run_scoped3A : memref<!tpu.dma_semaphore, #tpu.memory_space<semaphore_mem>>)
        %dma_wait3A_18 = tpu.memref_slice %arg3[%add3A_11] : memref<32768xi32, #tpu.memory_space<hbm>> -> memref<256xi32, #tpu.memory_space<hbm>>
        %dma_wait3A_19 = tpu.memref_slice %arg3[%add3A_11] : memref<32768xi32, #tpu.memory_space<hbm>> -> memref<256xi32, #tpu.memory_space<hbm>>
        tpu.wait_dma2 semaphore(%run_scoped3A : memref<!tpu.dma_semaphore, #tpu.memory_space<semaphore_mem>>) src(%dma_wait3A_19 : memref<256xi32, #tpu.memory_space<hbm>>) dst(%arg5 : memref<256xi32, #tpu.memory_space<vmem>>)
        tpu.yield
      }) : () -> ()
      %dma_start3A = arith.constant 0 : i32
      %dma_start3A_12 = arith.constant 0 : i32
      %dma_start3A_13 = tpu.memref_slice %arg2[%dma_start3A, %dma_start3A_12] : memref<8192x384xf32, #tpu.memory_space<hbm>> -> memref<8192x384xf32, #tpu.memory_space<hbm>>
      tpu.enqueue_indirect_dma source(%dma_start3A_13 : memref<8192x384xf32, #tpu.memory_space<hbm>>) target(%arg6 : memref<256x384xf32, #tpu.memory_space<vmem>>) offsets(%arg5 : memref<256xi32, #tpu.memory_space<vmem>>) semaphore(%arg7 : memref<!tpu.dma_semaphore, #tpu.memory_space<semaphore_mem>>)
      %dma_wait3A = arith.constant 0 : i32
      %dma_wait3A_14 = arith.constant 0 : i32
      %dma_wait3A_15 = tpu.memref_slice %arg2[%dma_wait3A, %dma_wait3A_14] : memref<8192x384xf32, #tpu.memory_space<hbm>> -> memref<8192x384xf32, #tpu.memory_space<hbm>>
      tpu.wait_indirect_dma semaphore(%arg7 : memref<!tpu.dma_semaphore, #tpu.memory_space<semaphore_mem>>) src(%dma_wait3A_15 : memref<8192x384xf32, #tpu.memory_space<hbm>>) dst(%arg6 : memref<256x384xf32, #tpu.memory_space<vmem>>)
      "tpu.region"() ({
        %run_scoped3A = tpu.sem_alloc : memref<!tpu.dma_semaphore, #tpu.memory_space<semaphore_mem>>
        %dma_start3A_16 = arith.constant 0 : i32
        %dma_start3A_17 = tpu.memref_slice %arg4[%add3A_11, %dma_start3A_16] : memref<32768x384xf32, #tpu.memory_space<hbm>> -> memref<256x384xf32, #tpu.memory_space<hbm>>
        %dma_start3A_18 = arith.constant 0 : i32
        %dma_start3A_19 = tpu.memref_slice %arg4[%add3A_11, %dma_start3A_18] : memref<32768x384xf32, #tpu.memory_space<hbm>> -> memref<256x384xf32, #tpu.memory_space<hbm>>
        tpu.enqueue_dma source(%arg6 : memref<256x384xf32, #tpu.memory_space<vmem>>) target(%dma_start3A_19 : memref<256x384xf32, #tpu.memory_space<hbm>>) target_semaphore(%run_scoped3A : memref<!tpu.dma_semaphore, #tpu.memory_space<semaphore_mem>>)
        %dma_wait3A_20 = arith.constant 0 : i32
        %dma_wait3A_21 = tpu.memref_slice %arg4[%add3A_11, %dma_wait3A_20] : memref<32768x384xf32, #tpu.memory_space<hbm>> -> memref<256x384xf32, #tpu.memory_space<hbm>>
        %dma_wait3A_22 = arith.constant 0 : i32
        %dma_wait3A_23 = tpu.memref_slice %arg4[%add3A_11, %dma_wait3A_22] : memref<32768x384xf32, #tpu.memory_space<hbm>> -> memref<256x384xf32, #tpu.memory_space<hbm>>
        tpu.wait_dma2 semaphore(%run_scoped3A : memref<!tpu.dma_semaphore, #tpu.memory_space<semaphore_mem>>) src(%arg6 : memref<256x384xf32, #tpu.memory_space<vmem>>) dst(%dma_wait3A_23 : memref<256x384xf32, #tpu.memory_space<hbm>>)
        tpu.yield
      }) : () -> ()
    }
    %scan3A_7 = arith.constant 4 : i32
    return
  }
}

module attributes {stable_mosaic.version = 14 : i64} {
  func.func @_knn_body(%arg0: i32, %arg1: i32, %arg2: memref<256x8xf32, #tpu.memory_space<vmem>>, %arg3: memref<1x8x4096xf32, #tpu.memory_space<vmem>>, %arg4: memref<256x16xi32, #tpu.memory_space<vmem>>) attributes {dimension_semantics = [#tpu.dimension_semantics<arbitrary>, #tpu.dimension_semantics<arbitrary>], iteration_bounds = array<i64: 2, 4>, scalar_prefetch = 0 : i64, scratch_operands = 0 : i64, tpu.core_type = #tpu.core_type<tc>, window_params = [{transform_indices = @transform_0, window_bounds = array<i64: 256, 8>}, {transform_indices = @transform_1, window_bounds = array<i64: 1, 8, 4096>}, {transform_indices = @transform_2, window_bounds = array<i64: 256, 16>}]} {
    %get3A = arith.constant 0 : index
    %get3A_0 = arith.constant 0 : index
    %get3A_1 = vector.load %arg2[%get3A, %get3A_0] : memref<256x8xf32, #tpu.memory_space<vmem>>, vector<256x8xf32>
    %get3A_2 = arith.constant 0 : index
    %get3A_3 = arith.constant 0 : index
    %get3A_4 = arith.constant 0 : index
    %get3A_5 = vector.load %arg3[%get3A_2, %get3A_3, %get3A_4] : memref<1x8x4096xf32, #tpu.memory_space<vmem>>, vector<1x8x4096xf32>
    %get3A_6 = vector.shape_cast %get3A_5 : vector<1x8x4096xf32> to vector<8x4096xf32>
    %mul3A = arith.mulf %get3A_6, %get3A_6 : vector<8x4096xf32>
    %reduce_sum3A = arith.constant dense<0.000000e+00> : vector<4096xf32>
    %reduce_sum3A_7 = vector.multi_reduction <add>, %mul3A, %reduce_sum3A [0] : vector<8x4096xf32> to vector<4096xf32>
    %broadcast_in_dim3A = vector.shape_cast %reduce_sum3A_7 : vector<4096xf32> to vector<1x4096xf32>
    %dot_general3A = arith.constant dense<0.000000e+00> : vector<256x4096xf32>
    %dot_general3A_8 = tpu.matmul %get3A_1, %get3A_6, %dot_general3A {dimension_numbers = #tpu.dot_dimension_numbers<[1], [0], [0], [1], [0, 0, 1, 1], [], []>, transpose_lhs_hint = false} : vector<256x8xf32>, vector<8x4096xf32>, vector<256x4096xf32> -> vector<256x4096xf32>
    %mul3A_9 = arith.constant 2.000000e+00 : f32
    %mul3A_10 = vector.broadcast %mul3A_9 : f32 to vector<256x4096xf32>
    %mul3A_11 = arith.mulf %mul3A_10, %dot_general3A_8 : vector<256x4096xf32>
    %sub3A = vector.broadcast %broadcast_in_dim3A : vector<1x4096xf32> to vector<256x4096xf32>
    %sub3A_12 = arith.subf %sub3A, %mul3A_11 : vector<256x4096xf32>
    %iota3A = tpu.iota {dimensions = array<i32: 1>} : vector<256x256xi32>
    %slice3A = vector.extract_strided_slice %sub3A_12 {offsets = [0, 0], sizes = [256, 256], strides = [1, 1]} : vector<256x4096xf32> to vector<256x256xf32>
    %slice3A_13 = vector.extract_strided_slice %sub3A_12 {offsets = [0, 256], sizes = [256, 256], strides = [1, 1]} : vector<256x4096xf32> to vector<256x256xf32>
    %slice3A_14 = vector.extract_strided_slice %sub3A_12 {offsets = [0, 512], sizes = [256, 256], strides = [1, 1]} : vector<256x4096xf32> to vector<256x256xf32>
    %slice3A_15 = vector.extract_strided_slice %sub3A_12 {offsets = [0, 768], sizes = [256, 256], strides = [1, 1]} : vector<256x4096xf32> to vector<256x256xf32>
    %slice3A_16 = vector.extract_strided_slice %sub3A_12 {offsets = [0, 1024], sizes = [256, 256], strides = [1, 1]} : vector<256x4096xf32> to vector<256x256xf32>
    %slice3A_17 = vector.extract_strided_slice %sub3A_12 {offsets = [0, 1280], sizes = [256, 256], strides = [1, 1]} : vector<256x4096xf32> to vector<256x256xf32>
    %slice3A_18 = vector.extract_strided_slice %sub3A_12 {offsets = [0, 1536], sizes = [256, 256], strides = [1, 1]} : vector<256x4096xf32> to vector<256x256xf32>
    %slice3A_19 = vector.extract_strided_slice %sub3A_12 {offsets = [0, 1792], sizes = [256, 256], strides = [1, 1]} : vector<256x4096xf32> to vector<256x256xf32>
    %slice3A_20 = vector.extract_strided_slice %sub3A_12 {offsets = [0, 2048], sizes = [256, 256], strides = [1, 1]} : vector<256x4096xf32> to vector<256x256xf32>
    %slice3A_21 = vector.extract_strided_slice %sub3A_12 {offsets = [0, 2304], sizes = [256, 256], strides = [1, 1]} : vector<256x4096xf32> to vector<256x256xf32>
    %slice3A_22 = vector.extract_strided_slice %sub3A_12 {offsets = [0, 2560], sizes = [256, 256], strides = [1, 1]} : vector<256x4096xf32> to vector<256x256xf32>
    %slice3A_23 = vector.extract_strided_slice %sub3A_12 {offsets = [0, 2816], sizes = [256, 256], strides = [1, 1]} : vector<256x4096xf32> to vector<256x256xf32>
    %slice3A_24 = vector.extract_strided_slice %sub3A_12 {offsets = [0, 3072], sizes = [256, 256], strides = [1, 1]} : vector<256x4096xf32> to vector<256x256xf32>
    %slice3A_25 = vector.extract_strided_slice %sub3A_12 {offsets = [0, 3328], sizes = [256, 256], strides = [1, 1]} : vector<256x4096xf32> to vector<256x256xf32>
    %slice3A_26 = vector.extract_strided_slice %sub3A_12 {offsets = [0, 3584], sizes = [256, 256], strides = [1, 1]} : vector<256x4096xf32> to vector<256x256xf32>
    %slice3A_27 = vector.extract_strided_slice %sub3A_12 {offsets = [0, 3840], sizes = [256, 256], strides = [1, 1]} : vector<256x4096xf32> to vector<256x256xf32>
    %add3A = arith.constant 0 : i32
    %add3A_28 = vector.broadcast %add3A : i32 to vector<256x256xi32>
    %add3A_29 = arith.addi %iota3A, %add3A_28 : vector<256x256xi32>
    %add3A_30 = arith.constant 256 : i32
    %add3A_31 = vector.broadcast %add3A_30 : i32 to vector<256x256xi32>
    %add3A_32 = arith.addi %iota3A, %add3A_31 : vector<256x256xi32>
    %add3A_33 = arith.constant 512 : i32
    %add3A_34 = vector.broadcast %add3A_33 : i32 to vector<256x256xi32>
    %add3A_35 = arith.addi %iota3A, %add3A_34 : vector<256x256xi32>
    %add3A_36 = arith.constant 768 : i32
    %add3A_37 = vector.broadcast %add3A_36 : i32 to vector<256x256xi32>
    %add3A_38 = arith.addi %iota3A, %add3A_37 : vector<256x256xi32>
    %add3A_39 = arith.constant 1024 : i32
    %add3A_40 = vector.broadcast %add3A_39 : i32 to vector<256x256xi32>
    %add3A_41 = arith.addi %iota3A, %add3A_40 : vector<256x256xi32>
    %add3A_42 = arith.constant 1280 : i32
    %add3A_43 = vector.broadcast %add3A_42 : i32 to vector<256x256xi32>
    %add3A_44 = arith.addi %iota3A, %add3A_43 : vector<256x256xi32>
    %add3A_45 = arith.constant 1536 : i32
    %add3A_46 = vector.broadcast %add3A_45 : i32 to vector<256x256xi32>
    %add3A_47 = arith.addi %iota3A, %add3A_46 : vector<256x256xi32>
    %add3A_48 = arith.constant 1792 : i32
    %add3A_49 = vector.broadcast %add3A_48 : i32 to vector<256x256xi32>
    %add3A_50 = arith.addi %iota3A, %add3A_49 : vector<256x256xi32>
    %add3A_51 = arith.constant 2048 : i32
    %add3A_52 = vector.broadcast %add3A_51 : i32 to vector<256x256xi32>
    %add3A_53 = arith.addi %iota3A, %add3A_52 : vector<256x256xi32>
    %add3A_54 = arith.constant 2304 : i32
    %add3A_55 = vector.broadcast %add3A_54 : i32 to vector<256x256xi32>
    %add3A_56 = arith.addi %iota3A, %add3A_55 : vector<256x256xi32>
    %add3A_57 = arith.constant 2560 : i32
    %add3A_58 = vector.broadcast %add3A_57 : i32 to vector<256x256xi32>
    %add3A_59 = arith.addi %iota3A, %add3A_58 : vector<256x256xi32>
    %add3A_60 = arith.constant 2816 : i32
    %add3A_61 = vector.broadcast %add3A_60 : i32 to vector<256x256xi32>
    %add3A_62 = arith.addi %iota3A, %add3A_61 : vector<256x256xi32>
    %add3A_63 = arith.constant 3072 : i32
    %add3A_64 = vector.broadcast %add3A_63 : i32 to vector<256x256xi32>
    %add3A_65 = arith.addi %iota3A, %add3A_64 : vector<256x256xi32>
    %add3A_66 = arith.constant 3328 : i32
    %add3A_67 = vector.broadcast %add3A_66 : i32 to vector<256x256xi32>
    %add3A_68 = arith.addi %iota3A, %add3A_67 : vector<256x256xi32>
    %add3A_69 = arith.constant 3584 : i32
    %add3A_70 = vector.broadcast %add3A_69 : i32 to vector<256x256xi32>
    %add3A_71 = arith.addi %iota3A, %add3A_70 : vector<256x256xi32>
    %add3A_72 = arith.constant 3840 : i32
    %add3A_73 = vector.broadcast %add3A_72 : i32 to vector<256x256xi32>
    %add3A_74 = arith.addi %iota3A, %add3A_73 : vector<256x256xi32>
    %le3A = arith.cmpf ole, %slice3A, %slice3A_13 : vector<256x256xf32>
    %select_n3A = arith.select %le3A, %slice3A, %slice3A_13 : vector<256x256xi1>, vector<256x256xf32>
    %select_n3A_75 = arith.select %le3A, %slice3A_13, %slice3A : vector<256x256xi1>, vector<256x256xf32>
    %select_n3A_76 = arith.select %le3A, %add3A_29, %add3A_32 : vector<256x256xi1>, vector<256x256xi32>
    %select_n3A_77 = arith.select %le3A, %add3A_32, %add3A_29 : vector<256x256xi1>, vector<256x256xi32>
    %le3A_78 = arith.cmpf ole, %slice3A_15, %slice3A_14 : vector<256x256xf32>
    %select_n3A_79 = arith.select %le3A_78, %slice3A_15, %slice3A_14 : vector<256x256xi1>, vector<256x256xf32>
    %select_n3A_80 = arith.select %le3A_78, %slice3A_14, %slice3A_15 : vector<256x256xi1>, vector<256x256xf32>
    %select_n3A_81 = arith.select %le3A_78, %add3A_38, %add3A_35 : vector<256x256xi1>, vector<256x256xi32>
    %select_n3A_82 = arith.select %le3A_78, %add3A_35, %add3A_38 : vector<256x256xi1>, vector<256x256xi32>
    %le3A_83 = arith.cmpf ole, %slice3A_16, %slice3A_17 : vector<256x256xf32>
    %select_n3A_84 = arith.select %le3A_83, %slice3A_16, %slice3A_17 : vector<256x256xi1>, vector<256x256xf32>
    %select_n3A_85 = arith.select %le3A_83, %slice3A_17, %slice3A_16 : vector<256x256xi1>, vector<256x256xf32>
    %select_n3A_86 = arith.select %le3A_83, %add3A_41, %add3A_44 : vector<256x256xi1>, vector<256x256xi32>
    %select_n3A_87 = arith.select %le3A_83, %add3A_44, %add3A_41 : vector<256x256xi1>, vector<256x256xi32>
    %le3A_88 = arith.cmpf ole, %slice3A_19, %slice3A_18 : vector<256x256xf32>
    %select_n3A_89 = arith.select %le3A_88, %slice3A_19, %slice3A_18 : vector<256x256xi1>, vector<256x256xf32>
    %select_n3A_90 = arith.select %le3A_88, %slice3A_18, %slice3A_19 : vector<256x256xi1>, vector<256x256xf32>
    %select_n3A_91 = arith.select %le3A_88, %add3A_50, %add3A_47 : vector<256x256xi1>, vector<256x256xi32>
    %select_n3A_92 = arith.select %le3A_88, %add3A_47, %add3A_50 : vector<256x256xi1>, vector<256x256xi32>
    %le3A_93 = arith.cmpf ole, %slice3A_20, %slice3A_21 : vector<256x256xf32>
    %select_n3A_94 = arith.select %le3A_93, %slice3A_20, %slice3A_21 : vector<256x256xi1>, vector<256x256xf32>
    %select_n3A_95 = arith.select %le3A_93, %slice3A_21, %slice3A_20 : vector<256x256xi1>, vector<256x256xf32>
    %select_n3A_96 = arith.select %le3A_93, %add3A_53, %add3A_56 : vector<256x256xi1>, vector<256x256xi32>
    %select_n3A_97 = arith.select %le3A_93, %add3A_56, %add3A_53 : vector<256x256xi1>, vector<256x256xi32>
    %le3A_98 = arith.cmpf ole, %slice3A_23, %slice3A_22 : vector<256x256xf32>
    %select_n3A_99 = arith.select %le3A_98, %slice3A_23, %slice3A_22 : vector<256x256xi1>, vector<256x256xf32>
    %select_n3A_100 = arith.select %le3A_98, %slice3A_22, %slice3A_23 : vector<256x256xi1>, vector<256x256xf32>
    %select_n3A_101 = arith.select %le3A_98, %add3A_62, %add3A_59 : vector<256x256xi1>, vector<256x256xi32>
    %select_n3A_102 = arith.select %le3A_98, %add3A_59, %add3A_62 : vector<256x256xi1>, vector<256x256xi32>
    %le3A_103 = arith.cmpf ole, %slice3A_24, %slice3A_25 : vector<256x256xf32>
    %select_n3A_104 = arith.select %le3A_103, %slice3A_24, %slice3A_25 : vector<256x256xi1>, vector<256x256xf32>
    %select_n3A_105 = arith.select %le3A_103, %slice3A_25, %slice3A_24 : vector<256x256xi1>, vector<256x256xf32>
    %select_n3A_106 = arith.select %le3A_103, %add3A_65, %add3A_68 : vector<256x256xi1>, vector<256x256xi32>
    %select_n3A_107 = arith.select %le3A_103, %add3A_68, %add3A_65 : vector<256x256xi1>, vector<256x256xi32>
    %le3A_108 = arith.cmpf ole, %slice3A_27, %slice3A_26 : vector<256x256xf32>
    %select_n3A_109 = arith.select %le3A_108, %slice3A_27, %slice3A_26 : vector<256x256xi1>, vector<256x256xf32>
    %select_n3A_110 = arith.select %le3A_108, %slice3A_26, %slice3A_27 : vector<256x256xi1>, vector<256x256xf32>
    %select_n3A_111 = arith.select %le3A_108, %add3A_74, %add3A_71 : vector<256x256xi1>, vector<256x256xi32>
    %select_n3A_112 = arith.select %le3A_108, %add3A_71, %add3A_74 : vector<256x256xi1>, vector<256x256xi32>
    %le3A_113 = arith.cmpf ole, %select_n3A, %select_n3A_80 : vector<256x256xf32>
    %select_n3A_114 = arith.select %le3A_113, %select_n3A, %select_n3A_80 : vector<256x256xi1>, vector<256x256xf32>
    %select_n3A_115 = arith.select %le3A_113, %select_n3A_80, %select_n3A : vector<256x256xi1>, vector<256x256xf32>
    %select_n3A_116 = arith.select %le3A_113, %select_n3A_76, %select_n3A_82 : vector<256x256xi1>, vector<256x256xi32>
    %select_n3A_117 = arith.select %le3A_113, %select_n3A_82, %select_n3A_76 : vector<256x256xi1>, vector<256x256xi32>
    %le3A_118 = arith.cmpf ole, %select_n3A_75, %select_n3A_79 : vector<256x256xf32>
    %select_n3A_119 = arith.select %le3A_118, %select_n3A_75, %select_n3A_79 : vector<256x256xi1>, vector<256x256xf32>
    %select_n3A_120 = arith.select %le3A_118, %select_n3A_79, %select_n3A_75 : vector<256x256xi1>, vector<256x256xf32>
    %select_n3A_121 = arith.select %le3A_118, %select_n3A_77, %select_n3A_81 : vector<256x256xi1>, vector<256x256xi32>
    %select_n3A_122 = arith.select %le3A_118, %select_n3A_81, %select_n3A_77 : vector<256x256xi1>, vector<256x256xi32>
    %le3A_123 = arith.cmpf ole, %select_n3A_90, %select_n3A_84 : vector<256x256xf32>
    %select_n3A_124 = arith.select %le3A_123, %select_n3A_90, %select_n3A_84 : vector<256x256xi1>, vector<256x256xf32>
    %select_n3A_125 = arith.select %le3A_123, %select_n3A_84, %select_n3A_90 : vector<256x256xi1>, vector<256x256xf32>
    %select_n3A_126 = arith.select %le3A_123, %select_n3A_92, %select_n3A_86 : vector<256x256xi1>, vector<256x256xi32>
    %select_n3A_127 = arith.select %le3A_123, %select_n3A_86, %select_n3A_92 : vector<256x256xi1>, vector<256x256xi32>
    %le3A_128 = arith.cmpf ole, %select_n3A_89, %select_n3A_85 : vector<256x256xf32>
    %select_n3A_129 = arith.select %le3A_128, %select_n3A_89, %select_n3A_85 : vector<256x256xi1>, vector<256x256xf32>
    %select_n3A_130 = arith.select %le3A_128, %select_n3A_85, %select_n3A_89 : vector<256x256xi1>, vector<256x256xf32>
    %select_n3A_131 = arith.select %le3A_128, %select_n3A_91, %select_n3A_87 : vector<256x256xi1>, vector<256x256xi32>
    %select_n3A_132 = arith.select %le3A_128, %select_n3A_87, %select_n3A_91 : vector<256x256xi1>, vector<256x256xi32>
    %le3A_133 = arith.cmpf ole, %select_n3A_94, %select_n3A_100 : vector<256x256xf32>
    %select_n3A_134 = arith.select %le3A_133, %select_n3A_94, %select_n3A_100 : vector<256x256xi1>, vector<256x256xf32>
    %select_n3A_135 = arith.select %le3A_133, %select_n3A_100, %select_n3A_94 : vector<256x256xi1>, vector<256x256xf32>
    %select_n3A_136 = arith.select %le3A_133, %select_n3A_96, %select_n3A_102 : vector<256x256xi1>, vector<256x256xi32>
    %select_n3A_137 = arith.select %le3A_133, %select_n3A_102, %select_n3A_96 : vector<256x256xi1>, vector<256x256xi32>
    %le3A_138 = arith.cmpf ole, %select_n3A_95, %select_n3A_99 : vector<256x256xf32>
    %select_n3A_139 = arith.select %le3A_138, %select_n3A_95, %select_n3A_99 : vector<256x256xi1>, vector<256x256xf32>
    %select_n3A_140 = arith.select %le3A_138, %select_n3A_99, %select_n3A_95 : vector<256x256xi1>, vector<256x256xf32>
    %select_n3A_141 = arith.select %le3A_138, %select_n3A_97, %select_n3A_101 : vector<256x256xi1>, vector<256x256xi32>
    %select_n3A_142 = arith.select %le3A_138, %select_n3A_101, %select_n3A_97 : vector<256x256xi1>, vector<256x256xi32>
    %le3A_143 = arith.cmpf ole, %select_n3A_110, %select_n3A_104 : vector<256x256xf32>
    %select_n3A_144 = arith.select %le3A_143, %select_n3A_110, %select_n3A_104 : vector<256x256xi1>, vector<256x256xf32>
    %select_n3A_145 = arith.select %le3A_143, %select_n3A_104, %select_n3A_110 : vector<256x256xi1>, vector<256x256xf32>
    %select_n3A_146 = arith.select %le3A_143, %select_n3A_112, %select_n3A_106 : vector<256x256xi1>, vector<256x256xi32>
    %select_n3A_147 = arith.select %le3A_143, %select_n3A_106, %select_n3A_112 : vector<256x256xi1>, vector<256x256xi32>
    %le3A_148 = arith.cmpf ole, %select_n3A_109, %select_n3A_105 : vector<256x256xf32>
    %select_n3A_149 = arith.select %le3A_148, %select_n3A_109, %select_n3A_105 : vector<256x256xi1>, vector<256x256xf32>
    %select_n3A_150 = arith.select %le3A_148, %select_n3A_105, %select_n3A_109 : vector<256x256xi1>, vector<256x256xf32>
    %select_n3A_151 = arith.select %le3A_148, %select_n3A_111, %select_n3A_107 : vector<256x256xi1>, vector<256x256xi32>
    %select_n3A_152 = arith.select %le3A_148, %select_n3A_107, %select_n3A_111 : vector<256x256xi1>, vector<256x256xi32>
    %le3A_153 = arith.cmpf ole, %select_n3A_114, %select_n3A_119 : vector<256x256xf32>
    %select_n3A_154 = arith.select %le3A_153, %select_n3A_114, %select_n3A_119 : vector<256x256xi1>, vector<256x256xf32>
    %select_n3A_155 = arith.select %le3A_153, %select_n3A_119, %select_n3A_114 : vector<256x256xi1>, vector<256x256xf32>
    %select_n3A_156 = arith.select %le3A_153, %select_n3A_116, %select_n3A_121 : vector<256x256xi1>, vector<256x256xi32>
    %select_n3A_157 = arith.select %le3A_153, %select_n3A_121, %select_n3A_116 : vector<256x256xi1>, vector<256x256xi32>
    %le3A_158 = arith.cmpf ole, %select_n3A_115, %select_n3A_120 : vector<256x256xf32>
    %select_n3A_159 = arith.select %le3A_158, %select_n3A_115, %select_n3A_120 : vector<256x256xi1>, vector<256x256xf32>
    %select_n3A_160 = arith.select %le3A_158, %select_n3A_120, %select_n3A_115 : vector<256x256xi1>, vector<256x256xf32>
    %select_n3A_161 = arith.select %le3A_158, %select_n3A_117, %select_n3A_122 : vector<256x256xi1>, vector<256x256xi32>
    %select_n3A_162 = arith.select %le3A_158, %select_n3A_122, %select_n3A_117 : vector<256x256xi1>, vector<256x256xi32>
    %le3A_163 = arith.cmpf ole, %select_n3A_130, %select_n3A_125 : vector<256x256xf32>
    %select_n3A_164 = arith.select %le3A_163, %select_n3A_130, %select_n3A_125 : vector<256x256xi1>, vector<256x256xf32>
    %select_n3A_165 = arith.select %le3A_163, %select_n3A_125, %select_n3A_130 : vector<256x256xi1>, vector<256x256xf32>
    %select_n3A_166 = arith.select %le3A_163, %select_n3A_132, %select_n3A_127 : vector<256x256xi1>, vector<256x256xi32>
    %select_n3A_167 = arith.select %le3A_163, %select_n3A_127, %select_n3A_132 : vector<256x256xi1>, vector<256x256xi32>
    %le3A_168 = arith.cmpf ole, %select_n3A_129, %select_n3A_124 : vector<256x256xf32>
    %select_n3A_169 = arith.select %le3A_168, %select_n3A_129, %select_n3A_124 : vector<256x256xi1>, vector<256x256xf32>
    %select_n3A_170 = arith.select %le3A_168, %select_n3A_124, %select_n3A_129 : vector<256x256xi1>, vector<256x256xf32>
    %select_n3A_171 = arith.select %le3A_168, %select_n3A_131, %select_n3A_126 : vector<256x256xi1>, vector<256x256xi32>
    %select_n3A_172 = arith.select %le3A_168, %select_n3A_126, %select_n3A_131 : vector<256x256xi1>, vector<256x256xi32>
    %le3A_173 = arith.cmpf ole, %select_n3A_134, %select_n3A_139 : vector<256x256xf32>
    %select_n3A_174 = arith.select %le3A_173, %select_n3A_134, %select_n3A_139 : vector<256x256xi1>, vector<256x256xf32>
    %select_n3A_175 = arith.select %le3A_173, %select_n3A_139, %select_n3A_134 : vector<256x256xi1>, vector<256x256xf32>
    %select_n3A_176 = arith.select %le3A_173, %select_n3A_136, %select_n3A_141 : vector<256x256xi1>, vector<256x256xi32>
    %select_n3A_177 = arith.select %le3A_173, %select_n3A_141, %select_n3A_136 : vector<256x256xi1>, vector<256x256xi32>
    %le3A_178 = arith.cmpf ole, %select_n3A_135, %select_n3A_140 : vector<256x256xf32>
    %select_n3A_179 = arith.select %le3A_178, %select_n3A_135, %select_n3A_140 : vector<256x256xi1>, vector<256x256xf32>
    %select_n3A_180 = arith.select %le3A_178, %select_n3A_140, %select_n3A_135 : vector<256x256xi1>, vector<256x256xf32>
    %select_n3A_181 = arith.select %le3A_178, %select_n3A_137, %select_n3A_142 : vector<256x256xi1>, vector<256x256xi32>
    %select_n3A_182 = arith.select %le3A_178, %select_n3A_142, %select_n3A_137 : vector<256x256xi1>, vector<256x256xi32>
    %le3A_183 = arith.cmpf ole, %select_n3A_150, %select_n3A_145 : vector<256x256xf32>
    %select_n3A_184 = arith.select %le3A_183, %select_n3A_150, %select_n3A_145 : vector<256x256xi1>, vector<256x256xf32>
    %select_n3A_185 = arith.select %le3A_183, %select_n3A_145, %select_n3A_150 : vector<256x256xi1>, vector<256x256xf32>
    %select_n3A_186 = arith.select %le3A_183, %select_n3A_152, %select_n3A_147 : vector<256x256xi1>, vector<256x256xi32>
    %select_n3A_187 = arith.select %le3A_183, %select_n3A_147, %select_n3A_152 : vector<256x256xi1>, vector<256x256xi32>
    %le3A_188 = arith.cmpf ole, %select_n3A_149, %select_n3A_144 : vector<256x256xf32>
    %select_n3A_189 = arith.select %le3A_188, %select_n3A_149, %select_n3A_144 : vector<256x256xi1>, vector<256x256xf32>
    %select_n3A_190 = arith.select %le3A_188, %select_n3A_144, %select_n3A_149 : vector<256x256xi1>, vector<256x256xf32>
    %select_n3A_191 = arith.select %le3A_188, %select_n3A_151, %select_n3A_146 : vector<256x256xi1>, vector<256x256xi32>
    %select_n3A_192 = arith.select %le3A_188, %select_n3A_146, %select_n3A_151 : vector<256x256xi1>, vector<256x256xi32>
    %le3A_193 = arith.cmpf ole, %select_n3A_154, %select_n3A_165 : vector<256x256xf32>
    %select_n3A_194 = arith.select %le3A_193, %select_n3A_154, %select_n3A_165 : vector<256x256xi1>, vector<256x256xf32>
    %select_n3A_195 = arith.select %le3A_193, %select_n3A_165, %select_n3A_154 : vector<256x256xi1>, vector<256x256xf32>
    %select_n3A_196 = arith.select %le3A_193, %select_n3A_156, %select_n3A_167 : vector<256x256xi1>, vector<256x256xi32>
    %select_n3A_197 = arith.select %le3A_193, %select_n3A_167, %select_n3A_156 : vector<256x256xi1>, vector<256x256xi32>
    %le3A_198 = arith.cmpf ole, %select_n3A_155, %select_n3A_164 : vector<256x256xf32>
    %select_n3A_199 = arith.select %le3A_198, %select_n3A_155, %select_n3A_164 : vector<256x256xi1>, vector<256x256xf32>
    %select_n3A_200 = arith.select %le3A_198, %select_n3A_164, %select_n3A_155 : vector<256x256xi1>, vector<256x256xf32>
    %select_n3A_201 = arith.select %le3A_198, %select_n3A_157, %select_n3A_166 : vector<256x256xi1>, vector<256x256xi32>
    %select_n3A_202 = arith.select %le3A_198, %select_n3A_166, %select_n3A_157 : vector<256x256xi1>, vector<256x256xi32>
    %le3A_203 = arith.cmpf ole, %select_n3A_159, %select_n3A_170 : vector<256x256xf32>
    %select_n3A_204 = arith.select %le3A_203, %select_n3A_159, %select_n3A_170 : vector<256x256xi1>, vector<256x256xf32>
    %select_n3A_205 = arith.select %le3A_203, %select_n3A_170, %select_n3A_159 : vector<256x256xi1>, vector<256x256xf32>
    %select_n3A_206 = arith.select %le3A_203, %select_n3A_161, %select_n3A_172 : vector<256x256xi1>, vector<256x256xi32>
    %select_n3A_207 = arith.select %le3A_203, %select_n3A_172, %select_n3A_161 : vector<256x256xi1>, vector<256x256xi32>
    %le3A_208 = arith.cmpf ole, %select_n3A_160, %select_n3A_169 : vector<256x256xf32>
    %select_n3A_209 = arith.select %le3A_208, %select_n3A_160, %select_n3A_169 : vector<256x256xi1>, vector<256x256xf32>
    %select_n3A_210 = arith.select %le3A_208, %select_n3A_169, %select_n3A_160 : vector<256x256xi1>, vector<256x256xf32>
    %select_n3A_211 = arith.select %le3A_208, %select_n3A_162, %select_n3A_171 : vector<256x256xi1>, vector<256x256xi32>
    %select_n3A_212 = arith.select %le3A_208, %select_n3A_171, %select_n3A_162 : vector<256x256xi1>, vector<256x256xi32>
    %le3A_213 = arith.cmpf ole, %select_n3A_185, %select_n3A_174 : vector<256x256xf32>
    %select_n3A_214 = arith.select %le3A_213, %select_n3A_185, %select_n3A_174 : vector<256x256xi1>, vector<256x256xf32>
    %select_n3A_215 = arith.select %le3A_213, %select_n3A_174, %select_n3A_185 : vector<256x256xi1>, vector<256x256xf32>
    %select_n3A_216 = arith.select %le3A_213, %select_n3A_187, %select_n3A_176 : vector<256x256xi1>, vector<256x256xi32>
    %select_n3A_217 = arith.select %le3A_213, %select_n3A_176, %select_n3A_187 : vector<256x256xi1>, vector<256x256xi32>
    %le3A_218 = arith.cmpf ole, %select_n3A_184, %select_n3A_175 : vector<256x256xf32>
    %select_n3A_219 = arith.select %le3A_218, %select_n3A_184, %select_n3A_175 : vector<256x256xi1>, vector<256x256xf32>
    %select_n3A_220 = arith.select %le3A_218, %select_n3A_175, %select_n3A_184 : vector<256x256xi1>, vector<256x256xf32>
    %select_n3A_221 = arith.select %le3A_218, %select_n3A_186, %select_n3A_177 : vector<256x256xi1>, vector<256x256xi32>
    %select_n3A_222 = arith.select %le3A_218, %select_n3A_177, %select_n3A_186 : vector<256x256xi1>, vector<256x256xi32>
    %le3A_223 = arith.cmpf ole, %select_n3A_190, %select_n3A_179 : vector<256x256xf32>
    %select_n3A_224 = arith.select %le3A_223, %select_n3A_190, %select_n3A_179 : vector<256x256xi1>, vector<256x256xf32>
    %select_n3A_225 = arith.select %le3A_223, %select_n3A_179, %select_n3A_190 : vector<256x256xi1>, vector<256x256xf32>
    %select_n3A_226 = arith.select %le3A_223, %select_n3A_192, %select_n3A_181 : vector<256x256xi1>, vector<256x256xi32>
    %select_n3A_227 = arith.select %le3A_223, %select_n3A_181, %select_n3A_192 : vector<256x256xi1>, vector<256x256xi32>
    %le3A_228 = arith.cmpf ole, %select_n3A_189, %select_n3A_180 : vector<256x256xf32>
    %select_n3A_229 = arith.select %le3A_228, %select_n3A_189, %select_n3A_180 : vector<256x256xi1>, vector<256x256xf32>
    %select_n3A_230 = arith.select %le3A_228, %select_n3A_180, %select_n3A_189 : vector<256x256xi1>, vector<256x256xf32>
    %select_n3A_231 = arith.select %le3A_228, %select_n3A_191, %select_n3A_182 : vector<256x256xi1>, vector<256x256xi32>
    %select_n3A_232 = arith.select %le3A_228, %select_n3A_182, %select_n3A_191 : vector<256x256xi1>, vector<256x256xi32>
    %le3A_233 = arith.cmpf ole, %select_n3A_194, %select_n3A_204 : vector<256x256xf32>
    %select_n3A_234 = arith.select %le3A_233, %select_n3A_194, %select_n3A_204 : vector<256x256xi1>, vector<256x256xf32>
    %select_n3A_235 = arith.select %le3A_233, %select_n3A_204, %select_n3A_194 : vector<256x256xi1>, vector<256x256xf32>
    %select_n3A_236 = arith.select %le3A_233, %select_n3A_196, %select_n3A_206 : vector<256x256xi1>, vector<256x256xi32>
    %select_n3A_237 = arith.select %le3A_233, %select_n3A_206, %select_n3A_196 : vector<256x256xi1>, vector<256x256xi32>
    %le3A_238 = arith.cmpf ole, %select_n3A_199, %select_n3A_209 : vector<256x256xf32>
    %select_n3A_239 = arith.select %le3A_238, %select_n3A_199, %select_n3A_209 : vector<256x256xi1>, vector<256x256xf32>
    %select_n3A_240 = arith.select %le3A_238, %select_n3A_209, %select_n3A_199 : vector<256x256xi1>, vector<256x256xf32>
    %select_n3A_241 = arith.select %le3A_238, %select_n3A_201, %select_n3A_211 : vector<256x256xi1>, vector<256x256xi32>
    %select_n3A_242 = arith.select %le3A_238, %select_n3A_211, %select_n3A_201 : vector<256x256xi1>, vector<256x256xi32>
    %le3A_243 = arith.cmpf ole, %select_n3A_195, %select_n3A_205 : vector<256x256xf32>
    %select_n3A_244 = arith.select %le3A_243, %select_n3A_195, %select_n3A_205 : vector<256x256xi1>, vector<256x256xf32>
    %select_n3A_245 = arith.select %le3A_243, %select_n3A_205, %select_n3A_195 : vector<256x256xi1>, vector<256x256xf32>
    %select_n3A_246 = arith.select %le3A_243, %select_n3A_197, %select_n3A_207 : vector<256x256xi1>, vector<256x256xi32>
    %select_n3A_247 = arith.select %le3A_243, %select_n3A_207, %select_n3A_197 : vector<256x256xi1>, vector<256x256xi32>
    %le3A_248 = arith.cmpf ole, %select_n3A_200, %select_n3A_210 : vector<256x256xf32>
    %select_n3A_249 = arith.select %le3A_248, %select_n3A_200, %select_n3A_210 : vector<256x256xi1>, vector<256x256xf32>
    %select_n3A_250 = arith.select %le3A_248, %select_n3A_210, %select_n3A_200 : vector<256x256xi1>, vector<256x256xf32>
    %select_n3A_251 = arith.select %le3A_248, %select_n3A_202, %select_n3A_212 : vector<256x256xi1>, vector<256x256xi32>
    %select_n3A_252 = arith.select %le3A_248, %select_n3A_212, %select_n3A_202 : vector<256x256xi1>, vector<256x256xi32>
    %le3A_253 = arith.cmpf ole, %select_n3A_225, %select_n3A_215 : vector<256x256xf32>
    %select_n3A_254 = arith.select %le3A_253, %select_n3A_225, %select_n3A_215 : vector<256x256xi1>, vector<256x256xf32>
    %select_n3A_255 = arith.select %le3A_253, %select_n3A_215, %select_n3A_225 : vector<256x256xi1>, vector<256x256xf32>
    %select_n3A_256 = arith.select %le3A_253, %select_n3A_227, %select_n3A_217 : vector<256x256xi1>, vector<256x256xi32>
    %select_n3A_257 = arith.select %le3A_253, %select_n3A_217, %select_n3A_227 : vector<256x256xi1>, vector<256x256xi32>
    %le3A_258 = arith.cmpf ole, %select_n3A_230, %select_n3A_220 : vector<256x256xf32>
    %select_n3A_259 = arith.select %le3A_258, %select_n3A_230, %select_n3A_220 : vector<256x256xi1>, vector<256x256xf32>
    %select_n3A_260 = arith.select %le3A_258, %select_n3A_220, %select_n3A_230 : vector<256x256xi1>, vector<256x256xf32>
    %select_n3A_261 = arith.select %le3A_258, %select_n3A_232, %select_n3A_222 : vector<256x256xi1>, vector<256x256xi32>
    %select_n3A_262 = arith.select %le3A_258, %select_n3A_222, %select_n3A_232 : vector<256x256xi1>, vector<256x256xi32>
    %le3A_263 = arith.cmpf ole, %select_n3A_224, %select_n3A_214 : vector<256x256xf32>
    %select_n3A_264 = arith.select %le3A_263, %select_n3A_224, %select_n3A_214 : vector<256x256xi1>, vector<256x256xf32>
    %select_n3A_265 = arith.select %le3A_263, %select_n3A_214, %select_n3A_224 : vector<256x256xi1>, vector<256x256xf32>
    %select_n3A_266 = arith.select %le3A_263, %select_n3A_226, %select_n3A_216 : vector<256x256xi1>, vector<256x256xi32>
    %select_n3A_267 = arith.select %le3A_263, %select_n3A_216, %select_n3A_226 : vector<256x256xi1>, vector<256x256xi32>
    %le3A_268 = arith.cmpf ole, %select_n3A_229, %select_n3A_219 : vector<256x256xf32>
    %select_n3A_269 = arith.select %le3A_268, %select_n3A_229, %select_n3A_219 : vector<256x256xi1>, vector<256x256xf32>
    %select_n3A_270 = arith.select %le3A_268, %select_n3A_219, %select_n3A_229 : vector<256x256xi1>, vector<256x256xf32>
    %select_n3A_271 = arith.select %le3A_268, %select_n3A_231, %select_n3A_221 : vector<256x256xi1>, vector<256x256xi32>
    %select_n3A_272 = arith.select %le3A_268, %select_n3A_221, %select_n3A_231 : vector<256x256xi1>, vector<256x256xi32>
    %le3A_273 = arith.cmpf ole, %select_n3A_234, %select_n3A_239 : vector<256x256xf32>
    %select_n3A_274 = arith.select %le3A_273, %select_n3A_234, %select_n3A_239 : vector<256x256xi1>, vector<256x256xf32>
    %select_n3A_275 = arith.select %le3A_273, %select_n3A_239, %select_n3A_234 : vector<256x256xi1>, vector<256x256xf32>
    %select_n3A_276 = arith.select %le3A_273, %select_n3A_236, %select_n3A_241 : vector<256x256xi1>, vector<256x256xi32>
    %select_n3A_277 = arith.select %le3A_273, %select_n3A_241, %select_n3A_236 : vector<256x256xi1>, vector<256x256xi32>
    %le3A_278 = arith.cmpf ole, %select_n3A_235, %select_n3A_240 : vector<256x256xf32>
    %select_n3A_279 = arith.select %le3A_278, %select_n3A_235, %select_n3A_240 : vector<256x256xi1>, vector<256x256xf32>
    %select_n3A_280 = arith.select %le3A_278, %select_n3A_240, %select_n3A_235 : vector<256x256xi1>, vector<256x256xf32>
    %select_n3A_281 = arith.select %le3A_278, %select_n3A_237, %select_n3A_242 : vector<256x256xi1>, vector<256x256xi32>
    %select_n3A_282 = arith.select %le3A_278, %select_n3A_242, %select_n3A_237 : vector<256x256xi1>, vector<256x256xi32>
    %le3A_283 = arith.cmpf ole, %select_n3A_244, %select_n3A_249 : vector<256x256xf32>
    %select_n3A_284 = arith.select %le3A_283, %select_n3A_244, %select_n3A_249 : vector<256x256xi1>, vector<256x256xf32>
    %select_n3A_285 = arith.select %le3A_283, %select_n3A_249, %select_n3A_244 : vector<256x256xi1>, vector<256x256xf32>
    %select_n3A_286 = arith.select %le3A_283, %select_n3A_246, %select_n3A_251 : vector<256x256xi1>, vector<256x256xi32>
    %select_n3A_287 = arith.select %le3A_283, %select_n3A_251, %select_n3A_246 : vector<256x256xi1>, vector<256x256xi32>
    %le3A_288 = arith.cmpf ole, %select_n3A_245, %select_n3A_250 : vector<256x256xf32>
    %select_n3A_289 = arith.select %le3A_288, %select_n3A_245, %select_n3A_250 : vector<256x256xi1>, vector<256x256xf32>
    %select_n3A_290 = arith.select %le3A_288, %select_n3A_250, %select_n3A_245 : vector<256x256xi1>, vector<256x256xf32>
    %select_n3A_291 = arith.select %le3A_288, %select_n3A_247, %select_n3A_252 : vector<256x256xi1>, vector<256x256xi32>
    %select_n3A_292 = arith.select %le3A_288, %select_n3A_252, %select_n3A_247 : vector<256x256xi1>, vector<256x256xi32>
    %le3A_293 = arith.cmpf ole, %select_n3A_260, %select_n3A_255 : vector<256x256xf32>
    %select_n3A_294 = arith.select %le3A_293, %select_n3A_260, %select_n3A_255 : vector<256x256xi1>, vector<256x256xf32>
    %select_n3A_295 = arith.select %le3A_293, %select_n3A_255, %select_n3A_260 : vector<256x256xi1>, vector<256x256xf32>
    %select_n3A_296 = arith.select %le3A_293, %select_n3A_262, %select_n3A_257 : vector<256x256xi1>, vector<256x256xi32>
    %select_n3A_297 = arith.select %le3A_293, %select_n3A_257, %select_n3A_262 : vector<256x256xi1>, vector<256x256xi32>
    %le3A_298 = arith.cmpf ole, %select_n3A_259, %select_n3A_254 : vector<256x256xf32>
    %select_n3A_299 = arith.select %le3A_298, %select_n3A_259, %select_n3A_254 : vector<256x256xi1>, vector<256x256xf32>
    %select_n3A_300 = arith.select %le3A_298, %select_n3A_254, %select_n3A_259 : vector<256x256xi1>, vector<256x256xf32>
    %select_n3A_301 = arith.select %le3A_298, %select_n3A_261, %select_n3A_256 : vector<256x256xi1>, vector<256x256xi32>
    %select_n3A_302 = arith.select %le3A_298, %select_n3A_256, %select_n3A_261 : vector<256x256xi1>, vector<256x256xi32>
    %le3A_303 = arith.cmpf ole, %select_n3A_270, %select_n3A_265 : vector<256x256xf32>
    %select_n3A_304 = arith.select %le3A_303, %select_n3A_270, %select_n3A_265 : vector<256x256xi1>, vector<256x256xf32>
    %select_n3A_305 = arith.select %le3A_303, %select_n3A_265, %select_n3A_270 : vector<256x256xi1>, vector<256x256xf32>
    %select_n3A_306 = arith.select %le3A_303, %select_n3A_272, %select_n3A_267 : vector<256x256xi1>, vector<256x256xi32>
    %select_n3A_307 = arith.select %le3A_303, %select_n3A_267, %select_n3A_272 : vector<256x256xi1>, vector<256x256xi32>
    %le3A_308 = arith.cmpf ole, %select_n3A_269, %select_n3A_264 : vector<256x256xf32>
    %select_n3A_309 = arith.select %le3A_308, %select_n3A_269, %select_n3A_264 : vector<256x256xi1>, vector<256x256xf32>
    %select_n3A_310 = arith.select %le3A_308, %select_n3A_264, %select_n3A_269 : vector<256x256xi1>, vector<256x256xf32>
    %select_n3A_311 = arith.select %le3A_308, %select_n3A_271, %select_n3A_266 : vector<256x256xi1>, vector<256x256xi32>
    %select_n3A_312 = arith.select %le3A_308, %select_n3A_266, %select_n3A_271 : vector<256x256xi1>, vector<256x256xi32>
    %le3A_313 = arith.cmpf ole, %select_n3A_274, %select_n3A_295 : vector<256x256xf32>
    %select_n3A_314 = arith.select %le3A_313, %select_n3A_274, %select_n3A_295 : vector<256x256xi1>, vector<256x256xf32>
    %select_n3A_315 = arith.select %le3A_313, %select_n3A_295, %select_n3A_274 : vector<256x256xi1>, vector<256x256xf32>
    %select_n3A_316 = arith.select %le3A_313, %select_n3A_276, %select_n3A_297 : vector<256x256xi1>, vector<256x256xi32>
    %select_n3A_317 = arith.select %le3A_313, %select_n3A_297, %select_n3A_276 : vector<256x256xi1>, vector<256x256xi32>
    %le3A_318 = arith.cmpf ole, %select_n3A_275, %select_n3A_294 : vector<256x256xf32>
    %select_n3A_319 = arith.select %le3A_318, %select_n3A_275, %select_n3A_294 : vector<256x256xi1>, vector<256x256xf32>
    %select_n3A_320 = arith.select %le3A_318, %select_n3A_294, %select_n3A_275 : vector<256x256xi1>, vector<256x256xf32>
    %select_n3A_321 = arith.select %le3A_318, %select_n3A_277, %select_n3A_296 : vector<256x256xi1>, vector<256x256xi32>
    %select_n3A_322 = arith.select %le3A_318, %select_n3A_296, %select_n3A_277 : vector<256x256xi1>, vector<256x256xi32>
    %le3A_323 = arith.cmpf ole, %select_n3A_279, %select_n3A_300 : vector<256x256xf32>
    %select_n3A_324 = arith.select %le3A_323, %select_n3A_279, %select_n3A_300 : vector<256x256xi1>, vector<256x256xf32>
    %select_n3A_325 = arith.select %le3A_323, %select_n3A_300, %select_n3A_279 : vector<256x256xi1>, vector<256x256xf32>
    %select_n3A_326 = arith.select %le3A_323, %select_n3A_281, %select_n3A_302 : vector<256x256xi1>, vector<256x256xi32>
    %select_n3A_327 = arith.select %le3A_323, %select_n3A_302, %select_n3A_281 : vector<256x256xi1>, vector<256x256xi32>
    %le3A_328 = arith.cmpf ole, %select_n3A_280, %select_n3A_299 : vector<256x256xf32>
    %select_n3A_329 = arith.select %le3A_328, %select_n3A_280, %select_n3A_299 : vector<256x256xi1>, vector<256x256xf32>
    %select_n3A_330 = arith.select %le3A_328, %select_n3A_299, %select_n3A_280 : vector<256x256xi1>, vector<256x256xf32>
    %select_n3A_331 = arith.select %le3A_328, %select_n3A_282, %select_n3A_301 : vector<256x256xi1>, vector<256x256xi32>
    %select_n3A_332 = arith.select %le3A_328, %select_n3A_301, %select_n3A_282 : vector<256x256xi1>, vector<256x256xi32>
    %le3A_333 = arith.cmpf ole, %select_n3A_284, %select_n3A_305 : vector<256x256xf32>
    %select_n3A_334 = arith.select %le3A_333, %select_n3A_284, %select_n3A_305 : vector<256x256xi1>, vector<256x256xf32>
    %select_n3A_335 = arith.select %le3A_333, %select_n3A_305, %select_n3A_284 : vector<256x256xi1>, vector<256x256xf32>
    %select_n3A_336 = arith.select %le3A_333, %select_n3A_286, %select_n3A_307 : vector<256x256xi1>, vector<256x256xi32>
    %select_n3A_337 = arith.select %le3A_333, %select_n3A_307, %select_n3A_286 : vector<256x256xi1>, vector<256x256xi32>
    %le3A_338 = arith.cmpf ole, %select_n3A_285, %select_n3A_304 : vector<256x256xf32>
    %select_n3A_339 = arith.select %le3A_338, %select_n3A_285, %select_n3A_304 : vector<256x256xi1>, vector<256x256xf32>
    %select_n3A_340 = arith.select %le3A_338, %select_n3A_304, %select_n3A_285 : vector<256x256xi1>, vector<256x256xf32>
    %select_n3A_341 = arith.select %le3A_338, %select_n3A_287, %select_n3A_306 : vector<256x256xi1>, vector<256x256xi32>
    %select_n3A_342 = arith.select %le3A_338, %select_n3A_306, %select_n3A_287 : vector<256x256xi1>, vector<256x256xi32>
    %le3A_343 = arith.cmpf ole, %select_n3A_289, %select_n3A_310 : vector<256x256xf32>
    %select_n3A_344 = arith.select %le3A_343, %select_n3A_289, %select_n3A_310 : vector<256x256xi1>, vector<256x256xf32>
    %select_n3A_345 = arith.select %le3A_343, %select_n3A_310, %select_n3A_289 : vector<256x256xi1>, vector<256x256xf32>
    %select_n3A_346 = arith.select %le3A_343, %select_n3A_291, %select_n3A_312 : vector<256x256xi1>, vector<256x256xi32>
    %select_n3A_347 = arith.select %le3A_343, %select_n3A_312, %select_n3A_291 : vector<256x256xi1>, vector<256x256xi32>
    %le3A_348 = arith.cmpf ole, %select_n3A_290, %select_n3A_309 : vector<256x256xf32>
    %select_n3A_349 = arith.select %le3A_348, %select_n3A_290, %select_n3A_309 : vector<256x256xi1>, vector<256x256xf32>
    %select_n3A_350 = arith.select %le3A_348, %select_n3A_309, %select_n3A_290 : vector<256x256xi1>, vector<256x256xf32>
    %select_n3A_351 = arith.select %le3A_348, %select_n3A_292, %select_n3A_311 : vector<256x256xi1>, vector<256x256xi32>
    %select_n3A_352 = arith.select %le3A_348, %select_n3A_311, %select_n3A_292 : vector<256x256xi1>, vector<256x256xi32>
    %le3A_353 = arith.cmpf ole, %select_n3A_314, %select_n3A_334 : vector<256x256xf32>
    %select_n3A_354 = arith.select %le3A_353, %select_n3A_314, %select_n3A_334 : vector<256x256xi1>, vector<256x256xf32>
    %select_n3A_355 = arith.select %le3A_353, %select_n3A_334, %select_n3A_314 : vector<256x256xi1>, vector<256x256xf32>
    %select_n3A_356 = arith.select %le3A_353, %select_n3A_316, %select_n3A_336 : vector<256x256xi1>, vector<256x256xi32>
    %select_n3A_357 = arith.select %le3A_353, %select_n3A_336, %select_n3A_316 : vector<256x256xi1>, vector<256x256xi32>
    %le3A_358 = arith.cmpf ole, %select_n3A_319, %select_n3A_339 : vector<256x256xf32>
    %select_n3A_359 = arith.select %le3A_358, %select_n3A_319, %select_n3A_339 : vector<256x256xi1>, vector<256x256xf32>
    %select_n3A_360 = arith.select %le3A_358, %select_n3A_339, %select_n3A_319 : vector<256x256xi1>, vector<256x256xf32>
    %select_n3A_361 = arith.select %le3A_358, %select_n3A_321, %select_n3A_341 : vector<256x256xi1>, vector<256x256xi32>
    %select_n3A_362 = arith.select %le3A_358, %select_n3A_341, %select_n3A_321 : vector<256x256xi1>, vector<256x256xi32>
    %le3A_363 = arith.cmpf ole, %select_n3A_324, %select_n3A_344 : vector<256x256xf32>
    %select_n3A_364 = arith.select %le3A_363, %select_n3A_324, %select_n3A_344 : vector<256x256xi1>, vector<256x256xf32>
    %select_n3A_365 = arith.select %le3A_363, %select_n3A_344, %select_n3A_324 : vector<256x256xi1>, vector<256x256xf32>
    %select_n3A_366 = arith.select %le3A_363, %select_n3A_326, %select_n3A_346 : vector<256x256xi1>, vector<256x256xi32>
    %select_n3A_367 = arith.select %le3A_363, %select_n3A_346, %select_n3A_326 : vector<256x256xi1>, vector<256x256xi32>
    %le3A_368 = arith.cmpf ole, %select_n3A_329, %select_n3A_349 : vector<256x256xf32>
    %select_n3A_369 = arith.select %le3A_368, %select_n3A_329, %select_n3A_349 : vector<256x256xi1>, vector<256x256xf32>
    %select_n3A_370 = arith.select %le3A_368, %select_n3A_349, %select_n3A_329 : vector<256x256xi1>, vector<256x256xf32>
    %select_n3A_371 = arith.select %le3A_368, %select_n3A_331, %select_n3A_351 : vector<256x256xi1>, vector<256x256xi32>
    %select_n3A_372 = arith.select %le3A_368, %select_n3A_351, %select_n3A_331 : vector<256x256xi1>, vector<256x256xi32>
    %le3A_373 = arith.cmpf ole, %select_n3A_315, %select_n3A_335 : vector<256x256xf32>
    %select_n3A_374 = arith.select %le3A_373, %select_n3A_315, %select_n3A_335 : vector<256x256xi1>, vector<256x256xf32>
    %select_n3A_375 = arith.select %le3A_373, %select_n3A_335, %select_n3A_315 : vector<256x256xi1>, vector<256x256xf32>
    %select_n3A_376 = arith.select %le3A_373, %select_n3A_317, %select_n3A_337 : vector<256x256xi1>, vector<256x256xi32>
    %select_n3A_377 = arith.select %le3A_373, %select_n3A_337, %select_n3A_317 : vector<256x256xi1>, vector<256x256xi32>
    %le3A_378 = arith.cmpf ole, %select_n3A_320, %select_n3A_340 : vector<256x256xf32>
    %select_n3A_379 = arith.select %le3A_378, %select_n3A_320, %select_n3A_340 : vector<256x256xi1>, vector<256x256xf32>
    %select_n3A_380 = arith.select %le3A_378, %select_n3A_340, %select_n3A_320 : vector<256x256xi1>, vector<256x256xf32>
    %select_n3A_381 = arith.select %le3A_378, %select_n3A_322, %select_n3A_342 : vector<256x256xi1>, vector<256x256xi32>
    %select_n3A_382 = arith.select %le3A_378, %select_n3A_342, %select_n3A_322 : vector<256x256xi1>, vector<256x256xi32>
    %le3A_383 = arith.cmpf ole, %select_n3A_325, %select_n3A_345 : vector<256x256xf32>
    %select_n3A_384 = arith.select %le3A_383, %select_n3A_325, %select_n3A_345 : vector<256x256xi1>, vector<256x256xf32>
    %select_n3A_385 = arith.select %le3A_383, %select_n3A_345, %select_n3A_325 : vector<256x256xi1>, vector<256x256xf32>
    %select_n3A_386 = arith.select %le3A_383, %select_n3A_327, %select_n3A_347 : vector<256x256xi1>, vector<256x256xi32>
    %select_n3A_387 = arith.select %le3A_383, %select_n3A_347, %select_n3A_327 : vector<256x256xi1>, vector<256x256xi32>
    %le3A_388 = arith.cmpf ole, %select_n3A_330, %select_n3A_350 : vector<256x256xf32>
    %select_n3A_389 = arith.select %le3A_388, %select_n3A_330, %select_n3A_350 : vector<256x256xi1>, vector<256x256xf32>
    %select_n3A_390 = arith.select %le3A_388, %select_n3A_350, %select_n3A_330 : vector<256x256xi1>, vector<256x256xf32>
    %select_n3A_391 = arith.select %le3A_388, %select_n3A_332, %select_n3A_352 : vector<256x256xi1>, vector<256x256xi32>
    %select_n3A_392 = arith.select %le3A_388, %select_n3A_352, %select_n3A_332 : vector<256x256xi1>, vector<256x256xi32>
    %le3A_393 = arith.cmpf ole, %select_n3A_354, %select_n3A_364 : vector<256x256xf32>
    %select_n3A_394 = arith.select %le3A_393, %select_n3A_354, %select_n3A_364 : vector<256x256xi1>, vector<256x256xf32>
    %select_n3A_395 = arith.select %le3A_393, %select_n3A_364, %select_n3A_354 : vector<256x256xi1>, vector<256x256xf32>
    %select_n3A_396 = arith.select %le3A_393, %select_n3A_356, %select_n3A_366 : vector<256x256xi1>, vector<256x256xi32>
    %select_n3A_397 = arith.select %le3A_393, %select_n3A_366, %select_n3A_356 : vector<256x256xi1>, vector<256x256xi32>
    %le3A_398 = arith.cmpf ole, %select_n3A_359, %select_n3A_369 : vector<256x256xf32>
    %select_n3A_399 = arith.select %le3A_398, %select_n3A_359, %select_n3A_369 : vector<256x256xi1>, vector<256x256xf32>
    %select_n3A_400 = arith.select %le3A_398, %select_n3A_369, %select_n3A_359 : vector<256x256xi1>, vector<256x256xf32>
    %select_n3A_401 = arith.select %le3A_398, %select_n3A_361, %select_n3A_371 : vector<256x256xi1>, vector<256x256xi32>
    %select_n3A_402 = arith.select %le3A_398, %select_n3A_371, %select_n3A_361 : vector<256x256xi1>, vector<256x256xi32>
    %le3A_403 = arith.cmpf ole, %select_n3A_355, %select_n3A_365 : vector<256x256xf32>
    %select_n3A_404 = arith.select %le3A_403, %select_n3A_355, %select_n3A_365 : vector<256x256xi1>, vector<256x256xf32>
    %select_n3A_405 = arith.select %le3A_403, %select_n3A_365, %select_n3A_355 : vector<256x256xi1>, vector<256x256xf32>
    %select_n3A_406 = arith.select %le3A_403, %select_n3A_357, %select_n3A_367 : vector<256x256xi1>, vector<256x256xi32>
    %select_n3A_407 = arith.select %le3A_403, %select_n3A_367, %select_n3A_357 : vector<256x256xi1>, vector<256x256xi32>
    %le3A_408 = arith.cmpf ole, %select_n3A_360, %select_n3A_370 : vector<256x256xf32>
    %select_n3A_409 = arith.select %le3A_408, %select_n3A_360, %select_n3A_370 : vector<256x256xi1>, vector<256x256xf32>
    %select_n3A_410 = arith.select %le3A_408, %select_n3A_370, %select_n3A_360 : vector<256x256xi1>, vector<256x256xf32>
    %select_n3A_411 = arith.select %le3A_408, %select_n3A_362, %select_n3A_372 : vector<256x256xi1>, vector<256x256xi32>
    %select_n3A_412 = arith.select %le3A_408, %select_n3A_372, %select_n3A_362 : vector<256x256xi1>, vector<256x256xi32>
    %le3A_413 = arith.cmpf ole, %select_n3A_374, %select_n3A_384 : vector<256x256xf32>
    %select_n3A_414 = arith.select %le3A_413, %select_n3A_374, %select_n3A_384 : vector<256x256xi1>, vector<256x256xf32>
    %select_n3A_415 = arith.select %le3A_413, %select_n3A_384, %select_n3A_374 : vector<256x256xi1>, vector<256x256xf32>
    %select_n3A_416 = arith.select %le3A_413, %select_n3A_376, %select_n3A_386 : vector<256x256xi1>, vector<256x256xi32>
    %select_n3A_417 = arith.select %le3A_413, %select_n3A_386, %select_n3A_376 : vector<256x256xi1>, vector<256x256xi32>
    %le3A_418 = arith.cmpf ole, %select_n3A_379, %select_n3A_389 : vector<256x256xf32>
    %select_n3A_419 = arith.select %le3A_418, %select_n3A_379, %select_n3A_389 : vector<256x256xi1>, vector<256x256xf32>
    %select_n3A_420 = arith.select %le3A_418, %select_n3A_389, %select_n3A_379 : vector<256x256xi1>, vector<256x256xf32>
    %select_n3A_421 = arith.select %le3A_418, %select_n3A_381, %select_n3A_391 : vector<256x256xi1>, vector<256x256xi32>
    %select_n3A_422 = arith.select %le3A_418, %select_n3A_391, %select_n3A_381 : vector<256x256xi1>, vector<256x256xi32>
    %le3A_423 = arith.cmpf ole, %select_n3A_375, %select_n3A_385 : vector<256x256xf32>
    %select_n3A_424 = arith.select %le3A_423, %select_n3A_375, %select_n3A_385 : vector<256x256xi1>, vector<256x256xf32>
    %select_n3A_425 = arith.select %le3A_423, %select_n3A_385, %select_n3A_375 : vector<256x256xi1>, vector<256x256xf32>
    %select_n3A_426 = arith.select %le3A_423, %select_n3A_377, %select_n3A_387 : vector<256x256xi1>, vector<256x256xi32>
    %select_n3A_427 = arith.select %le3A_423, %select_n3A_387, %select_n3A_377 : vector<256x256xi1>, vector<256x256xi32>
    %le3A_428 = arith.cmpf ole, %select_n3A_380, %select_n3A_390 : vector<256x256xf32>
    %select_n3A_429 = arith.select %le3A_428, %select_n3A_380, %select_n3A_390 : vector<256x256xi1>, vector<256x256xf32>
    %select_n3A_430 = arith.select %le3A_428, %select_n3A_390, %select_n3A_380 : vector<256x256xi1>, vector<256x256xf32>
    %select_n3A_431 = arith.select %le3A_428, %select_n3A_382, %select_n3A_392 : vector<256x256xi1>, vector<256x256xi32>
    %select_n3A_432 = arith.select %le3A_428, %select_n3A_392, %select_n3A_382 : vector<256x256xi1>, vector<256x256xi32>
    %le3A_433 = arith.cmpf ole, %select_n3A_394, %select_n3A_399 : vector<256x256xf32>
    %select_n3A_434 = arith.select %le3A_433, %select_n3A_394, %select_n3A_399 : vector<256x256xi1>, vector<256x256xf32>
    %select_n3A_435 = arith.select %le3A_433, %select_n3A_399, %select_n3A_394 : vector<256x256xi1>, vector<256x256xf32>
    %select_n3A_436 = arith.select %le3A_433, %select_n3A_396, %select_n3A_401 : vector<256x256xi1>, vector<256x256xi32>
    %select_n3A_437 = arith.select %le3A_433, %select_n3A_401, %select_n3A_396 : vector<256x256xi1>, vector<256x256xi32>
    %le3A_438 = arith.cmpf ole, %select_n3A_395, %select_n3A_400 : vector<256x256xf32>
    %select_n3A_439 = arith.select %le3A_438, %select_n3A_395, %select_n3A_400 : vector<256x256xi1>, vector<256x256xf32>
    %select_n3A_440 = arith.select %le3A_438, %select_n3A_400, %select_n3A_395 : vector<256x256xi1>, vector<256x256xf32>
    %select_n3A_441 = arith.select %le3A_438, %select_n3A_397, %select_n3A_402 : vector<256x256xi1>, vector<256x256xi32>
    %select_n3A_442 = arith.select %le3A_438, %select_n3A_402, %select_n3A_397 : vector<256x256xi1>, vector<256x256xi32>
    %le3A_443 = arith.cmpf ole, %select_n3A_404, %select_n3A_409 : vector<256x256xf32>
    %select_n3A_444 = arith.select %le3A_443, %select_n3A_404, %select_n3A_409 : vector<256x256xi1>, vector<256x256xf32>
    %select_n3A_445 = arith.select %le3A_443, %select_n3A_409, %select_n3A_404 : vector<256x256xi1>, vector<256x256xf32>
    %select_n3A_446 = arith.select %le3A_443, %select_n3A_406, %select_n3A_411 : vector<256x256xi1>, vector<256x256xi32>
    %select_n3A_447 = arith.select %le3A_443, %select_n3A_411, %select_n3A_406 : vector<256x256xi1>, vector<256x256xi32>
    %le3A_448 = arith.cmpf ole, %select_n3A_405, %select_n3A_410 : vector<256x256xf32>
    %select_n3A_449 = arith.select %le3A_448, %select_n3A_405, %select_n3A_410 : vector<256x256xi1>, vector<256x256xf32>
    %select_n3A_450 = arith.select %le3A_448, %select_n3A_410, %select_n3A_405 : vector<256x256xi1>, vector<256x256xf32>
    %select_n3A_451 = arith.select %le3A_448, %select_n3A_407, %select_n3A_412 : vector<256x256xi1>, vector<256x256xi32>
    %select_n3A_452 = arith.select %le3A_448, %select_n3A_412, %select_n3A_407 : vector<256x256xi1>, vector<256x256xi32>
    %le3A_453 = arith.cmpf ole, %select_n3A_414, %select_n3A_419 : vector<256x256xf32>
    %select_n3A_454 = arith.select %le3A_453, %select_n3A_414, %select_n3A_419 : vector<256x256xi1>, vector<256x256xf32>
    %select_n3A_455 = arith.select %le3A_453, %select_n3A_419, %select_n3A_414 : vector<256x256xi1>, vector<256x256xf32>
    %select_n3A_456 = arith.select %le3A_453, %select_n3A_416, %select_n3A_421 : vector<256x256xi1>, vector<256x256xi32>
    %select_n3A_457 = arith.select %le3A_453, %select_n3A_421, %select_n3A_416 : vector<256x256xi1>, vector<256x256xi32>
    %le3A_458 = arith.cmpf ole, %select_n3A_415, %select_n3A_420 : vector<256x256xf32>
    %select_n3A_459 = arith.select %le3A_458, %select_n3A_415, %select_n3A_420 : vector<256x256xi1>, vector<256x256xf32>
    %select_n3A_460 = arith.select %le3A_458, %select_n3A_420, %select_n3A_415 : vector<256x256xi1>, vector<256x256xf32>
    %select_n3A_461 = arith.select %le3A_458, %select_n3A_417, %select_n3A_422 : vector<256x256xi1>, vector<256x256xi32>
    %select_n3A_462 = arith.select %le3A_458, %select_n3A_422, %select_n3A_417 : vector<256x256xi1>, vector<256x256xi32>
    %le3A_463 = arith.cmpf ole, %select_n3A_424, %select_n3A_429 : vector<256x256xf32>
    %select_n3A_464 = arith.select %le3A_463, %select_n3A_424, %select_n3A_429 : vector<256x256xi1>, vector<256x256xf32>
    %select_n3A_465 = arith.select %le3A_463, %select_n3A_429, %select_n3A_424 : vector<256x256xi1>, vector<256x256xf32>
    %select_n3A_466 = arith.select %le3A_463, %select_n3A_426, %select_n3A_431 : vector<256x256xi1>, vector<256x256xi32>
    %select_n3A_467 = arith.select %le3A_463, %select_n3A_431, %select_n3A_426 : vector<256x256xi1>, vector<256x256xi32>
    %le3A_468 = arith.cmpf ole, %select_n3A_425, %select_n3A_430 : vector<256x256xf32>
    %select_n3A_469 = arith.select %le3A_468, %select_n3A_425, %select_n3A_430 : vector<256x256xi1>, vector<256x256xf32>
    %select_n3A_470 = arith.select %le3A_468, %select_n3A_430, %select_n3A_425 : vector<256x256xi1>, vector<256x256xf32>
    %select_n3A_471 = arith.select %le3A_468, %select_n3A_427, %select_n3A_432 : vector<256x256xi1>, vector<256x256xi32>
    %select_n3A_472 = arith.select %le3A_468, %select_n3A_432, %select_n3A_427 : vector<256x256xi1>, vector<256x256xi32>
    %slice3A_473 = vector.extract_strided_slice %select_n3A_434 {offsets = [0, 0], sizes = [256, 128], strides = [1, 1]} : vector<256x256xf32> to vector<256x128xf32>
    %slice3A_474 = vector.extract_strided_slice %select_n3A_435 {offsets = [0, 0], sizes = [256, 128], strides = [1, 1]} : vector<256x256xf32> to vector<256x128xf32>
    %slice3A_475 = vector.extract_strided_slice %select_n3A_439 {offsets = [0, 0], sizes = [256, 128], strides = [1, 1]} : vector<256x256xf32> to vector<256x128xf32>
    %slice3A_476 = vector.extract_strided_slice %select_n3A_440 {offsets = [0, 0], sizes = [256, 128], strides = [1, 1]} : vector<256x256xf32> to vector<256x128xf32>
    %slice3A_477 = vector.extract_strided_slice %select_n3A_444 {offsets = [0, 0], sizes = [256, 128], strides = [1, 1]} : vector<256x256xf32> to vector<256x128xf32>
    %slice3A_478 = vector.extract_strided_slice %select_n3A_445 {offsets = [0, 0], sizes = [256, 128], strides = [1, 1]} : vector<256x256xf32> to vector<256x128xf32>
    %slice3A_479 = vector.extract_strided_slice %select_n3A_449 {offsets = [0, 0], sizes = [256, 128], strides = [1, 1]} : vector<256x256xf32> to vector<256x128xf32>
    %slice3A_480 = vector.extract_strided_slice %select_n3A_450 {offsets = [0, 0], sizes = [256, 128], strides = [1, 1]} : vector<256x256xf32> to vector<256x128xf32>
    %slice3A_481 = vector.extract_strided_slice %select_n3A_454 {offsets = [0, 0], sizes = [256, 128], strides = [1, 1]} : vector<256x256xf32> to vector<256x128xf32>
    %slice3A_482 = vector.extract_strided_slice %select_n3A_455 {offsets = [0, 0], sizes = [256, 128], strides = [1, 1]} : vector<256x256xf32> to vector<256x128xf32>
    %slice3A_483 = vector.extract_strided_slice %select_n3A_459 {offsets = [0, 0], sizes = [256, 128], strides = [1, 1]} : vector<256x256xf32> to vector<256x128xf32>
    %slice3A_484 = vector.extract_strided_slice %select_n3A_460 {offsets = [0, 0], sizes = [256, 128], strides = [1, 1]} : vector<256x256xf32> to vector<256x128xf32>
    %slice3A_485 = vector.extract_strided_slice %select_n3A_464 {offsets = [0, 0], sizes = [256, 128], strides = [1, 1]} : vector<256x256xf32> to vector<256x128xf32>
    %slice3A_486 = vector.extract_strided_slice %select_n3A_465 {offsets = [0, 0], sizes = [256, 128], strides = [1, 1]} : vector<256x256xf32> to vector<256x128xf32>
    %slice3A_487 = vector.extract_strided_slice %select_n3A_469 {offsets = [0, 0], sizes = [256, 128], strides = [1, 1]} : vector<256x256xf32> to vector<256x128xf32>
    %slice3A_488 = vector.extract_strided_slice %select_n3A_470 {offsets = [0, 0], sizes = [256, 128], strides = [1, 1]} : vector<256x256xf32> to vector<256x128xf32>
    %slice3A_489 = vector.extract_strided_slice %select_n3A_434 {offsets = [0, 128], sizes = [256, 128], strides = [1, 1]} : vector<256x256xf32> to vector<256x128xf32>
    %slice3A_490 = vector.extract_strided_slice %select_n3A_435 {offsets = [0, 128], sizes = [256, 128], strides = [1, 1]} : vector<256x256xf32> to vector<256x128xf32>
    %slice3A_491 = vector.extract_strided_slice %select_n3A_439 {offsets = [0, 128], sizes = [256, 128], strides = [1, 1]} : vector<256x256xf32> to vector<256x128xf32>
    %slice3A_492 = vector.extract_strided_slice %select_n3A_440 {offsets = [0, 128], sizes = [256, 128], strides = [1, 1]} : vector<256x256xf32> to vector<256x128xf32>
    %slice3A_493 = vector.extract_strided_slice %select_n3A_444 {offsets = [0, 128], sizes = [256, 128], strides = [1, 1]} : vector<256x256xf32> to vector<256x128xf32>
    %slice3A_494 = vector.extract_strided_slice %select_n3A_445 {offsets = [0, 128], sizes = [256, 128], strides = [1, 1]} : vector<256x256xf32> to vector<256x128xf32>
    %slice3A_495 = vector.extract_strided_slice %select_n3A_449 {offsets = [0, 128], sizes = [256, 128], strides = [1, 1]} : vector<256x256xf32> to vector<256x128xf32>
    %slice3A_496 = vector.extract_strided_slice %select_n3A_450 {offsets = [0, 128], sizes = [256, 128], strides = [1, 1]} : vector<256x256xf32> to vector<256x128xf32>
    %slice3A_497 = vector.extract_strided_slice %select_n3A_454 {offsets = [0, 128], sizes = [256, 128], strides = [1, 1]} : vector<256x256xf32> to vector<256x128xf32>
    %slice3A_498 = vector.extract_strided_slice %select_n3A_455 {offsets = [0, 128], sizes = [256, 128], strides = [1, 1]} : vector<256x256xf32> to vector<256x128xf32>
    %slice3A_499 = vector.extract_strided_slice %select_n3A_459 {offsets = [0, 128], sizes = [256, 128], strides = [1, 1]} : vector<256x256xf32> to vector<256x128xf32>
    %slice3A_500 = vector.extract_strided_slice %select_n3A_460 {offsets = [0, 128], sizes = [256, 128], strides = [1, 1]} : vector<256x256xf32> to vector<256x128xf32>
    %slice3A_501 = vector.extract_strided_slice %select_n3A_464 {offsets = [0, 128], sizes = [256, 128], strides = [1, 1]} : vector<256x256xf32> to vector<256x128xf32>
    %slice3A_502 = vector.extract_strided_slice %select_n3A_465 {offsets = [0, 128], sizes = [256, 128], strides = [1, 1]} : vector<256x256xf32> to vector<256x128xf32>
    %slice3A_503 = vector.extract_strided_slice %select_n3A_469 {offsets = [0, 128], sizes = [256, 128], strides = [1, 1]} : vector<256x256xf32> to vector<256x128xf32>
    %slice3A_504 = vector.extract_strided_slice %select_n3A_470 {offsets = [0, 128], sizes = [256, 128], strides = [1, 1]} : vector<256x256xf32> to vector<256x128xf32>
    %slice3A_505 = vector.extract_strided_slice %select_n3A_436 {offsets = [0, 0], sizes = [256, 128], strides = [1, 1]} : vector<256x256xi32> to vector<256x128xi32>
    %slice3A_506 = vector.extract_strided_slice %select_n3A_437 {offsets = [0, 0], sizes = [256, 128], strides = [1, 1]} : vector<256x256xi32> to vector<256x128xi32>
    %slice3A_507 = vector.extract_strided_slice %select_n3A_441 {offsets = [0, 0], sizes = [256, 128], strides = [1, 1]} : vector<256x256xi32> to vector<256x128xi32>
    %slice3A_508 = vector.extract_strided_slice %select_n3A_442 {offsets = [0, 0], sizes = [256, 128], strides = [1, 1]} : vector<256x256xi32> to vector<256x128xi32>
    %slice3A_509 = vector.extract_strided_slice %select_n3A_446 {offsets = [0, 0], sizes = [256, 128], strides = [1, 1]} : vector<256x256xi32> to vector<256x128xi32>
    %slice3A_510 = vector.extract_strided_slice %select_n3A_447 {offsets = [0, 0], sizes = [256, 128], strides = [1, 1]} : vector<256x256xi32> to vector<256x128xi32>
    %slice3A_511 = vector.extract_strided_slice %select_n3A_451 {offsets = [0, 0], sizes = [256, 128], strides = [1, 1]} : vector<256x256xi32> to vector<256x128xi32>
    %slice3A_512 = vector.extract_strided_slice %select_n3A_452 {offsets = [0, 0], sizes = [256, 128], strides = [1, 1]} : vector<256x256xi32> to vector<256x128xi32>
    %slice3A_513 = vector.extract_strided_slice %select_n3A_456 {offsets = [0, 0], sizes = [256, 128], strides = [1, 1]} : vector<256x256xi32> to vector<256x128xi32>
    %slice3A_514 = vector.extract_strided_slice %select_n3A_457 {offsets = [0, 0], sizes = [256, 128], strides = [1, 1]} : vector<256x256xi32> to vector<256x128xi32>
    %slice3A_515 = vector.extract_strided_slice %select_n3A_461 {offsets = [0, 0], sizes = [256, 128], strides = [1, 1]} : vector<256x256xi32> to vector<256x128xi32>
    %slice3A_516 = vector.extract_strided_slice %select_n3A_462 {offsets = [0, 0], sizes = [256, 128], strides = [1, 1]} : vector<256x256xi32> to vector<256x128xi32>
    %slice3A_517 = vector.extract_strided_slice %select_n3A_466 {offsets = [0, 0], sizes = [256, 128], strides = [1, 1]} : vector<256x256xi32> to vector<256x128xi32>
    %slice3A_518 = vector.extract_strided_slice %select_n3A_467 {offsets = [0, 0], sizes = [256, 128], strides = [1, 1]} : vector<256x256xi32> to vector<256x128xi32>
    %slice3A_519 = vector.extract_strided_slice %select_n3A_471 {offsets = [0, 0], sizes = [256, 128], strides = [1, 1]} : vector<256x256xi32> to vector<256x128xi32>
    %slice3A_520 = vector.extract_strided_slice %select_n3A_472 {offsets = [0, 0], sizes = [256, 128], strides = [1, 1]} : vector<256x256xi32> to vector<256x128xi32>
    %slice3A_521 = vector.extract_strided_slice %select_n3A_436 {offsets = [0, 128], sizes = [256, 128], strides = [1, 1]} : vector<256x256xi32> to vector<256x128xi32>
    %slice3A_522 = vector.extract_strided_slice %select_n3A_437 {offsets = [0, 128], sizes = [256, 128], strides = [1, 1]} : vector<256x256xi32> to vector<256x128xi32>
    %slice3A_523 = vector.extract_strided_slice %select_n3A_441 {offsets = [0, 128], sizes = [256, 128], strides = [1, 1]} : vector<256x256xi32> to vector<256x128xi32>
    %slice3A_524 = vector.extract_strided_slice %select_n3A_442 {offsets = [0, 128], sizes = [256, 128], strides = [1, 1]} : vector<256x256xi32> to vector<256x128xi32>
    %slice3A_525 = vector.extract_strided_slice %select_n3A_446 {offsets = [0, 128], sizes = [256, 128], strides = [1, 1]} : vector<256x256xi32> to vector<256x128xi32>
    %slice3A_526 = vector.extract_strided_slice %select_n3A_447 {offsets = [0, 128], sizes = [256, 128], strides = [1, 1]} : vector<256x256xi32> to vector<256x128xi32>
    %slice3A_527 = vector.extract_strided_slice %select_n3A_451 {offsets = [0, 128], sizes = [256, 128], strides = [1, 1]} : vector<256x256xi32> to vector<256x128xi32>
    %slice3A_528 = vector.extract_strided_slice %select_n3A_452 {offsets = [0, 128], sizes = [256, 128], strides = [1, 1]} : vector<256x256xi32> to vector<256x128xi32>
    %slice3A_529 = vector.extract_strided_slice %select_n3A_456 {offsets = [0, 128], sizes = [256, 128], strides = [1, 1]} : vector<256x256xi32> to vector<256x128xi32>
    %slice3A_530 = vector.extract_strided_slice %select_n3A_457 {offsets = [0, 128], sizes = [256, 128], strides = [1, 1]} : vector<256x256xi32> to vector<256x128xi32>
    %slice3A_531 = vector.extract_strided_slice %select_n3A_461 {offsets = [0, 128], sizes = [256, 128], strides = [1, 1]} : vector<256x256xi32> to vector<256x128xi32>
    %slice3A_532 = vector.extract_strided_slice %select_n3A_462 {offsets = [0, 128], sizes = [256, 128], strides = [1, 1]} : vector<256x256xi32> to vector<256x128xi32>
    %slice3A_533 = vector.extract_strided_slice %select_n3A_466 {offsets = [0, 128], sizes = [256, 128], strides = [1, 1]} : vector<256x256xi32> to vector<256x128xi32>
    %slice3A_534 = vector.extract_strided_slice %select_n3A_467 {offsets = [0, 128], sizes = [256, 128], strides = [1, 1]} : vector<256x256xi32> to vector<256x128xi32>
    %slice3A_535 = vector.extract_strided_slice %select_n3A_471 {offsets = [0, 128], sizes = [256, 128], strides = [1, 1]} : vector<256x256xi32> to vector<256x128xi32>
    %slice3A_536 = vector.extract_strided_slice %select_n3A_472 {offsets = [0, 128], sizes = [256, 128], strides = [1, 1]} : vector<256x256xi32> to vector<256x128xi32>
    %le3A_537 = arith.cmpf ole, %slice3A_473, %slice3A_504 : vector<256x128xf32>
    %select_n3A_538 = arith.select %le3A_537, %slice3A_473, %slice3A_504 : vector<256x128xi1>, vector<256x128xf32>
    %select_n3A_539 = arith.select %le3A_537, %slice3A_505, %slice3A_536 : vector<256x128xi1>, vector<256x128xi32>
    %le3A_540 = arith.cmpf ole, %slice3A_474, %slice3A_503 : vector<256x128xf32>
    %select_n3A_541 = arith.select %le3A_540, %slice3A_474, %slice3A_503 : vector<256x128xi1>, vector<256x128xf32>
    %select_n3A_542 = arith.select %le3A_540, %slice3A_506, %slice3A_535 : vector<256x128xi1>, vector<256x128xi32>
    %le3A_543 = arith.cmpf ole, %slice3A_475, %slice3A_502 : vector<256x128xf32>
    %select_n3A_544 = arith.select %le3A_543, %slice3A_475, %slice3A_502 : vector<256x128xi1>, vector<256x128xf32>
    %select_n3A_545 = arith.select %le3A_543, %slice3A_507, %slice3A_534 : vector<256x128xi1>, vector<256x128xi32>
    %le3A_546 = arith.cmpf ole, %slice3A_476, %slice3A_501 : vector<256x128xf32>
    %select_n3A_547 = arith.select %le3A_546, %slice3A_476, %slice3A_501 : vector<256x128xi1>, vector<256x128xf32>
    %select_n3A_548 = arith.select %le3A_546, %slice3A_508, %slice3A_533 : vector<256x128xi1>, vector<256x128xi32>
    %le3A_549 = arith.cmpf ole, %slice3A_477, %slice3A_500 : vector<256x128xf32>
    %select_n3A_550 = arith.select %le3A_549, %slice3A_477, %slice3A_500 : vector<256x128xi1>, vector<256x128xf32>
    %select_n3A_551 = arith.select %le3A_549, %slice3A_509, %slice3A_532 : vector<256x128xi1>, vector<256x128xi32>
    %le3A_552 = arith.cmpf ole, %slice3A_478, %slice3A_499 : vector<256x128xf32>
    %select_n3A_553 = arith.select %le3A_552, %slice3A_478, %slice3A_499 : vector<256x128xi1>, vector<256x128xf32>
    %select_n3A_554 = arith.select %le3A_552, %slice3A_510, %slice3A_531 : vector<256x128xi1>, vector<256x128xi32>
    %le3A_555 = arith.cmpf ole, %slice3A_479, %slice3A_498 : vector<256x128xf32>
    %select_n3A_556 = arith.select %le3A_555, %slice3A_479, %slice3A_498 : vector<256x128xi1>, vector<256x128xf32>
    %select_n3A_557 = arith.select %le3A_555, %slice3A_511, %slice3A_530 : vector<256x128xi1>, vector<256x128xi32>
    %le3A_558 = arith.cmpf ole, %slice3A_480, %slice3A_497 : vector<256x128xf32>
    %select_n3A_559 = arith.select %le3A_558, %slice3A_480, %slice3A_497 : vector<256x128xi1>, vector<256x128xf32>
    %select_n3A_560 = arith.select %le3A_558, %slice3A_512, %slice3A_529 : vector<256x128xi1>, vector<256x128xi32>
    %le3A_561 = arith.cmpf ole, %slice3A_481, %slice3A_496 : vector<256x128xf32>
    %select_n3A_562 = arith.select %le3A_561, %slice3A_481, %slice3A_496 : vector<256x128xi1>, vector<256x128xf32>
    %select_n3A_563 = arith.select %le3A_561, %slice3A_513, %slice3A_528 : vector<256x128xi1>, vector<256x128xi32>
    %le3A_564 = arith.cmpf ole, %slice3A_482, %slice3A_495 : vector<256x128xf32>
    %select_n3A_565 = arith.select %le3A_564, %slice3A_482, %slice3A_495 : vector<256x128xi1>, vector<256x128xf32>
    %select_n3A_566 = arith.select %le3A_564, %slice3A_514, %slice3A_527 : vector<256x128xi1>, vector<256x128xi32>
    %le3A_567 = arith.cmpf ole, %slice3A_483, %slice3A_494 : vector<256x128xf32>
    %select_n3A_568 = arith.select %le3A_567, %slice3A_483, %slice3A_494 : vector<256x128xi1>, vector<256x128xf32>
    %select_n3A_569 = arith.select %le3A_567, %slice3A_515, %slice3A_526 : vector<256x128xi1>, vector<256x128xi32>
    %le3A_570 = arith.cmpf ole, %slice3A_484, %slice3A_493 : vector<256x128xf32>
    %select_n3A_571 = arith.select %le3A_570, %slice3A_484, %slice3A_493 : vector<256x128xi1>, vector<256x128xf32>
    %select_n3A_572 = arith.select %le3A_570, %slice3A_516, %slice3A_525 : vector<256x128xi1>, vector<256x128xi32>
    %le3A_573 = arith.cmpf ole, %slice3A_485, %slice3A_492 : vector<256x128xf32>
    %select_n3A_574 = arith.select %le3A_573, %slice3A_485, %slice3A_492 : vector<256x128xi1>, vector<256x128xf32>
    %select_n3A_575 = arith.select %le3A_573, %slice3A_517, %slice3A_524 : vector<256x128xi1>, vector<256x128xi32>
    %le3A_576 = arith.cmpf ole, %slice3A_486, %slice3A_491 : vector<256x128xf32>
    %select_n3A_577 = arith.select %le3A_576, %slice3A_486, %slice3A_491 : vector<256x128xi1>, vector<256x128xf32>
    %select_n3A_578 = arith.select %le3A_576, %slice3A_518, %slice3A_523 : vector<256x128xi1>, vector<256x128xi32>
    %le3A_579 = arith.cmpf ole, %slice3A_487, %slice3A_490 : vector<256x128xf32>
    %select_n3A_580 = arith.select %le3A_579, %slice3A_487, %slice3A_490 : vector<256x128xi1>, vector<256x128xf32>
    %select_n3A_581 = arith.select %le3A_579, %slice3A_519, %slice3A_522 : vector<256x128xi1>, vector<256x128xi32>
    %le3A_582 = arith.cmpf ole, %slice3A_488, %slice3A_489 : vector<256x128xf32>
    %select_n3A_583 = arith.select %le3A_582, %slice3A_488, %slice3A_489 : vector<256x128xi1>, vector<256x128xf32>
    %select_n3A_584 = arith.select %le3A_582, %slice3A_520, %slice3A_521 : vector<256x128xi1>, vector<256x128xi32>
    %le3A_585 = arith.cmpf ole, %select_n3A_538, %select_n3A_562 : vector<256x128xf32>
    %select_n3A_586 = arith.select %le3A_585, %select_n3A_538, %select_n3A_562 : vector<256x128xi1>, vector<256x128xf32>
    %select_n3A_587 = arith.select %le3A_585, %select_n3A_562, %select_n3A_538 : vector<256x128xi1>, vector<256x128xf32>
    %select_n3A_588 = arith.select %le3A_585, %select_n3A_539, %select_n3A_563 : vector<256x128xi1>, vector<256x128xi32>
    %select_n3A_589 = arith.select %le3A_585, %select_n3A_563, %select_n3A_539 : vector<256x128xi1>, vector<256x128xi32>
    %le3A_590 = arith.cmpf ole, %select_n3A_541, %select_n3A_565 : vector<256x128xf32>
    %select_n3A_591 = arith.select %le3A_590, %select_n3A_541, %select_n3A_565 : vector<256x128xi1>, vector<256x128xf32>
    %select_n3A_592 = arith.select %le3A_590, %select_n3A_565, %select_n3A_541 : vector<256x128xi1>, vector<256x128xf32>
    %select_n3A_593 = arith.select %le3A_590, %select_n3A_542, %select_n3A_566 : vector<256x128xi1>, vector<256x128xi32>
    %select_n3A_594 = arith.select %le3A_590, %select_n3A_566, %select_n3A_542 : vector<256x128xi1>, vector<256x128xi32>
    %le3A_595 = arith.cmpf ole, %select_n3A_544, %select_n3A_568 : vector<256x128xf32>
    %select_n3A_596 = arith.select %le3A_595, %select_n3A_544, %select_n3A_568 : vector<256x128xi1>, vector<256x128xf32>
    %select_n3A_597 = arith.select %le3A_595, %select_n3A_568, %select_n3A_544 : vector<256x128xi1>, vector<256x128xf32>
    %select_n3A_598 = arith.select %le3A_595, %select_n3A_545, %select_n3A_569 : vector<256x128xi1>, vector<256x128xi32>
    %select_n3A_599 = arith.select %le3A_595, %select_n3A_569, %select_n3A_545 : vector<256x128xi1>, vector<256x128xi32>
    %le3A_600 = arith.cmpf ole, %select_n3A_547, %select_n3A_571 : vector<256x128xf32>
    %select_n3A_601 = arith.select %le3A_600, %select_n3A_547, %select_n3A_571 : vector<256x128xi1>, vector<256x128xf32>
    %select_n3A_602 = arith.select %le3A_600, %select_n3A_571, %select_n3A_547 : vector<256x128xi1>, vector<256x128xf32>
    %select_n3A_603 = arith.select %le3A_600, %select_n3A_548, %select_n3A_572 : vector<256x128xi1>, vector<256x128xi32>
    %select_n3A_604 = arith.select %le3A_600, %select_n3A_572, %select_n3A_548 : vector<256x128xi1>, vector<256x128xi32>
    %le3A_605 = arith.cmpf ole, %select_n3A_550, %select_n3A_574 : vector<256x128xf32>
    %select_n3A_606 = arith.select %le3A_605, %select_n3A_550, %select_n3A_574 : vector<256x128xi1>, vector<256x128xf32>
    %select_n3A_607 = arith.select %le3A_605, %select_n3A_574, %select_n3A_550 : vector<256x128xi1>, vector<256x128xf32>
    %select_n3A_608 = arith.select %le3A_605, %select_n3A_551, %select_n3A_575 : vector<256x128xi1>, vector<256x128xi32>
    %select_n3A_609 = arith.select %le3A_605, %select_n3A_575, %select_n3A_551 : vector<256x128xi1>, vector<256x128xi32>
    %le3A_610 = arith.cmpf ole, %select_n3A_553, %select_n3A_577 : vector<256x128xf32>
    %select_n3A_611 = arith.select %le3A_610, %select_n3A_553, %select_n3A_577 : vector<256x128xi1>, vector<256x128xf32>
    %select_n3A_612 = arith.select %le3A_610, %select_n3A_577, %select_n3A_553 : vector<256x128xi1>, vector<256x128xf32>
    %select_n3A_613 = arith.select %le3A_610, %select_n3A_554, %select_n3A_578 : vector<256x128xi1>, vector<256x128xi32>
    %select_n3A_614 = arith.select %le3A_610, %select_n3A_578, %select_n3A_554 : vector<256x128xi1>, vector<256x128xi32>
    %le3A_615 = arith.cmpf ole, %select_n3A_556, %select_n3A_580 : vector<256x128xf32>
    %select_n3A_616 = arith.select %le3A_615, %select_n3A_556, %select_n3A_580 : vector<256x128xi1>, vector<256x128xf32>
    %select_n3A_617 = arith.select %le3A_615, %select_n3A_580, %select_n3A_556 : vector<256x128xi1>, vector<256x128xf32>
    %select_n3A_618 = arith.select %le3A_615, %select_n3A_557, %select_n3A_581 : vector<256x128xi1>, vector<256x128xi32>
    %select_n3A_619 = arith.select %le3A_615, %select_n3A_581, %select_n3A_557 : vector<256x128xi1>, vector<256x128xi32>
    %le3A_620 = arith.cmpf ole, %select_n3A_559, %select_n3A_583 : vector<256x128xf32>
    %select_n3A_621 = arith.select %le3A_620, %select_n3A_559, %select_n3A_583 : vector<256x128xi1>, vector<256x128xf32>
    %select_n3A_622 = arith.select %le3A_620, %select_n3A_583, %select_n3A_559 : vector<256x128xi1>, vector<256x128xf32>
    %select_n3A_623 = arith.select %le3A_620, %select_n3A_560, %select_n3A_584 : vector<256x128xi1>, vector<256x128xi32>
    %select_n3A_624 = arith.select %le3A_620, %select_n3A_584, %select_n3A_560 : vector<256x128xi1>, vector<256x128xi32>
    %le3A_625 = arith.cmpf ole, %select_n3A_586, %select_n3A_606 : vector<256x128xf32>
    %select_n3A_626 = arith.select %le3A_625, %select_n3A_586, %select_n3A_606 : vector<256x128xi1>, vector<256x128xf32>
    %select_n3A_627 = arith.select %le3A_625, %select_n3A_606, %select_n3A_586 : vector<256x128xi1>, vector<256x128xf32>
    %select_n3A_628 = arith.select %le3A_625, %select_n3A_588, %select_n3A_608 : vector<256x128xi1>, vector<256x128xi32>
    %select_n3A_629 = arith.select %le3A_625, %select_n3A_608, %select_n3A_588 : vector<256x128xi1>, vector<256x128xi32>
    %le3A_630 = arith.cmpf ole, %select_n3A_591, %select_n3A_611 : vector<256x128xf32>
    %select_n3A_631 = arith.select %le3A_630, %select_n3A_591, %select_n3A_611 : vector<256x128xi1>, vector<256x128xf32>
    %select_n3A_632 = arith.select %le3A_630, %select_n3A_611, %select_n3A_591 : vector<256x128xi1>, vector<256x128xf32>
    %select_n3A_633 = arith.select %le3A_630, %select_n3A_593, %select_n3A_613 : vector<256x128xi1>, vector<256x128xi32>
    %select_n3A_634 = arith.select %le3A_630, %select_n3A_613, %select_n3A_593 : vector<256x128xi1>, vector<256x128xi32>
    %le3A_635 = arith.cmpf ole, %select_n3A_596, %select_n3A_616 : vector<256x128xf32>
    %select_n3A_636 = arith.select %le3A_635, %select_n3A_596, %select_n3A_616 : vector<256x128xi1>, vector<256x128xf32>
    %select_n3A_637 = arith.select %le3A_635, %select_n3A_616, %select_n3A_596 : vector<256x128xi1>, vector<256x128xf32>
    %select_n3A_638 = arith.select %le3A_635, %select_n3A_598, %select_n3A_618 : vector<256x128xi1>, vector<256x128xi32>
    %select_n3A_639 = arith.select %le3A_635, %select_n3A_618, %select_n3A_598 : vector<256x128xi1>, vector<256x128xi32>
    %le3A_640 = arith.cmpf ole, %select_n3A_601, %select_n3A_621 : vector<256x128xf32>
    %select_n3A_641 = arith.select %le3A_640, %select_n3A_601, %select_n3A_621 : vector<256x128xi1>, vector<256x128xf32>
    %select_n3A_642 = arith.select %le3A_640, %select_n3A_621, %select_n3A_601 : vector<256x128xi1>, vector<256x128xf32>
    %select_n3A_643 = arith.select %le3A_640, %select_n3A_603, %select_n3A_623 : vector<256x128xi1>, vector<256x128xi32>
    %select_n3A_644 = arith.select %le3A_640, %select_n3A_623, %select_n3A_603 : vector<256x128xi1>, vector<256x128xi32>
    %le3A_645 = arith.cmpf ole, %select_n3A_587, %select_n3A_607 : vector<256x128xf32>
    %select_n3A_646 = arith.select %le3A_645, %select_n3A_587, %select_n3A_607 : vector<256x128xi1>, vector<256x128xf32>
    %select_n3A_647 = arith.select %le3A_645, %select_n3A_607, %select_n3A_587 : vector<256x128xi1>, vector<256x128xf32>
    %select_n3A_648 = arith.select %le3A_645, %select_n3A_589, %select_n3A_609 : vector<256x128xi1>, vector<256x128xi32>
    %select_n3A_649 = arith.select %le3A_645, %select_n3A_609, %select_n3A_589 : vector<256x128xi1>, vector<256x128xi32>
    %le3A_650 = arith.cmpf ole, %select_n3A_592, %select_n3A_612 : vector<256x128xf32>
    %select_n3A_651 = arith.select %le3A_650, %select_n3A_592, %select_n3A_612 : vector<256x128xi1>, vector<256x128xf32>
    %select_n3A_652 = arith.select %le3A_650, %select_n3A_612, %select_n3A_592 : vector<256x128xi1>, vector<256x128xf32>
    %select_n3A_653 = arith.select %le3A_650, %select_n3A_594, %select_n3A_614 : vector<256x128xi1>, vector<256x128xi32>
    %select_n3A_654 = arith.select %le3A_650, %select_n3A_614, %select_n3A_594 : vector<256x128xi1>, vector<256x128xi32>
    %le3A_655 = arith.cmpf ole, %select_n3A_597, %select_n3A_617 : vector<256x128xf32>
    %select_n3A_656 = arith.select %le3A_655, %select_n3A_597, %select_n3A_617 : vector<256x128xi1>, vector<256x128xf32>
    %select_n3A_657 = arith.select %le3A_655, %select_n3A_617, %select_n3A_597 : vector<256x128xi1>, vector<256x128xf32>
    %select_n3A_658 = arith.select %le3A_655, %select_n3A_599, %select_n3A_619 : vector<256x128xi1>, vector<256x128xi32>
    %select_n3A_659 = arith.select %le3A_655, %select_n3A_619, %select_n3A_599 : vector<256x128xi1>, vector<256x128xi32>
    %le3A_660 = arith.cmpf ole, %select_n3A_602, %select_n3A_622 : vector<256x128xf32>
    %select_n3A_661 = arith.select %le3A_660, %select_n3A_602, %select_n3A_622 : vector<256x128xi1>, vector<256x128xf32>
    %select_n3A_662 = arith.select %le3A_660, %select_n3A_622, %select_n3A_602 : vector<256x128xi1>, vector<256x128xf32>
    %select_n3A_663 = arith.select %le3A_660, %select_n3A_604, %select_n3A_624 : vector<256x128xi1>, vector<256x128xi32>
    %select_n3A_664 = arith.select %le3A_660, %select_n3A_624, %select_n3A_604 : vector<256x128xi1>, vector<256x128xi32>
    %le3A_665 = arith.cmpf ole, %select_n3A_626, %select_n3A_636 : vector<256x128xf32>
    %select_n3A_666 = arith.select %le3A_665, %select_n3A_626, %select_n3A_636 : vector<256x128xi1>, vector<256x128xf32>
    %select_n3A_667 = arith.select %le3A_665, %select_n3A_636, %select_n3A_626 : vector<256x128xi1>, vector<256x128xf32>
    %select_n3A_668 = arith.select %le3A_665, %select_n3A_628, %select_n3A_638 : vector<256x128xi1>, vector<256x128xi32>
    %select_n3A_669 = arith.select %le3A_665, %select_n3A_638, %select_n3A_628 : vector<256x128xi1>, vector<256x128xi32>
    %le3A_670 = arith.cmpf ole, %select_n3A_631, %select_n3A_641 : vector<256x128xf32>
    %select_n3A_671 = arith.select %le3A_670, %select_n3A_631, %select_n3A_641 : vector<256x128xi1>, vector<256x128xf32>
    %select_n3A_672 = arith.select %le3A_670, %select_n3A_641, %select_n3A_631 : vector<256x128xi1>, vector<256x128xf32>
    %select_n3A_673 = arith.select %le3A_670, %select_n3A_633, %select_n3A_643 : vector<256x128xi1>, vector<256x128xi32>
    %select_n3A_674 = arith.select %le3A_670, %select_n3A_643, %select_n3A_633 : vector<256x128xi1>, vector<256x128xi32>
    %le3A_675 = arith.cmpf ole, %select_n3A_627, %select_n3A_637 : vector<256x128xf32>
    %select_n3A_676 = arith.select %le3A_675, %select_n3A_627, %select_n3A_637 : vector<256x128xi1>, vector<256x128xf32>
    %select_n3A_677 = arith.select %le3A_675, %select_n3A_637, %select_n3A_627 : vector<256x128xi1>, vector<256x128xf32>
    %select_n3A_678 = arith.select %le3A_675, %select_n3A_629, %select_n3A_639 : vector<256x128xi1>, vector<256x128xi32>
    %select_n3A_679 = arith.select %le3A_675, %select_n3A_639, %select_n3A_629 : vector<256x128xi1>, vector<256x128xi32>
    %le3A_680 = arith.cmpf ole, %select_n3A_632, %select_n3A_642 : vector<256x128xf32>
    %select_n3A_681 = arith.select %le3A_680, %select_n3A_632, %select_n3A_642 : vector<256x128xi1>, vector<256x128xf32>
    %select_n3A_682 = arith.select %le3A_680, %select_n3A_642, %select_n3A_632 : vector<256x128xi1>, vector<256x128xf32>
    %select_n3A_683 = arith.select %le3A_680, %select_n3A_634, %select_n3A_644 : vector<256x128xi1>, vector<256x128xi32>
    %select_n3A_684 = arith.select %le3A_680, %select_n3A_644, %select_n3A_634 : vector<256x128xi1>, vector<256x128xi32>
    %le3A_685 = arith.cmpf ole, %select_n3A_646, %select_n3A_656 : vector<256x128xf32>
    %select_n3A_686 = arith.select %le3A_685, %select_n3A_646, %select_n3A_656 : vector<256x128xi1>, vector<256x128xf32>
    %select_n3A_687 = arith.select %le3A_685, %select_n3A_656, %select_n3A_646 : vector<256x128xi1>, vector<256x128xf32>
    %select_n3A_688 = arith.select %le3A_685, %select_n3A_648, %select_n3A_658 : vector<256x128xi1>, vector<256x128xi32>
    %select_n3A_689 = arith.select %le3A_685, %select_n3A_658, %select_n3A_648 : vector<256x128xi1>, vector<256x128xi32>
    %le3A_690 = arith.cmpf ole, %select_n3A_651, %select_n3A_661 : vector<256x128xf32>
    %select_n3A_691 = arith.select %le3A_690, %select_n3A_651, %select_n3A_661 : vector<256x128xi1>, vector<256x128xf32>
    %select_n3A_692 = arith.select %le3A_690, %select_n3A_661, %select_n3A_651 : vector<256x128xi1>, vector<256x128xf32>
    %select_n3A_693 = arith.select %le3A_690, %select_n3A_653, %select_n3A_663 : vector<256x128xi1>, vector<256x128xi32>
    %select_n3A_694 = arith.select %le3A_690, %select_n3A_663, %select_n3A_653 : vector<256x128xi1>, vector<256x128xi32>
    %le3A_695 = arith.cmpf ole, %select_n3A_647, %select_n3A_657 : vector<256x128xf32>
    %select_n3A_696 = arith.select %le3A_695, %select_n3A_647, %select_n3A_657 : vector<256x128xi1>, vector<256x128xf32>
    %select_n3A_697 = arith.select %le3A_695, %select_n3A_657, %select_n3A_647 : vector<256x128xi1>, vector<256x128xf32>
    %select_n3A_698 = arith.select %le3A_695, %select_n3A_649, %select_n3A_659 : vector<256x128xi1>, vector<256x128xi32>
    %select_n3A_699 = arith.select %le3A_695, %select_n3A_659, %select_n3A_649 : vector<256x128xi1>, vector<256x128xi32>
    %le3A_700 = arith.cmpf ole, %select_n3A_652, %select_n3A_662 : vector<256x128xf32>
    %select_n3A_701 = arith.select %le3A_700, %select_n3A_652, %select_n3A_662 : vector<256x128xi1>, vector<256x128xf32>
    %select_n3A_702 = arith.select %le3A_700, %select_n3A_662, %select_n3A_652 : vector<256x128xi1>, vector<256x128xf32>
    %select_n3A_703 = arith.select %le3A_700, %select_n3A_654, %select_n3A_664 : vector<256x128xi1>, vector<256x128xi32>
    %select_n3A_704 = arith.select %le3A_700, %select_n3A_664, %select_n3A_654 : vector<256x128xi1>, vector<256x128xi32>
    %le3A_705 = arith.cmpf ole, %select_n3A_666, %select_n3A_671 : vector<256x128xf32>
    %select_n3A_706 = arith.select %le3A_705, %select_n3A_666, %select_n3A_671 : vector<256x128xi1>, vector<256x128xf32>
    %select_n3A_707 = arith.select %le3A_705, %select_n3A_671, %select_n3A_666 : vector<256x128xi1>, vector<256x128xf32>
    %select_n3A_708 = arith.select %le3A_705, %select_n3A_668, %select_n3A_673 : vector<256x128xi1>, vector<256x128xi32>
    %select_n3A_709 = arith.select %le3A_705, %select_n3A_673, %select_n3A_668 : vector<256x128xi1>, vector<256x128xi32>
    %le3A_710 = arith.cmpf ole, %select_n3A_667, %select_n3A_672 : vector<256x128xf32>
    %select_n3A_711 = arith.select %le3A_710, %select_n3A_667, %select_n3A_672 : vector<256x128xi1>, vector<256x128xf32>
    %select_n3A_712 = arith.select %le3A_710, %select_n3A_672, %select_n3A_667 : vector<256x128xi1>, vector<256x128xf32>
    %select_n3A_713 = arith.select %le3A_710, %select_n3A_669, %select_n3A_674 : vector<256x128xi1>, vector<256x128xi32>
    %select_n3A_714 = arith.select %le3A_710, %select_n3A_674, %select_n3A_669 : vector<256x128xi1>, vector<256x128xi32>
    %le3A_715 = arith.cmpf ole, %select_n3A_676, %select_n3A_681 : vector<256x128xf32>
    %select_n3A_716 = arith.select %le3A_715, %select_n3A_676, %select_n3A_681 : vector<256x128xi1>, vector<256x128xf32>
    %select_n3A_717 = arith.select %le3A_715, %select_n3A_681, %select_n3A_676 : vector<256x128xi1>, vector<256x128xf32>
    %select_n3A_718 = arith.select %le3A_715, %select_n3A_678, %select_n3A_683 : vector<256x128xi1>, vector<256x128xi32>
    %select_n3A_719 = arith.select %le3A_715, %select_n3A_683, %select_n3A_678 : vector<256x128xi1>, vector<256x128xi32>
    %le3A_720 = arith.cmpf ole, %select_n3A_677, %select_n3A_682 : vector<256x128xf32>
    %select_n3A_721 = arith.select %le3A_720, %select_n3A_677, %select_n3A_682 : vector<256x128xi1>, vector<256x128xf32>
    %select_n3A_722 = arith.select %le3A_720, %select_n3A_682, %select_n3A_677 : vector<256x128xi1>, vector<256x128xf32>
    %select_n3A_723 = arith.select %le3A_720, %select_n3A_679, %select_n3A_684 : vector<256x128xi1>, vector<256x128xi32>
    %select_n3A_724 = arith.select %le3A_720, %select_n3A_684, %select_n3A_679 : vector<256x128xi1>, vector<256x128xi32>
    %le3A_725 = arith.cmpf ole, %select_n3A_686, %select_n3A_691 : vector<256x128xf32>
    %select_n3A_726 = arith.select %le3A_725, %select_n3A_686, %select_n3A_691 : vector<256x128xi1>, vector<256x128xf32>
    %select_n3A_727 = arith.select %le3A_725, %select_n3A_691, %select_n3A_686 : vector<256x128xi1>, vector<256x128xf32>
    %select_n3A_728 = arith.select %le3A_725, %select_n3A_688, %select_n3A_693 : vector<256x128xi1>, vector<256x128xi32>
    %select_n3A_729 = arith.select %le3A_725, %select_n3A_693, %select_n3A_688 : vector<256x128xi1>, vector<256x128xi32>
    %le3A_730 = arith.cmpf ole, %select_n3A_687, %select_n3A_692 : vector<256x128xf32>
    %select_n3A_731 = arith.select %le3A_730, %select_n3A_687, %select_n3A_692 : vector<256x128xi1>, vector<256x128xf32>
    %select_n3A_732 = arith.select %le3A_730, %select_n3A_692, %select_n3A_687 : vector<256x128xi1>, vector<256x128xf32>
    %select_n3A_733 = arith.select %le3A_730, %select_n3A_689, %select_n3A_694 : vector<256x128xi1>, vector<256x128xi32>
    %select_n3A_734 = arith.select %le3A_730, %select_n3A_694, %select_n3A_689 : vector<256x128xi1>, vector<256x128xi32>
    %le3A_735 = arith.cmpf ole, %select_n3A_696, %select_n3A_701 : vector<256x128xf32>
    %select_n3A_736 = arith.select %le3A_735, %select_n3A_696, %select_n3A_701 : vector<256x128xi1>, vector<256x128xf32>
    %select_n3A_737 = arith.select %le3A_735, %select_n3A_701, %select_n3A_696 : vector<256x128xi1>, vector<256x128xf32>
    %select_n3A_738 = arith.select %le3A_735, %select_n3A_698, %select_n3A_703 : vector<256x128xi1>, vector<256x128xi32>
    %select_n3A_739 = arith.select %le3A_735, %select_n3A_703, %select_n3A_698 : vector<256x128xi1>, vector<256x128xi32>
    %le3A_740 = arith.cmpf ole, %select_n3A_697, %select_n3A_702 : vector<256x128xf32>
    %select_n3A_741 = arith.select %le3A_740, %select_n3A_697, %select_n3A_702 : vector<256x128xi1>, vector<256x128xf32>
    %select_n3A_742 = arith.select %le3A_740, %select_n3A_702, %select_n3A_697 : vector<256x128xi1>, vector<256x128xf32>
    %select_n3A_743 = arith.select %le3A_740, %select_n3A_699, %select_n3A_704 : vector<256x128xi1>, vector<256x128xi32>
    %select_n3A_744 = arith.select %le3A_740, %select_n3A_704, %select_n3A_699 : vector<256x128xi1>, vector<256x128xi32>
    %slice3A_745 = vector.extract_strided_slice %select_n3A_706 {offsets = [0, 0], sizes = [256, 64], strides = [1, 1]} : vector<256x128xf32> to vector<256x64xf32>
    %slice3A_746 = vector.extract_strided_slice %select_n3A_707 {offsets = [0, 0], sizes = [256, 64], strides = [1, 1]} : vector<256x128xf32> to vector<256x64xf32>
    %slice3A_747 = vector.extract_strided_slice %select_n3A_711 {offsets = [0, 0], sizes = [256, 64], strides = [1, 1]} : vector<256x128xf32> to vector<256x64xf32>
    %slice3A_748 = vector.extract_strided_slice %select_n3A_712 {offsets = [0, 0], sizes = [256, 64], strides = [1, 1]} : vector<256x128xf32> to vector<256x64xf32>
    %slice3A_749 = vector.extract_strided_slice %select_n3A_716 {offsets = [0, 0], sizes = [256, 64], strides = [1, 1]} : vector<256x128xf32> to vector<256x64xf32>
    %slice3A_750 = vector.extract_strided_slice %select_n3A_717 {offsets = [0, 0], sizes = [256, 64], strides = [1, 1]} : vector<256x128xf32> to vector<256x64xf32>
    %slice3A_751 = vector.extract_strided_slice %select_n3A_721 {offsets = [0, 0], sizes = [256, 64], strides = [1, 1]} : vector<256x128xf32> to vector<256x64xf32>
    %slice3A_752 = vector.extract_strided_slice %select_n3A_722 {offsets = [0, 0], sizes = [256, 64], strides = [1, 1]} : vector<256x128xf32> to vector<256x64xf32>
    %slice3A_753 = vector.extract_strided_slice %select_n3A_726 {offsets = [0, 0], sizes = [256, 64], strides = [1, 1]} : vector<256x128xf32> to vector<256x64xf32>
    %slice3A_754 = vector.extract_strided_slice %select_n3A_727 {offsets = [0, 0], sizes = [256, 64], strides = [1, 1]} : vector<256x128xf32> to vector<256x64xf32>
    %slice3A_755 = vector.extract_strided_slice %select_n3A_731 {offsets = [0, 0], sizes = [256, 64], strides = [1, 1]} : vector<256x128xf32> to vector<256x64xf32>
    %slice3A_756 = vector.extract_strided_slice %select_n3A_732 {offsets = [0, 0], sizes = [256, 64], strides = [1, 1]} : vector<256x128xf32> to vector<256x64xf32>
    %slice3A_757 = vector.extract_strided_slice %select_n3A_736 {offsets = [0, 0], sizes = [256, 64], strides = [1, 1]} : vector<256x128xf32> to vector<256x64xf32>
    %slice3A_758 = vector.extract_strided_slice %select_n3A_737 {offsets = [0, 0], sizes = [256, 64], strides = [1, 1]} : vector<256x128xf32> to vector<256x64xf32>
    %slice3A_759 = vector.extract_strided_slice %select_n3A_741 {offsets = [0, 0], sizes = [256, 64], strides = [1, 1]} : vector<256x128xf32> to vector<256x64xf32>
    %slice3A_760 = vector.extract_strided_slice %select_n3A_742 {offsets = [0, 0], sizes = [256, 64], strides = [1, 1]} : vector<256x128xf32> to vector<256x64xf32>
    %slice3A_761 = vector.extract_strided_slice %select_n3A_706 {offsets = [0, 64], sizes = [256, 64], strides = [1, 1]} : vector<256x128xf32> to vector<256x64xf32>
    %slice3A_762 = vector.extract_strided_slice %select_n3A_707 {offsets = [0, 64], sizes = [256, 64], strides = [1, 1]} : vector<256x128xf32> to vector<256x64xf32>
    %slice3A_763 = vector.extract_strided_slice %select_n3A_711 {offsets = [0, 64], sizes = [256, 64], strides = [1, 1]} : vector<256x128xf32> to vector<256x64xf32>
    %slice3A_764 = vector.extract_strided_slice %select_n3A_712 {offsets = [0, 64], sizes = [256, 64], strides = [1, 1]} : vector<256x128xf32> to vector<256x64xf32>
    %slice3A_765 = vector.extract_strided_slice %select_n3A_716 {offsets = [0, 64], sizes = [256, 64], strides = [1, 1]} : vector<256x128xf32> to vector<256x64xf32>
    %slice3A_766 = vector.extract_strided_slice %select_n3A_717 {offsets = [0, 64], sizes = [256, 64], strides = [1, 1]} : vector<256x128xf32> to vector<256x64xf32>
    %slice3A_767 = vector.extract_strided_slice %select_n3A_721 {offsets = [0, 64], sizes = [256, 64], strides = [1, 1]} : vector<256x128xf32> to vector<256x64xf32>
    %slice3A_768 = vector.extract_strided_slice %select_n3A_722 {offsets = [0, 64], sizes = [256, 64], strides = [1, 1]} : vector<256x128xf32> to vector<256x64xf32>
    %slice3A_769 = vector.extract_strided_slice %select_n3A_726 {offsets = [0, 64], sizes = [256, 64], strides = [1, 1]} : vector<256x128xf32> to vector<256x64xf32>
    %slice3A_770 = vector.extract_strided_slice %select_n3A_727 {offsets = [0, 64], sizes = [256, 64], strides = [1, 1]} : vector<256x128xf32> to vector<256x64xf32>
    %slice3A_771 = vector.extract_strided_slice %select_n3A_731 {offsets = [0, 64], sizes = [256, 64], strides = [1, 1]} : vector<256x128xf32> to vector<256x64xf32>
    %slice3A_772 = vector.extract_strided_slice %select_n3A_732 {offsets = [0, 64], sizes = [256, 64], strides = [1, 1]} : vector<256x128xf32> to vector<256x64xf32>
    %slice3A_773 = vector.extract_strided_slice %select_n3A_736 {offsets = [0, 64], sizes = [256, 64], strides = [1, 1]} : vector<256x128xf32> to vector<256x64xf32>
    %slice3A_774 = vector.extract_strided_slice %select_n3A_737 {offsets = [0, 64], sizes = [256, 64], strides = [1, 1]} : vector<256x128xf32> to vector<256x64xf32>
    %slice3A_775 = vector.extract_strided_slice %select_n3A_741 {offsets = [0, 64], sizes = [256, 64], strides = [1, 1]} : vector<256x128xf32> to vector<256x64xf32>
    %slice3A_776 = vector.extract_strided_slice %select_n3A_742 {offsets = [0, 64], sizes = [256, 64], strides = [1, 1]} : vector<256x128xf32> to vector<256x64xf32>
    %slice3A_777 = vector.extract_strided_slice %select_n3A_708 {offsets = [0, 0], sizes = [256, 64], strides = [1, 1]} : vector<256x128xi32> to vector<256x64xi32>
    %slice3A_778 = vector.extract_strided_slice %select_n3A_709 {offsets = [0, 0], sizes = [256, 64], strides = [1, 1]} : vector<256x128xi32> to vector<256x64xi32>
    %slice3A_779 = vector.extract_strided_slice %select_n3A_713 {offsets = [0, 0], sizes = [256, 64], strides = [1, 1]} : vector<256x128xi32> to vector<256x64xi32>
    %slice3A_780 = vector.extract_strided_slice %select_n3A_714 {offsets = [0, 0], sizes = [256, 64], strides = [1, 1]} : vector<256x128xi32> to vector<256x64xi32>
    %slice3A_781 = vector.extract_strided_slice %select_n3A_718 {offsets = [0, 0], sizes = [256, 64], strides = [1, 1]} : vector<256x128xi32> to vector<256x64xi32>
    %slice3A_782 = vector.extract_strided_slice %select_n3A_719 {offsets = [0, 0], sizes = [256, 64], strides = [1, 1]} : vector<256x128xi32> to vector<256x64xi32>
    %slice3A_783 = vector.extract_strided_slice %select_n3A_723 {offsets = [0, 0], sizes = [256, 64], strides = [1, 1]} : vector<256x128xi32> to vector<256x64xi32>
    %slice3A_784 = vector.extract_strided_slice %select_n3A_724 {offsets = [0, 0], sizes = [256, 64], strides = [1, 1]} : vector<256x128xi32> to vector<256x64xi32>
    %slice3A_785 = vector.extract_strided_slice %select_n3A_728 {offsets = [0, 0], sizes = [256, 64], strides = [1, 1]} : vector<256x128xi32> to vector<256x64xi32>
    %slice3A_786 = vector.extract_strided_slice %select_n3A_729 {offsets = [0, 0], sizes = [256, 64], strides = [1, 1]} : vector<256x128xi32> to vector<256x64xi32>
    %slice3A_787 = vector.extract_strided_slice %select_n3A_733 {offsets = [0, 0], sizes = [256, 64], strides = [1, 1]} : vector<256x128xi32> to vector<256x64xi32>
    %slice3A_788 = vector.extract_strided_slice %select_n3A_734 {offsets = [0, 0], sizes = [256, 64], strides = [1, 1]} : vector<256x128xi32> to vector<256x64xi32>
    %slice3A_789 = vector.extract_strided_slice %select_n3A_738 {offsets = [0, 0], sizes = [256, 64], strides = [1, 1]} : vector<256x128xi32> to vector<256x64xi32>
    %slice3A_790 = vector.extract_strided_slice %select_n3A_739 {offsets = [0, 0], sizes = [256, 64], strides = [1, 1]} : vector<256x128xi32> to vector<256x64xi32>
    %slice3A_791 = vector.extract_strided_slice %select_n3A_743 {offsets = [0, 0], sizes = [256, 64], strides = [1, 1]} : vector<256x128xi32> to vector<256x64xi32>
    %slice3A_792 = vector.extract_strided_slice %select_n3A_744 {offsets = [0, 0], sizes = [256, 64], strides = [1, 1]} : vector<256x128xi32> to vector<256x64xi32>
    %slice3A_793 = vector.extract_strided_slice %select_n3A_708 {offsets = [0, 64], sizes = [256, 64], strides = [1, 1]} : vector<256x128xi32> to vector<256x64xi32>
    %slice3A_794 = vector.extract_strided_slice %select_n3A_709 {offsets = [0, 64], sizes = [256, 64], strides = [1, 1]} : vector<256x128xi32> to vector<256x64xi32>
    %slice3A_795 = vector.extract_strided_slice %select_n3A_713 {offsets = [0, 64], sizes = [256, 64], strides = [1, 1]} : vector<256x128xi32> to vector<256x64xi32>
    %slice3A_796 = vector.extract_strided_slice %select_n3A_714 {offsets = [0, 64], sizes = [256, 64], strides = [1, 1]} : vector<256x128xi32> to vector<256x64xi32>
    %slice3A_797 = vector.extract_strided_slice %select_n3A_718 {offsets = [0, 64], sizes = [256, 64], strides = [1, 1]} : vector<256x128xi32> to vector<256x64xi32>
    %slice3A_798 = vector.extract_strided_slice %select_n3A_719 {offsets = [0, 64], sizes = [256, 64], strides = [1, 1]} : vector<256x128xi32> to vector<256x64xi32>
    %slice3A_799 = vector.extract_strided_slice %select_n3A_723 {offsets = [0, 64], sizes = [256, 64], strides = [1, 1]} : vector<256x128xi32> to vector<256x64xi32>
    %slice3A_800 = vector.extract_strided_slice %select_n3A_724 {offsets = [0, 64], sizes = [256, 64], strides = [1, 1]} : vector<256x128xi32> to vector<256x64xi32>
    %slice3A_801 = vector.extract_strided_slice %select_n3A_728 {offsets = [0, 64], sizes = [256, 64], strides = [1, 1]} : vector<256x128xi32> to vector<256x64xi32>
    %slice3A_802 = vector.extract_strided_slice %select_n3A_729 {offsets = [0, 64], sizes = [256, 64], strides = [1, 1]} : vector<256x128xi32> to vector<256x64xi32>
    %slice3A_803 = vector.extract_strided_slice %select_n3A_733 {offsets = [0, 64], sizes = [256, 64], strides = [1, 1]} : vector<256x128xi32> to vector<256x64xi32>
    %slice3A_804 = vector.extract_strided_slice %select_n3A_734 {offsets = [0, 64], sizes = [256, 64], strides = [1, 1]} : vector<256x128xi32> to vector<256x64xi32>
    %slice3A_805 = vector.extract_strided_slice %select_n3A_738 {offsets = [0, 64], sizes = [256, 64], strides = [1, 1]} : vector<256x128xi32> to vector<256x64xi32>
    %slice3A_806 = vector.extract_strided_slice %select_n3A_739 {offsets = [0, 64], sizes = [256, 64], strides = [1, 1]} : vector<256x128xi32> to vector<256x64xi32>
    %slice3A_807 = vector.extract_strided_slice %select_n3A_743 {offsets = [0, 64], sizes = [256, 64], strides = [1, 1]} : vector<256x128xi32> to vector<256x64xi32>
    %slice3A_808 = vector.extract_strided_slice %select_n3A_744 {offsets = [0, 64], sizes = [256, 64], strides = [1, 1]} : vector<256x128xi32> to vector<256x64xi32>
    %le3A_809 = arith.cmpf ole, %slice3A_745, %slice3A_776 : vector<256x64xf32>
    %select_n3A_810 = arith.select %le3A_809, %slice3A_745, %slice3A_776 : vector<256x64xi1>, vector<256x64xf32>
    %select_n3A_811 = arith.select %le3A_809, %slice3A_777, %slice3A_808 : vector<256x64xi1>, vector<256x64xi32>
    %le3A_812 = arith.cmpf ole, %slice3A_746, %slice3A_775 : vector<256x64xf32>
    %select_n3A_813 = arith.select %le3A_812, %slice3A_746, %slice3A_775 : vector<256x64xi1>, vector<256x64xf32>
    %select_n3A_814 = arith.select %le3A_812, %slice3A_778, %slice3A_807 : vector<256x64xi1>, vector<256x64xi32>
    %le3A_815 = arith.cmpf ole, %slice3A_747, %slice3A_774 : vector<256x64xf32>
    %select_n3A_816 = arith.select %le3A_815, %slice3A_747, %slice3A_774 : vector<256x64xi1>, vector<256x64xf32>
    %select_n3A_817 = arith.select %le3A_815, %slice3A_779, %slice3A_806 : vector<256x64xi1>, vector<256x64xi32>
    %le3A_818 = arith.cmpf ole, %slice3A_748, %slice3A_773 : vector<256x64xf32>
    %select_n3A_819 = arith.select %le3A_818, %slice3A_748, %slice3A_773 : vector<256x64xi1>, vector<256x64xf32>
    %select_n3A_820 = arith.select %le3A_818, %slice3A_780, %slice3A_805 : vector<256x64xi1>, vector<256x64xi32>
    %le3A_821 = arith.cmpf ole, %slice3A_749, %slice3A_772 : vector<256x64xf32>
    %select_n3A_822 = arith.select %le3A_821, %slice3A_749, %slice3A_772 : vector<256x64xi1>, vector<256x64xf32>
    %select_n3A_823 = arith.select %le3A_821, %slice3A_781, %slice3A_804 : vector<256x64xi1>, vector<256x64xi32>
    %le3A_824 = arith.cmpf ole, %slice3A_750, %slice3A_771 : vector<256x64xf32>
    %select_n3A_825 = arith.select %le3A_824, %slice3A_750, %slice3A_771 : vector<256x64xi1>, vector<256x64xf32>
    %select_n3A_826 = arith.select %le3A_824, %slice3A_782, %slice3A_803 : vector<256x64xi1>, vector<256x64xi32>
    %le3A_827 = arith.cmpf ole, %slice3A_751, %slice3A_770 : vector<256x64xf32>
    %select_n3A_828 = arith.select %le3A_827, %slice3A_751, %slice3A_770 : vector<256x64xi1>, vector<256x64xf32>
    %select_n3A_829 = arith.select %le3A_827, %slice3A_783, %slice3A_802 : vector<256x64xi1>, vector<256x64xi32>
    %le3A_830 = arith.cmpf ole, %slice3A_752, %slice3A_769 : vector<256x64xf32>
    %select_n3A_831 = arith.select %le3A_830, %slice3A_752, %slice3A_769 : vector<256x64xi1>, vector<256x64xf32>
    %select_n3A_832 = arith.select %le3A_830, %slice3A_784, %slice3A_801 : vector<256x64xi1>, vector<256x64xi32>
    %le3A_833 = arith.cmpf ole, %slice3A_753, %slice3A_768 : vector<256x64xf32>
    %select_n3A_834 = arith.select %le3A_833, %slice3A_753, %slice3A_768 : vector<256x64xi1>, vector<256x64xf32>
    %select_n3A_835 = arith.select %le3A_833, %slice3A_785, %slice3A_800 : vector<256x64xi1>, vector<256x64xi32>
    %le3A_836 = arith.cmpf ole, %slice3A_754, %slice3A_767 : vector<256x64xf32>
    %select_n3A_837 = arith.select %le3A_836, %slice3A_754, %slice3A_767 : vector<256x64xi1>, vector<256x64xf32>
    %select_n3A_838 = arith.select %le3A_836, %slice3A_786, %slice3A_799 : vector<256x64xi1>, vector<256x64xi32>
    %le3A_839 = arith.cmpf ole, %slice3A_755, %slice3A_766 : vector<256x64xf32>
    %select_n3A_840 = arith.select %le3A_839, %slice3A_755, %slice3A_766 : vector<256x64xi1>, vector<256x64xf32>
    %select_n3A_841 = arith.select %le3A_839, %slice3A_787, %slice3A_798 : vector<256x64xi1>, vector<256x64xi32>
    %le3A_842 = arith.cmpf ole, %slice3A_756, %slice3A_765 : vector<256x64xf32>
    %select_n3A_843 = arith.select %le3A_842, %slice3A_756, %slice3A_765 : vector<256x64xi1>, vector<256x64xf32>
    %select_n3A_844 = arith.select %le3A_842, %slice3A_788, %slice3A_797 : vector<256x64xi1>, vector<256x64xi32>
    %le3A_845 = arith.cmpf ole, %slice3A_757, %slice3A_764 : vector<256x64xf32>
    %select_n3A_846 = arith.select %le3A_845, %slice3A_757, %slice3A_764 : vector<256x64xi1>, vector<256x64xf32>
    %select_n3A_847 = arith.select %le3A_845, %slice3A_789, %slice3A_796 : vector<256x64xi1>, vector<256x64xi32>
    %le3A_848 = arith.cmpf ole, %slice3A_758, %slice3A_763 : vector<256x64xf32>
    %select_n3A_849 = arith.select %le3A_848, %slice3A_758, %slice3A_763 : vector<256x64xi1>, vector<256x64xf32>
    %select_n3A_850 = arith.select %le3A_848, %slice3A_790, %slice3A_795 : vector<256x64xi1>, vector<256x64xi32>
    %le3A_851 = arith.cmpf ole, %slice3A_759, %slice3A_762 : vector<256x64xf32>
    %select_n3A_852 = arith.select %le3A_851, %slice3A_759, %slice3A_762 : vector<256x64xi1>, vector<256x64xf32>
    %select_n3A_853 = arith.select %le3A_851, %slice3A_791, %slice3A_794 : vector<256x64xi1>, vector<256x64xi32>
    %le3A_854 = arith.cmpf ole, %slice3A_760, %slice3A_761 : vector<256x64xf32>
    %select_n3A_855 = arith.select %le3A_854, %slice3A_760, %slice3A_761 : vector<256x64xi1>, vector<256x64xf32>
    %select_n3A_856 = arith.select %le3A_854, %slice3A_792, %slice3A_793 : vector<256x64xi1>, vector<256x64xi32>
    %le3A_857 = arith.cmpf ole, %select_n3A_810, %select_n3A_834 : vector<256x64xf32>
    %select_n3A_858 = arith.select %le3A_857, %select_n3A_810, %select_n3A_834 : vector<256x64xi1>, vector<256x64xf32>
    %select_n3A_859 = arith.select %le3A_857, %select_n3A_834, %select_n3A_810 : vector<256x64xi1>, vector<256x64xf32>
    %select_n3A_860 = arith.select %le3A_857, %select_n3A_811, %select_n3A_835 : vector<256x64xi1>, vector<256x64xi32>
    %select_n3A_861 = arith.select %le3A_857, %select_n3A_835, %select_n3A_811 : vector<256x64xi1>, vector<256x64xi32>
    %le3A_862 = arith.cmpf ole, %select_n3A_813, %select_n3A_837 : vector<256x64xf32>
    %select_n3A_863 = arith.select %le3A_862, %select_n3A_813, %select_n3A_837 : vector<256x64xi1>, vector<256x64xf32>
    %select_n3A_864 = arith.select %le3A_862, %select_n3A_837, %select_n3A_813 : vector<256x64xi1>, vector<256x64xf32>
    %select_n3A_865 = arith.select %le3A_862, %select_n3A_814, %select_n3A_838 : vector<256x64xi1>, vector<256x64xi32>
    %select_n3A_866 = arith.select %le3A_862, %select_n3A_838, %select_n3A_814 : vector<256x64xi1>, vector<256x64xi32>
    %le3A_867 = arith.cmpf ole, %select_n3A_816, %select_n3A_840 : vector<256x64xf32>
    %select_n3A_868 = arith.select %le3A_867, %select_n3A_816, %select_n3A_840 : vector<256x64xi1>, vector<256x64xf32>
    %select_n3A_869 = arith.select %le3A_867, %select_n3A_840, %select_n3A_816 : vector<256x64xi1>, vector<256x64xf32>
    %select_n3A_870 = arith.select %le3A_867, %select_n3A_817, %select_n3A_841 : vector<256x64xi1>, vector<256x64xi32>
    %select_n3A_871 = arith.select %le3A_867, %select_n3A_841, %select_n3A_817 : vector<256x64xi1>, vector<256x64xi32>
    %le3A_872 = arith.cmpf ole, %select_n3A_819, %select_n3A_843 : vector<256x64xf32>
    %select_n3A_873 = arith.select %le3A_872, %select_n3A_819, %select_n3A_843 : vector<256x64xi1>, vector<256x64xf32>
    %select_n3A_874 = arith.select %le3A_872, %select_n3A_843, %select_n3A_819 : vector<256x64xi1>, vector<256x64xf32>
    %select_n3A_875 = arith.select %le3A_872, %select_n3A_820, %select_n3A_844 : vector<256x64xi1>, vector<256x64xi32>
    %select_n3A_876 = arith.select %le3A_872, %select_n3A_844, %select_n3A_820 : vector<256x64xi1>, vector<256x64xi32>
    %le3A_877 = arith.cmpf ole, %select_n3A_822, %select_n3A_846 : vector<256x64xf32>
    %select_n3A_878 = arith.select %le3A_877, %select_n3A_822, %select_n3A_846 : vector<256x64xi1>, vector<256x64xf32>
    %select_n3A_879 = arith.select %le3A_877, %select_n3A_846, %select_n3A_822 : vector<256x64xi1>, vector<256x64xf32>
    %select_n3A_880 = arith.select %le3A_877, %select_n3A_823, %select_n3A_847 : vector<256x64xi1>, vector<256x64xi32>
    %select_n3A_881 = arith.select %le3A_877, %select_n3A_847, %select_n3A_823 : vector<256x64xi1>, vector<256x64xi32>
    %le3A_882 = arith.cmpf ole, %select_n3A_825, %select_n3A_849 : vector<256x64xf32>
    %select_n3A_883 = arith.select %le3A_882, %select_n3A_825, %select_n3A_849 : vector<256x64xi1>, vector<256x64xf32>
    %select_n3A_884 = arith.select %le3A_882, %select_n3A_849, %select_n3A_825 : vector<256x64xi1>, vector<256x64xf32>
    %select_n3A_885 = arith.select %le3A_882, %select_n3A_826, %select_n3A_850 : vector<256x64xi1>, vector<256x64xi32>
    %select_n3A_886 = arith.select %le3A_882, %select_n3A_850, %select_n3A_826 : vector<256x64xi1>, vector<256x64xi32>
    %le3A_887 = arith.cmpf ole, %select_n3A_828, %select_n3A_852 : vector<256x64xf32>
    %select_n3A_888 = arith.select %le3A_887, %select_n3A_828, %select_n3A_852 : vector<256x64xi1>, vector<256x64xf32>
    %select_n3A_889 = arith.select %le3A_887, %select_n3A_852, %select_n3A_828 : vector<256x64xi1>, vector<256x64xf32>
    %select_n3A_890 = arith.select %le3A_887, %select_n3A_829, %select_n3A_853 : vector<256x64xi1>, vector<256x64xi32>
    %select_n3A_891 = arith.select %le3A_887, %select_n3A_853, %select_n3A_829 : vector<256x64xi1>, vector<256x64xi32>
    %le3A_892 = arith.cmpf ole, %select_n3A_831, %select_n3A_855 : vector<256x64xf32>
    %select_n3A_893 = arith.select %le3A_892, %select_n3A_831, %select_n3A_855 : vector<256x64xi1>, vector<256x64xf32>
    %select_n3A_894 = arith.select %le3A_892, %select_n3A_855, %select_n3A_831 : vector<256x64xi1>, vector<256x64xf32>
    %select_n3A_895 = arith.select %le3A_892, %select_n3A_832, %select_n3A_856 : vector<256x64xi1>, vector<256x64xi32>
    %select_n3A_896 = arith.select %le3A_892, %select_n3A_856, %select_n3A_832 : vector<256x64xi1>, vector<256x64xi32>
    %le3A_897 = arith.cmpf ole, %select_n3A_858, %select_n3A_878 : vector<256x64xf32>
    %select_n3A_898 = arith.select %le3A_897, %select_n3A_858, %select_n3A_878 : vector<256x64xi1>, vector<256x64xf32>
    %select_n3A_899 = arith.select %le3A_897, %select_n3A_878, %select_n3A_858 : vector<256x64xi1>, vector<256x64xf32>
    %select_n3A_900 = arith.select %le3A_897, %select_n3A_860, %select_n3A_880 : vector<256x64xi1>, vector<256x64xi32>
    %select_n3A_901 = arith.select %le3A_897, %select_n3A_880, %select_n3A_860 : vector<256x64xi1>, vector<256x64xi32>
    %le3A_902 = arith.cmpf ole, %select_n3A_863, %select_n3A_883 : vector<256x64xf32>
    %select_n3A_903 = arith.select %le3A_902, %select_n3A_863, %select_n3A_883 : vector<256x64xi1>, vector<256x64xf32>
    %select_n3A_904 = arith.select %le3A_902, %select_n3A_883, %select_n3A_863 : vector<256x64xi1>, vector<256x64xf32>
    %select_n3A_905 = arith.select %le3A_902, %select_n3A_865, %select_n3A_885 : vector<256x64xi1>, vector<256x64xi32>
    %select_n3A_906 = arith.select %le3A_902, %select_n3A_885, %select_n3A_865 : vector<256x64xi1>, vector<256x64xi32>
    %le3A_907 = arith.cmpf ole, %select_n3A_868, %select_n3A_888 : vector<256x64xf32>
    %select_n3A_908 = arith.select %le3A_907, %select_n3A_868, %select_n3A_888 : vector<256x64xi1>, vector<256x64xf32>
    %select_n3A_909 = arith.select %le3A_907, %select_n3A_888, %select_n3A_868 : vector<256x64xi1>, vector<256x64xf32>
    %select_n3A_910 = arith.select %le3A_907, %select_n3A_870, %select_n3A_890 : vector<256x64xi1>, vector<256x64xi32>
    %select_n3A_911 = arith.select %le3A_907, %select_n3A_890, %select_n3A_870 : vector<256x64xi1>, vector<256x64xi32>
    %le3A_912 = arith.cmpf ole, %select_n3A_873, %select_n3A_893 : vector<256x64xf32>
    %select_n3A_913 = arith.select %le3A_912, %select_n3A_873, %select_n3A_893 : vector<256x64xi1>, vector<256x64xf32>
    %select_n3A_914 = arith.select %le3A_912, %select_n3A_893, %select_n3A_873 : vector<256x64xi1>, vector<256x64xf32>
    %select_n3A_915 = arith.select %le3A_912, %select_n3A_875, %select_n3A_895 : vector<256x64xi1>, vector<256x64xi32>
    %select_n3A_916 = arith.select %le3A_912, %select_n3A_895, %select_n3A_875 : vector<256x64xi1>, vector<256x64xi32>
    %le3A_917 = arith.cmpf ole, %select_n3A_859, %select_n3A_879 : vector<256x64xf32>
    %select_n3A_918 = arith.select %le3A_917, %select_n3A_859, %select_n3A_879 : vector<256x64xi1>, vector<256x64xf32>
    %select_n3A_919 = arith.select %le3A_917, %select_n3A_879, %select_n3A_859 : vector<256x64xi1>, vector<256x64xf32>
    %select_n3A_920 = arith.select %le3A_917, %select_n3A_861, %select_n3A_881 : vector<256x64xi1>, vector<256x64xi32>
    %select_n3A_921 = arith.select %le3A_917, %select_n3A_881, %select_n3A_861 : vector<256x64xi1>, vector<256x64xi32>
    %le3A_922 = arith.cmpf ole, %select_n3A_864, %select_n3A_884 : vector<256x64xf32>
    %select_n3A_923 = arith.select %le3A_922, %select_n3A_864, %select_n3A_884 : vector<256x64xi1>, vector<256x64xf32>
    %select_n3A_924 = arith.select %le3A_922, %select_n3A_884, %select_n3A_864 : vector<256x64xi1>, vector<256x64xf32>
    %select_n3A_925 = arith.select %le3A_922, %select_n3A_866, %select_n3A_886 : vector<256x64xi1>, vector<256x64xi32>
    %select_n3A_926 = arith.select %le3A_922, %select_n3A_886, %select_n3A_866 : vector<256x64xi1>, vector<256x64xi32>
    %le3A_927 = arith.cmpf ole, %select_n3A_869, %select_n3A_889 : vector<256x64xf32>
    %select_n3A_928 = arith.select %le3A_927, %select_n3A_869, %select_n3A_889 : vector<256x64xi1>, vector<256x64xf32>
    %select_n3A_929 = arith.select %le3A_927, %select_n3A_889, %select_n3A_869 : vector<256x64xi1>, vector<256x64xf32>
    %select_n3A_930 = arith.select %le3A_927, %select_n3A_871, %select_n3A_891 : vector<256x64xi1>, vector<256x64xi32>
    %select_n3A_931 = arith.select %le3A_927, %select_n3A_891, %select_n3A_871 : vector<256x64xi1>, vector<256x64xi32>
    %le3A_932 = arith.cmpf ole, %select_n3A_874, %select_n3A_894 : vector<256x64xf32>
    %select_n3A_933 = arith.select %le3A_932, %select_n3A_874, %select_n3A_894 : vector<256x64xi1>, vector<256x64xf32>
    %select_n3A_934 = arith.select %le3A_932, %select_n3A_894, %select_n3A_874 : vector<256x64xi1>, vector<256x64xf32>
    %select_n3A_935 = arith.select %le3A_932, %select_n3A_876, %select_n3A_896 : vector<256x64xi1>, vector<256x64xi32>
    %select_n3A_936 = arith.select %le3A_932, %select_n3A_896, %select_n3A_876 : vector<256x64xi1>, vector<256x64xi32>
    %le3A_937 = arith.cmpf ole, %select_n3A_898, %select_n3A_908 : vector<256x64xf32>
    %select_n3A_938 = arith.select %le3A_937, %select_n3A_898, %select_n3A_908 : vector<256x64xi1>, vector<256x64xf32>
    %select_n3A_939 = arith.select %le3A_937, %select_n3A_908, %select_n3A_898 : vector<256x64xi1>, vector<256x64xf32>
    %select_n3A_940 = arith.select %le3A_937, %select_n3A_900, %select_n3A_910 : vector<256x64xi1>, vector<256x64xi32>
    %select_n3A_941 = arith.select %le3A_937, %select_n3A_910, %select_n3A_900 : vector<256x64xi1>, vector<256x64xi32>
    %le3A_942 = arith.cmpf ole, %select_n3A_903, %select_n3A_913 : vector<256x64xf32>
    %select_n3A_943 = arith.select %le3A_942, %select_n3A_903, %select_n3A_913 : vector<256x64xi1>, vector<256x64xf32>
    %select_n3A_944 = arith.select %le3A_942, %select_n3A_913, %select_n3A_903 : vector<256x64xi1>, vector<256x64xf32>
    %select_n3A_945 = arith.select %le3A_942, %select_n3A_905, %select_n3A_915 : vector<256x64xi1>, vector<256x64xi32>
    %select_n3A_946 = arith.select %le3A_942, %select_n3A_915, %select_n3A_905 : vector<256x64xi1>, vector<256x64xi32>
    %le3A_947 = arith.cmpf ole, %select_n3A_899, %select_n3A_909 : vector<256x64xf32>
    %select_n3A_948 = arith.select %le3A_947, %select_n3A_899, %select_n3A_909 : vector<256x64xi1>, vector<256x64xf32>
    %select_n3A_949 = arith.select %le3A_947, %select_n3A_909, %select_n3A_899 : vector<256x64xi1>, vector<256x64xf32>
    %select_n3A_950 = arith.select %le3A_947, %select_n3A_901, %select_n3A_911 : vector<256x64xi1>, vector<256x64xi32>
    %select_n3A_951 = arith.select %le3A_947, %select_n3A_911, %select_n3A_901 : vector<256x64xi1>, vector<256x64xi32>
    %le3A_952 = arith.cmpf ole, %select_n3A_904, %select_n3A_914 : vector<256x64xf32>
    %select_n3A_953 = arith.select %le3A_952, %select_n3A_904, %select_n3A_914 : vector<256x64xi1>, vector<256x64xf32>
    %select_n3A_954 = arith.select %le3A_952, %select_n3A_914, %select_n3A_904 : vector<256x64xi1>, vector<256x64xf32>
    %select_n3A_955 = arith.select %le3A_952, %select_n3A_906, %select_n3A_916 : vector<256x64xi1>, vector<256x64xi32>
    %select_n3A_956 = arith.select %le3A_952, %select_n3A_916, %select_n3A_906 : vector<256x64xi1>, vector<256x64xi32>
    %le3A_957 = arith.cmpf ole, %select_n3A_918, %select_n3A_928 : vector<256x64xf32>
    %select_n3A_958 = arith.select %le3A_957, %select_n3A_918, %select_n3A_928 : vector<256x64xi1>, vector<256x64xf32>
    %select_n3A_959 = arith.select %le3A_957, %select_n3A_928, %select_n3A_918 : vector<256x64xi1>, vector<256x64xf32>
    %select_n3A_960 = arith.select %le3A_957, %select_n3A_920, %select_n3A_930 : vector<256x64xi1>, vector<256x64xi32>
    %select_n3A_961 = arith.select %le3A_957, %select_n3A_930, %select_n3A_920 : vector<256x64xi1>, vector<256x64xi32>
    %le3A_962 = arith.cmpf ole, %select_n3A_923, %select_n3A_933 : vector<256x64xf32>
    %select_n3A_963 = arith.select %le3A_962, %select_n3A_923, %select_n3A_933 : vector<256x64xi1>, vector<256x64xf32>
    %select_n3A_964 = arith.select %le3A_962, %select_n3A_933, %select_n3A_923 : vector<256x64xi1>, vector<256x64xf32>
    %select_n3A_965 = arith.select %le3A_962, %select_n3A_925, %select_n3A_935 : vector<256x64xi1>, vector<256x64xi32>
    %select_n3A_966 = arith.select %le3A_962, %select_n3A_935, %select_n3A_925 : vector<256x64xi1>, vector<256x64xi32>
    %le3A_967 = arith.cmpf ole, %select_n3A_919, %select_n3A_929 : vector<256x64xf32>
    %select_n3A_968 = arith.select %le3A_967, %select_n3A_919, %select_n3A_929 : vector<256x64xi1>, vector<256x64xf32>
    %select_n3A_969 = arith.select %le3A_967, %select_n3A_929, %select_n3A_919 : vector<256x64xi1>, vector<256x64xf32>
    %select_n3A_970 = arith.select %le3A_967, %select_n3A_921, %select_n3A_931 : vector<256x64xi1>, vector<256x64xi32>
    %select_n3A_971 = arith.select %le3A_967, %select_n3A_931, %select_n3A_921 : vector<256x64xi1>, vector<256x64xi32>
    %le3A_972 = arith.cmpf ole, %select_n3A_924, %select_n3A_934 : vector<256x64xf32>
    %select_n3A_973 = arith.select %le3A_972, %select_n3A_924, %select_n3A_934 : vector<256x64xi1>, vector<256x64xf32>
    %select_n3A_974 = arith.select %le3A_972, %select_n3A_934, %select_n3A_924 : vector<256x64xi1>, vector<256x64xf32>
    %select_n3A_975 = arith.select %le3A_972, %select_n3A_926, %select_n3A_936 : vector<256x64xi1>, vector<256x64xi32>
    %select_n3A_976 = arith.select %le3A_972, %select_n3A_936, %select_n3A_926 : vector<256x64xi1>, vector<256x64xi32>
    %le3A_977 = arith.cmpf ole, %select_n3A_938, %select_n3A_943 : vector<256x64xf32>
    %select_n3A_978 = arith.select %le3A_977, %select_n3A_938, %select_n3A_943 : vector<256x64xi1>, vector<256x64xf32>
    %select_n3A_979 = arith.select %le3A_977, %select_n3A_943, %select_n3A_938 : vector<256x64xi1>, vector<256x64xf32>
    %select_n3A_980 = arith.select %le3A_977, %select_n3A_940, %select_n3A_945 : vector<256x64xi1>, vector<256x64xi32>
    %select_n3A_981 = arith.select %le3A_977, %select_n3A_945, %select_n3A_940 : vector<256x64xi1>, vector<256x64xi32>
    %le3A_982 = arith.cmpf ole, %select_n3A_939, %select_n3A_944 : vector<256x64xf32>
    %select_n3A_983 = arith.select %le3A_982, %select_n3A_939, %select_n3A_944 : vector<256x64xi1>, vector<256x64xf32>
    %select_n3A_984 = arith.select %le3A_982, %select_n3A_944, %select_n3A_939 : vector<256x64xi1>, vector<256x64xf32>
    %select_n3A_985 = arith.select %le3A_982, %select_n3A_941, %select_n3A_946 : vector<256x64xi1>, vector<256x64xi32>
    %select_n3A_986 = arith.select %le3A_982, %select_n3A_946, %select_n3A_941 : vector<256x64xi1>, vector<256x64xi32>
    %le3A_987 = arith.cmpf ole, %select_n3A_948, %select_n3A_953 : vector<256x64xf32>
    %select_n3A_988 = arith.select %le3A_987, %select_n3A_948, %select_n3A_953 : vector<256x64xi1>, vector<256x64xf32>
    %select_n3A_989 = arith.select %le3A_987, %select_n3A_953, %select_n3A_948 : vector<256x64xi1>, vector<256x64xf32>
    %select_n3A_990 = arith.select %le3A_987, %select_n3A_950, %select_n3A_955 : vector<256x64xi1>, vector<256x64xi32>
    %select_n3A_991 = arith.select %le3A_987, %select_n3A_955, %select_n3A_950 : vector<256x64xi1>, vector<256x64xi32>
    %le3A_992 = arith.cmpf ole, %select_n3A_949, %select_n3A_954 : vector<256x64xf32>
    %select_n3A_993 = arith.select %le3A_992, %select_n3A_949, %select_n3A_954 : vector<256x64xi1>, vector<256x64xf32>
    %select_n3A_994 = arith.select %le3A_992, %select_n3A_954, %select_n3A_949 : vector<256x64xi1>, vector<256x64xf32>
    %select_n3A_995 = arith.select %le3A_992, %select_n3A_951, %select_n3A_956 : vector<256x64xi1>, vector<256x64xi32>
    %select_n3A_996 = arith.select %le3A_992, %select_n3A_956, %select_n3A_951 : vector<256x64xi1>, vector<256x64xi32>
    %le3A_997 = arith.cmpf ole, %select_n3A_958, %select_n3A_963 : vector<256x64xf32>
    %select_n3A_998 = arith.select %le3A_997, %select_n3A_958, %select_n3A_963 : vector<256x64xi1>, vector<256x64xf32>
    %select_n3A_999 = arith.select %le3A_997, %select_n3A_963, %select_n3A_958 : vector<256x64xi1>, vector<256x64xf32>
    %select_n3A_1000 = arith.select %le3A_997, %select_n3A_960, %select_n3A_965 : vector<256x64xi1>, vector<256x64xi32>
    %select_n3A_1001 = arith.select %le3A_997, %select_n3A_965, %select_n3A_960 : vector<256x64xi1>, vector<256x64xi32>
    %le3A_1002 = arith.cmpf ole, %select_n3A_959, %select_n3A_964 : vector<256x64xf32>
    %select_n3A_1003 = arith.select %le3A_1002, %select_n3A_959, %select_n3A_964 : vector<256x64xi1>, vector<256x64xf32>
    %select_n3A_1004 = arith.select %le3A_1002, %select_n3A_964, %select_n3A_959 : vector<256x64xi1>, vector<256x64xf32>
    %select_n3A_1005 = arith.select %le3A_1002, %select_n3A_961, %select_n3A_966 : vector<256x64xi1>, vector<256x64xi32>
    %select_n3A_1006 = arith.select %le3A_1002, %select_n3A_966, %select_n3A_961 : vector<256x64xi1>, vector<256x64xi32>
    %le3A_1007 = arith.cmpf ole, %select_n3A_968, %select_n3A_973 : vector<256x64xf32>
    %select_n3A_1008 = arith.select %le3A_1007, %select_n3A_968, %select_n3A_973 : vector<256x64xi1>, vector<256x64xf32>
    %select_n3A_1009 = arith.select %le3A_1007, %select_n3A_973, %select_n3A_968 : vector<256x64xi1>, vector<256x64xf32>
    %select_n3A_1010 = arith.select %le3A_1007, %select_n3A_970, %select_n3A_975 : vector<256x64xi1>, vector<256x64xi32>
    %select_n3A_1011 = arith.select %le3A_1007, %select_n3A_975, %select_n3A_970 : vector<256x64xi1>, vector<256x64xi32>
    %le3A_1012 = arith.cmpf ole, %select_n3A_969, %select_n3A_974 : vector<256x64xf32>
    %select_n3A_1013 = arith.select %le3A_1012, %select_n3A_969, %select_n3A_974 : vector<256x64xi1>, vector<256x64xf32>
    %select_n3A_1014 = arith.select %le3A_1012, %select_n3A_974, %select_n3A_969 : vector<256x64xi1>, vector<256x64xf32>
    %select_n3A_1015 = arith.select %le3A_1012, %select_n3A_971, %select_n3A_976 : vector<256x64xi1>, vector<256x64xi32>
    %select_n3A_1016 = arith.select %le3A_1012, %select_n3A_976, %select_n3A_971 : vector<256x64xi1>, vector<256x64xi32>
    %slice3A_1017 = vector.extract_strided_slice %select_n3A_978 {offsets = [0, 0], sizes = [256, 32], strides = [1, 1]} : vector<256x64xf32> to vector<256x32xf32>
    %slice3A_1018 = vector.extract_strided_slice %select_n3A_979 {offsets = [0, 0], sizes = [256, 32], strides = [1, 1]} : vector<256x64xf32> to vector<256x32xf32>
    %slice3A_1019 = vector.extract_strided_slice %select_n3A_983 {offsets = [0, 0], sizes = [256, 32], strides = [1, 1]} : vector<256x64xf32> to vector<256x32xf32>
    %slice3A_1020 = vector.extract_strided_slice %select_n3A_984 {offsets = [0, 0], sizes = [256, 32], strides = [1, 1]} : vector<256x64xf32> to vector<256x32xf32>
    %slice3A_1021 = vector.extract_strided_slice %select_n3A_988 {offsets = [0, 0], sizes = [256, 32], strides = [1, 1]} : vector<256x64xf32> to vector<256x32xf32>
    %slice3A_1022 = vector.extract_strided_slice %select_n3A_989 {offsets = [0, 0], sizes = [256, 32], strides = [1, 1]} : vector<256x64xf32> to vector<256x32xf32>
    %slice3A_1023 = vector.extract_strided_slice %select_n3A_993 {offsets = [0, 0], sizes = [256, 32], strides = [1, 1]} : vector<256x64xf32> to vector<256x32xf32>
    %slice3A_1024 = vector.extract_strided_slice %select_n3A_994 {offsets = [0, 0], sizes = [256, 32], strides = [1, 1]} : vector<256x64xf32> to vector<256x32xf32>
    %slice3A_1025 = vector.extract_strided_slice %select_n3A_998 {offsets = [0, 0], sizes = [256, 32], strides = [1, 1]} : vector<256x64xf32> to vector<256x32xf32>
    %slice3A_1026 = vector.extract_strided_slice %select_n3A_999 {offsets = [0, 0], sizes = [256, 32], strides = [1, 1]} : vector<256x64xf32> to vector<256x32xf32>
    %slice3A_1027 = vector.extract_strided_slice %select_n3A_1003 {offsets = [0, 0], sizes = [256, 32], strides = [1, 1]} : vector<256x64xf32> to vector<256x32xf32>
    %slice3A_1028 = vector.extract_strided_slice %select_n3A_1004 {offsets = [0, 0], sizes = [256, 32], strides = [1, 1]} : vector<256x64xf32> to vector<256x32xf32>
    %slice3A_1029 = vector.extract_strided_slice %select_n3A_1008 {offsets = [0, 0], sizes = [256, 32], strides = [1, 1]} : vector<256x64xf32> to vector<256x32xf32>
    %slice3A_1030 = vector.extract_strided_slice %select_n3A_1009 {offsets = [0, 0], sizes = [256, 32], strides = [1, 1]} : vector<256x64xf32> to vector<256x32xf32>
    %slice3A_1031 = vector.extract_strided_slice %select_n3A_1013 {offsets = [0, 0], sizes = [256, 32], strides = [1, 1]} : vector<256x64xf32> to vector<256x32xf32>
    %slice3A_1032 = vector.extract_strided_slice %select_n3A_1014 {offsets = [0, 0], sizes = [256, 32], strides = [1, 1]} : vector<256x64xf32> to vector<256x32xf32>
    %slice3A_1033 = vector.extract_strided_slice %select_n3A_978 {offsets = [0, 32], sizes = [256, 32], strides = [1, 1]} : vector<256x64xf32> to vector<256x32xf32>
    %slice3A_1034 = vector.extract_strided_slice %select_n3A_979 {offsets = [0, 32], sizes = [256, 32], strides = [1, 1]} : vector<256x64xf32> to vector<256x32xf32>
    %slice3A_1035 = vector.extract_strided_slice %select_n3A_983 {offsets = [0, 32], sizes = [256, 32], strides = [1, 1]} : vector<256x64xf32> to vector<256x32xf32>
    %slice3A_1036 = vector.extract_strided_slice %select_n3A_984 {offsets = [0, 32], sizes = [256, 32], strides = [1, 1]} : vector<256x64xf32> to vector<256x32xf32>
    %slice3A_1037 = vector.extract_strided_slice %select_n3A_988 {offsets = [0, 32], sizes = [256, 32], strides = [1, 1]} : vector<256x64xf32> to vector<256x32xf32>
    %slice3A_1038 = vector.extract_strided_slice %select_n3A_989 {offsets = [0, 32], sizes = [256, 32], strides = [1, 1]} : vector<256x64xf32> to vector<256x32xf32>
    %slice3A_1039 = vector.extract_strided_slice %select_n3A_993 {offsets = [0, 32], sizes = [256, 32], strides = [1, 1]} : vector<256x64xf32> to vector<256x32xf32>
    %slice3A_1040 = vector.extract_strided_slice %select_n3A_994 {offsets = [0, 32], sizes = [256, 32], strides = [1, 1]} : vector<256x64xf32> to vector<256x32xf32>
    %slice3A_1041 = vector.extract_strided_slice %select_n3A_998 {offsets = [0, 32], sizes = [256, 32], strides = [1, 1]} : vector<256x64xf32> to vector<256x32xf32>
    %slice3A_1042 = vector.extract_strided_slice %select_n3A_999 {offsets = [0, 32], sizes = [256, 32], strides = [1, 1]} : vector<256x64xf32> to vector<256x32xf32>
    %slice3A_1043 = vector.extract_strided_slice %select_n3A_1003 {offsets = [0, 32], sizes = [256, 32], strides = [1, 1]} : vector<256x64xf32> to vector<256x32xf32>
    %slice3A_1044 = vector.extract_strided_slice %select_n3A_1004 {offsets = [0, 32], sizes = [256, 32], strides = [1, 1]} : vector<256x64xf32> to vector<256x32xf32>
    %slice3A_1045 = vector.extract_strided_slice %select_n3A_1008 {offsets = [0, 32], sizes = [256, 32], strides = [1, 1]} : vector<256x64xf32> to vector<256x32xf32>
    %slice3A_1046 = vector.extract_strided_slice %select_n3A_1009 {offsets = [0, 32], sizes = [256, 32], strides = [1, 1]} : vector<256x64xf32> to vector<256x32xf32>
    %slice3A_1047 = vector.extract_strided_slice %select_n3A_1013 {offsets = [0, 32], sizes = [256, 32], strides = [1, 1]} : vector<256x64xf32> to vector<256x32xf32>
    %slice3A_1048 = vector.extract_strided_slice %select_n3A_1014 {offsets = [0, 32], sizes = [256, 32], strides = [1, 1]} : vector<256x64xf32> to vector<256x32xf32>
    %slice3A_1049 = vector.extract_strided_slice %select_n3A_980 {offsets = [0, 0], sizes = [256, 32], strides = [1, 1]} : vector<256x64xi32> to vector<256x32xi32>
    %slice3A_1050 = vector.extract_strided_slice %select_n3A_981 {offsets = [0, 0], sizes = [256, 32], strides = [1, 1]} : vector<256x64xi32> to vector<256x32xi32>
    %slice3A_1051 = vector.extract_strided_slice %select_n3A_985 {offsets = [0, 0], sizes = [256, 32], strides = [1, 1]} : vector<256x64xi32> to vector<256x32xi32>
    %slice3A_1052 = vector.extract_strided_slice %select_n3A_986 {offsets = [0, 0], sizes = [256, 32], strides = [1, 1]} : vector<256x64xi32> to vector<256x32xi32>
    %slice3A_1053 = vector.extract_strided_slice %select_n3A_990 {offsets = [0, 0], sizes = [256, 32], strides = [1, 1]} : vector<256x64xi32> to vector<256x32xi32>
    %slice3A_1054 = vector.extract_strided_slice %select_n3A_991 {offsets = [0, 0], sizes = [256, 32], strides = [1, 1]} : vector<256x64xi32> to vector<256x32xi32>
    %slice3A_1055 = vector.extract_strided_slice %select_n3A_995 {offsets = [0, 0], sizes = [256, 32], strides = [1, 1]} : vector<256x64xi32> to vector<256x32xi32>
    %slice3A_1056 = vector.extract_strided_slice %select_n3A_996 {offsets = [0, 0], sizes = [256, 32], strides = [1, 1]} : vector<256x64xi32> to vector<256x32xi32>
    %slice3A_1057 = vector.extract_strided_slice %select_n3A_1000 {offsets = [0, 0], sizes = [256, 32], strides = [1, 1]} : vector<256x64xi32> to vector<256x32xi32>
    %slice3A_1058 = vector.extract_strided_slice %select_n3A_1001 {offsets = [0, 0], sizes = [256, 32], strides = [1, 1]} : vector<256x64xi32> to vector<256x32xi32>
    %slice3A_1059 = vector.extract_strided_slice %select_n3A_1005 {offsets = [0, 0], sizes = [256, 32], strides = [1, 1]} : vector<256x64xi32> to vector<256x32xi32>
    %slice3A_1060 = vector.extract_strided_slice %select_n3A_1006 {offsets = [0, 0], sizes = [256, 32], strides = [1, 1]} : vector<256x64xi32> to vector<256x32xi32>
    %slice3A_1061 = vector.extract_strided_slice %select_n3A_1010 {offsets = [0, 0], sizes = [256, 32], strides = [1, 1]} : vector<256x64xi32> to vector<256x32xi32>
    %slice3A_1062 = vector.extract_strided_slice %select_n3A_1011 {offsets = [0, 0], sizes = [256, 32], strides = [1, 1]} : vector<256x64xi32> to vector<256x32xi32>
    %slice3A_1063 = vector.extract_strided_slice %select_n3A_1015 {offsets = [0, 0], sizes = [256, 32], strides = [1, 1]} : vector<256x64xi32> to vector<256x32xi32>
    %slice3A_1064 = vector.extract_strided_slice %select_n3A_1016 {offsets = [0, 0], sizes = [256, 32], strides = [1, 1]} : vector<256x64xi32> to vector<256x32xi32>
    %slice3A_1065 = vector.extract_strided_slice %select_n3A_980 {offsets = [0, 32], sizes = [256, 32], strides = [1, 1]} : vector<256x64xi32> to vector<256x32xi32>
    %slice3A_1066 = vector.extract_strided_slice %select_n3A_981 {offsets = [0, 32], sizes = [256, 32], strides = [1, 1]} : vector<256x64xi32> to vector<256x32xi32>
    %slice3A_1067 = vector.extract_strided_slice %select_n3A_985 {offsets = [0, 32], sizes = [256, 32], strides = [1, 1]} : vector<256x64xi32> to vector<256x32xi32>
    %slice3A_1068 = vector.extract_strided_slice %select_n3A_986 {offsets = [0, 32], sizes = [256, 32], strides = [1, 1]} : vector<256x64xi32> to vector<256x32xi32>
    %slice3A_1069 = vector.extract_strided_slice %select_n3A_990 {offsets = [0, 32], sizes = [256, 32], strides = [1, 1]} : vector<256x64xi32> to vector<256x32xi32>
    %slice3A_1070 = vector.extract_strided_slice %select_n3A_991 {offsets = [0, 32], sizes = [256, 32], strides = [1, 1]} : vector<256x64xi32> to vector<256x32xi32>
    %slice3A_1071 = vector.extract_strided_slice %select_n3A_995 {offsets = [0, 32], sizes = [256, 32], strides = [1, 1]} : vector<256x64xi32> to vector<256x32xi32>
    %slice3A_1072 = vector.extract_strided_slice %select_n3A_996 {offsets = [0, 32], sizes = [256, 32], strides = [1, 1]} : vector<256x64xi32> to vector<256x32xi32>
    %slice3A_1073 = vector.extract_strided_slice %select_n3A_1000 {offsets = [0, 32], sizes = [256, 32], strides = [1, 1]} : vector<256x64xi32> to vector<256x32xi32>
    %slice3A_1074 = vector.extract_strided_slice %select_n3A_1001 {offsets = [0, 32], sizes = [256, 32], strides = [1, 1]} : vector<256x64xi32> to vector<256x32xi32>
    %slice3A_1075 = vector.extract_strided_slice %select_n3A_1005 {offsets = [0, 32], sizes = [256, 32], strides = [1, 1]} : vector<256x64xi32> to vector<256x32xi32>
    %slice3A_1076 = vector.extract_strided_slice %select_n3A_1006 {offsets = [0, 32], sizes = [256, 32], strides = [1, 1]} : vector<256x64xi32> to vector<256x32xi32>
    %slice3A_1077 = vector.extract_strided_slice %select_n3A_1010 {offsets = [0, 32], sizes = [256, 32], strides = [1, 1]} : vector<256x64xi32> to vector<256x32xi32>
    %slice3A_1078 = vector.extract_strided_slice %select_n3A_1011 {offsets = [0, 32], sizes = [256, 32], strides = [1, 1]} : vector<256x64xi32> to vector<256x32xi32>
    %slice3A_1079 = vector.extract_strided_slice %select_n3A_1015 {offsets = [0, 32], sizes = [256, 32], strides = [1, 1]} : vector<256x64xi32> to vector<256x32xi32>
    %slice3A_1080 = vector.extract_strided_slice %select_n3A_1016 {offsets = [0, 32], sizes = [256, 32], strides = [1, 1]} : vector<256x64xi32> to vector<256x32xi32>
    %le3A_1081 = arith.cmpf ole, %slice3A_1017, %slice3A_1048 : vector<256x32xf32>
    %select_n3A_1082 = arith.select %le3A_1081, %slice3A_1017, %slice3A_1048 : vector<256x32xi1>, vector<256x32xf32>
    %select_n3A_1083 = arith.select %le3A_1081, %slice3A_1049, %slice3A_1080 : vector<256x32xi1>, vector<256x32xi32>
    %le3A_1084 = arith.cmpf ole, %slice3A_1018, %slice3A_1047 : vector<256x32xf32>
    %select_n3A_1085 = arith.select %le3A_1084, %slice3A_1018, %slice3A_1047 : vector<256x32xi1>, vector<256x32xf32>
    %select_n3A_1086 = arith.select %le3A_1084, %slice3A_1050, %slice3A_1079 : vector<256x32xi1>, vector<256x32xi32>
    %le3A_1087 = arith.cmpf ole, %slice3A_1019, %slice3A_1046 : vector<256x32xf32>
    %select_n3A_1088 = arith.select %le3A_1087, %slice3A_1019, %slice3A_1046 : vector<256x32xi1>, vector<256x32xf32>
    %select_n3A_1089 = arith.select %le3A_1087, %slice3A_1051, %slice3A_1078 : vector<256x32xi1>, vector<256x32xi32>
    %le3A_1090 = arith.cmpf ole, %slice3A_1020, %slice3A_1045 : vector<256x32xf32>
    %select_n3A_1091 = arith.select %le3A_1090, %slice3A_1020, %slice3A_1045 : vector<256x32xi1>, vector<256x32xf32>
    %select_n3A_1092 = arith.select %le3A_1090, %slice3A_1052, %slice3A_1077 : vector<256x32xi1>, vector<256x32xi32>
    %le3A_1093 = arith.cmpf ole, %slice3A_1021, %slice3A_1044 : vector<256x32xf32>
    %select_n3A_1094 = arith.select %le3A_1093, %slice3A_1021, %slice3A_1044 : vector<256x32xi1>, vector<256x32xf32>
    %select_n3A_1095 = arith.select %le3A_1093, %slice3A_1053, %slice3A_1076 : vector<256x32xi1>, vector<256x32xi32>
    %le3A_1096 = arith.cmpf ole, %slice3A_1022, %slice3A_1043 : vector<256x32xf32>
    %select_n3A_1097 = arith.select %le3A_1096, %slice3A_1022, %slice3A_1043 : vector<256x32xi1>, vector<256x32xf32>
    %select_n3A_1098 = arith.select %le3A_1096, %slice3A_1054, %slice3A_1075 : vector<256x32xi1>, vector<256x32xi32>
    %le3A_1099 = arith.cmpf ole, %slice3A_1023, %slice3A_1042 : vector<256x32xf32>
    %select_n3A_1100 = arith.select %le3A_1099, %slice3A_1023, %slice3A_1042 : vector<256x32xi1>, vector<256x32xf32>
    %select_n3A_1101 = arith.select %le3A_1099, %slice3A_1055, %slice3A_1074 : vector<256x32xi1>, vector<256x32xi32>
    %le3A_1102 = arith.cmpf ole, %slice3A_1024, %slice3A_1041 : vector<256x32xf32>
    %select_n3A_1103 = arith.select %le3A_1102, %slice3A_1024, %slice3A_1041 : vector<256x32xi1>, vector<256x32xf32>
    %select_n3A_1104 = arith.select %le3A_1102, %slice3A_1056, %slice3A_1073 : vector<256x32xi1>, vector<256x32xi32>
    %le3A_1105 = arith.cmpf ole, %slice3A_1025, %slice3A_1040 : vector<256x32xf32>
    %select_n3A_1106 = arith.select %le3A_1105, %slice3A_1025, %slice3A_1040 : vector<256x32xi1>, vector<256x32xf32>
    %select_n3A_1107 = arith.select %le3A_1105, %slice3A_1057, %slice3A_1072 : vector<256x32xi1>, vector<256x32xi32>
    %le3A_1108 = arith.cmpf ole, %slice3A_1026, %slice3A_1039 : vector<256x32xf32>
    %select_n3A_1109 = arith.select %le3A_1108, %slice3A_1026, %slice3A_1039 : vector<256x32xi1>, vector<256x32xf32>
    %select_n3A_1110 = arith.select %le3A_1108, %slice3A_1058, %slice3A_1071 : vector<256x32xi1>, vector<256x32xi32>
    %le3A_1111 = arith.cmpf ole, %slice3A_1027, %slice3A_1038 : vector<256x32xf32>
    %select_n3A_1112 = arith.select %le3A_1111, %slice3A_1027, %slice3A_1038 : vector<256x32xi1>, vector<256x32xf32>
    %select_n3A_1113 = arith.select %le3A_1111, %slice3A_1059, %slice3A_1070 : vector<256x32xi1>, vector<256x32xi32>
    %le3A_1114 = arith.cmpf ole, %slice3A_1028, %slice3A_1037 : vector<256x32xf32>
    %select_n3A_1115 = arith.select %le3A_1114, %slice3A_1028, %slice3A_1037 : vector<256x32xi1>, vector<256x32xf32>
    %select_n3A_1116 = arith.select %le3A_1114, %slice3A_1060, %slice3A_1069 : vector<256x32xi1>, vector<256x32xi32>
    %le3A_1117 = arith.cmpf ole, %slice3A_1029, %slice3A_1036 : vector<256x32xf32>
    %select_n3A_1118 = arith.select %le3A_1117, %slice3A_1029, %slice3A_1036 : vector<256x32xi1>, vector<256x32xf32>
    %select_n3A_1119 = arith.select %le3A_1117, %slice3A_1061, %slice3A_1068 : vector<256x32xi1>, vector<256x32xi32>
    %le3A_1120 = arith.cmpf ole, %slice3A_1030, %slice3A_1035 : vector<256x32xf32>
    %select_n3A_1121 = arith.select %le3A_1120, %slice3A_1030, %slice3A_1035 : vector<256x32xi1>, vector<256x32xf32>
    %select_n3A_1122 = arith.select %le3A_1120, %slice3A_1062, %slice3A_1067 : vector<256x32xi1>, vector<256x32xi32>
    %le3A_1123 = arith.cmpf ole, %slice3A_1031, %slice3A_1034 : vector<256x32xf32>
    %select_n3A_1124 = arith.select %le3A_1123, %slice3A_1031, %slice3A_1034 : vector<256x32xi1>, vector<256x32xf32>
    %select_n3A_1125 = arith.select %le3A_1123, %slice3A_1063, %slice3A_1066 : vector<256x32xi1>, vector<256x32xi32>
    %le3A_1126 = arith.cmpf ole, %slice3A_1032, %slice3A_1033 : vector<256x32xf32>
    %select_n3A_1127 = arith.select %le3A_1126, %slice3A_1032, %slice3A_1033 : vector<256x32xi1>, vector<256x32xf32>
    %select_n3A_1128 = arith.select %le3A_1126, %slice3A_1064, %slice3A_1065 : vector<256x32xi1>, vector<256x32xi32>
    %concatenate3A = tpu.concatenate %select_n3A_1082, %select_n3A_1085, %select_n3A_1088, %select_n3A_1091, %select_n3A_1094, %select_n3A_1097, %select_n3A_1100, %select_n3A_1103, %select_n3A_1106, %select_n3A_1109, %select_n3A_1112, %select_n3A_1115, %select_n3A_1118, %select_n3A_1121, %select_n3A_1124, %select_n3A_1127 in 1 : vector<256x32xf32>, vector<256x32xf32>, vector<256x32xf32>, vector<256x32xf32>, vector<256x32xf32>, vector<256x32xf32>, vector<256x32xf32>, vector<256x32xf32>, vector<256x32xf32>, vector<256x32xf32>, vector<256x32xf32>, vector<256x32xf32>, vector<256x32xf32>, vector<256x32xf32>, vector<256x32xf32>, vector<256x32xf32> -> vector<256x512xf32>
    %concatenate3A_1129 = tpu.concatenate %select_n3A_1083, %select_n3A_1086, %select_n3A_1089, %select_n3A_1092, %select_n3A_1095, %select_n3A_1098, %select_n3A_1101, %select_n3A_1104, %select_n3A_1107, %select_n3A_1110, %select_n3A_1113, %select_n3A_1116, %select_n3A_1119, %select_n3A_1122, %select_n3A_1125, %select_n3A_1128 in 1 : vector<256x32xi32>, vector<256x32xi32>, vector<256x32xi32>, vector<256x32xi32>, vector<256x32xi32>, vector<256x32xi32>, vector<256x32xi32>, vector<256x32xi32>, vector<256x32xi32>, vector<256x32xi32>, vector<256x32xi32>, vector<256x32xi32>, vector<256x32xi32>, vector<256x32xi32>, vector<256x32xi32>, vector<256x32xi32> -> vector<256x512xi32>
    %iota3A_1130 = tpu.iota {dimensions = array<i32: 1>} : vector<256x16xi32>
    %broadcast_in_dim3A_1131 = arith.constant 0 : i32
    %broadcast_in_dim3A_1132 = vector.broadcast %broadcast_in_dim3A_1131 : i32 to vector<256x16xi32>
    %reduce_min3A = arith.constant dense<0x7F800000> : vector<256xf32>
    %reduce_min3A_1133 = vector.multi_reduction <minimumf>, %concatenate3A, %reduce_min3A [1] : vector<256x512xf32> to vector<256xf32>
    %broadcast_in_dim3A_1134 = vector.shape_cast %reduce_min3A_1133 : vector<256xf32> to vector<256x1xf32>
    %eq3A = vector.broadcast %broadcast_in_dim3A_1134 : vector<256x1xf32> to vector<256x512xf32>
    %eq3A_1135 = arith.cmpf oeq, %concatenate3A, %eq3A : vector<256x512xf32>
    %jit3A = arith.constant 1073741824 : i32
    %broadcast_in_dim3A_1136 = vector.broadcast %jit3A : i32 to vector<256x512xi32>
    %select_n3A_1137 = arith.select %eq3A_1135, %concatenate3A_1129, %broadcast_in_dim3A_1136 : vector<256x512xi1>, vector<256x512xi32>
    %reduce_min3A_1138 = arith.constant dense<2147483647> : vector<256xi32>
    %reduce_min3A_1139 = vector.multi_reduction <minsi>, %select_n3A_1137, %reduce_min3A_1138 [1] : vector<256x512xi32> to vector<256xi32>
    %broadcast_in_dim3A_1140 = vector.shape_cast %reduce_min3A_1139 : vector<256xi32> to vector<256x1xi32>
    %eq3A_1141 = vector.broadcast %broadcast_in_dim3A_1140 : vector<256x1xi32> to vector<256x512xi32>
    %eq3A_1142 = arith.cmpi eq, %concatenate3A_1129, %eq3A_1141 : vector<256x512xi32>
    %and3A = arith.andi %eq3A_1135, %eq3A_1142 : vector<256x512xi1>
    %jit3A_1143 = arith.constant 3.000000e+38 : f32
    %broadcast_in_dim3A_1144 = vector.broadcast %jit3A_1143 : f32 to vector<256x512xf32>
    %select_n3A_1145 = arith.select %and3A, %broadcast_in_dim3A_1144, %concatenate3A : vector<256x512xi1>, vector<256x512xf32>
    %eq3A_1146 = arith.constant 0 : i32
    %eq3A_1147 = vector.broadcast %eq3A_1146 : i32 to vector<256x16xi32>
    %eq3A_1148 = arith.cmpi eq, %iota3A_1130, %eq3A_1147 : vector<256x16xi32>
    %broadcast_in_dim3A_1149 = vector.shape_cast %broadcast_in_dim3A_1140 : vector<256x1xi32> to vector<256x1xi32>
    %broadcast_in_dim3A_1150 = vector.broadcast %broadcast_in_dim3A_1149 : vector<256x1xi32> to vector<256x16xi32>
    %select_n3A_1151 = arith.select %eq3A_1148, %broadcast_in_dim3A_1150, %broadcast_in_dim3A_1132 : vector<256x16xi1>, vector<256x16xi32>
    %reduce_min3A_1152 = arith.constant dense<0x7F800000> : vector<256xf32>
    %reduce_min3A_1153 = vector.multi_reduction <minimumf>, %select_n3A_1145, %reduce_min3A_1152 [1] : vector<256x512xf32> to vector<256xf32>
    %broadcast_in_dim3A_1154 = vector.shape_cast %reduce_min3A_1153 : vector<256xf32> to vector<256x1xf32>
    %eq3A_1155 = vector.broadcast %broadcast_in_dim3A_1154 : vector<256x1xf32> to vector<256x512xf32>
    %eq3A_1156 = arith.cmpf oeq, %select_n3A_1145, %eq3A_1155 : vector<256x512xf32>
    %jit3A_1157 = arith.constant 1073741824 : i32
    %broadcast_in_dim3A_1158 = vector.broadcast %jit3A_1157 : i32 to vector<256x512xi32>
    %select_n3A_1159 = arith.select %eq3A_1156, %concatenate3A_1129, %broadcast_in_dim3A_1158 : vector<256x512xi1>, vector<256x512xi32>
    %reduce_min3A_1160 = arith.constant dense<2147483647> : vector<256xi32>
    %reduce_min3A_1161 = vector.multi_reduction <minsi>, %select_n3A_1159, %reduce_min3A_1160 [1] : vector<256x512xi32> to vector<256xi32>
    %broadcast_in_dim3A_1162 = vector.shape_cast %reduce_min3A_1161 : vector<256xi32> to vector<256x1xi32>
    %eq3A_1163 = vector.broadcast %broadcast_in_dim3A_1162 : vector<256x1xi32> to vector<256x512xi32>
    %eq3A_1164 = arith.cmpi eq, %concatenate3A_1129, %eq3A_1163 : vector<256x512xi32>
    %and3A_1165 = arith.andi %eq3A_1156, %eq3A_1164 : vector<256x512xi1>
    %jit3A_1166 = arith.constant 3.000000e+38 : f32
    %broadcast_in_dim3A_1167 = vector.broadcast %jit3A_1166 : f32 to vector<256x512xf32>
    %select_n3A_1168 = arith.select %and3A_1165, %broadcast_in_dim3A_1167, %select_n3A_1145 : vector<256x512xi1>, vector<256x512xf32>
    %eq3A_1169 = arith.constant 1 : i32
    %eq3A_1170 = vector.broadcast %eq3A_1169 : i32 to vector<256x16xi32>
    %eq3A_1171 = arith.cmpi eq, %iota3A_1130, %eq3A_1170 : vector<256x16xi32>
    %broadcast_in_dim3A_1172 = vector.shape_cast %broadcast_in_dim3A_1162 : vector<256x1xi32> to vector<256x1xi32>
    %broadcast_in_dim3A_1173 = vector.broadcast %broadcast_in_dim3A_1172 : vector<256x1xi32> to vector<256x16xi32>
    %select_n3A_1174 = arith.select %eq3A_1171, %broadcast_in_dim3A_1173, %select_n3A_1151 : vector<256x16xi1>, vector<256x16xi32>
    %reduce_min3A_1175 = arith.constant dense<0x7F800000> : vector<256xf32>
    %reduce_min3A_1176 = vector.multi_reduction <minimumf>, %select_n3A_1168, %reduce_min3A_1175 [1] : vector<256x512xf32> to vector<256xf32>
    %broadcast_in_dim3A_1177 = vector.shape_cast %reduce_min3A_1176 : vector<256xf32> to vector<256x1xf32>
    %eq3A_1178 = vector.broadcast %broadcast_in_dim3A_1177 : vector<256x1xf32> to vector<256x512xf32>
    %eq3A_1179 = arith.cmpf oeq, %select_n3A_1168, %eq3A_1178 : vector<256x512xf32>
    %jit3A_1180 = arith.constant 1073741824 : i32
    %broadcast_in_dim3A_1181 = vector.broadcast %jit3A_1180 : i32 to vector<256x512xi32>
    %select_n3A_1182 = arith.select %eq3A_1179, %concatenate3A_1129, %broadcast_in_dim3A_1181 : vector<256x512xi1>, vector<256x512xi32>
    %reduce_min3A_1183 = arith.constant dense<2147483647> : vector<256xi32>
    %reduce_min3A_1184 = vector.multi_reduction <minsi>, %select_n3A_1182, %reduce_min3A_1183 [1] : vector<256x512xi32> to vector<256xi32>
    %broadcast_in_dim3A_1185 = vector.shape_cast %reduce_min3A_1184 : vector<256xi32> to vector<256x1xi32>
    %eq3A_1186 = vector.broadcast %broadcast_in_dim3A_1185 : vector<256x1xi32> to vector<256x512xi32>
    %eq3A_1187 = arith.cmpi eq, %concatenate3A_1129, %eq3A_1186 : vector<256x512xi32>
    %and3A_1188 = arith.andi %eq3A_1179, %eq3A_1187 : vector<256x512xi1>
    %jit3A_1189 = arith.constant 3.000000e+38 : f32
    %broadcast_in_dim3A_1190 = vector.broadcast %jit3A_1189 : f32 to vector<256x512xf32>
    %select_n3A_1191 = arith.select %and3A_1188, %broadcast_in_dim3A_1190, %select_n3A_1168 : vector<256x512xi1>, vector<256x512xf32>
    %eq3A_1192 = arith.constant 2 : i32
    %eq3A_1193 = vector.broadcast %eq3A_1192 : i32 to vector<256x16xi32>
    %eq3A_1194 = arith.cmpi eq, %iota3A_1130, %eq3A_1193 : vector<256x16xi32>
    %broadcast_in_dim3A_1195 = vector.shape_cast %broadcast_in_dim3A_1185 : vector<256x1xi32> to vector<256x1xi32>
    %broadcast_in_dim3A_1196 = vector.broadcast %broadcast_in_dim3A_1195 : vector<256x1xi32> to vector<256x16xi32>
    %select_n3A_1197 = arith.select %eq3A_1194, %broadcast_in_dim3A_1196, %select_n3A_1174 : vector<256x16xi1>, vector<256x16xi32>
    %reduce_min3A_1198 = arith.constant dense<0x7F800000> : vector<256xf32>
    %reduce_min3A_1199 = vector.multi_reduction <minimumf>, %select_n3A_1191, %reduce_min3A_1198 [1] : vector<256x512xf32> to vector<256xf32>
    %broadcast_in_dim3A_1200 = vector.shape_cast %reduce_min3A_1199 : vector<256xf32> to vector<256x1xf32>
    %eq3A_1201 = vector.broadcast %broadcast_in_dim3A_1200 : vector<256x1xf32> to vector<256x512xf32>
    %eq3A_1202 = arith.cmpf oeq, %select_n3A_1191, %eq3A_1201 : vector<256x512xf32>
    %jit3A_1203 = arith.constant 1073741824 : i32
    %broadcast_in_dim3A_1204 = vector.broadcast %jit3A_1203 : i32 to vector<256x512xi32>
    %select_n3A_1205 = arith.select %eq3A_1202, %concatenate3A_1129, %broadcast_in_dim3A_1204 : vector<256x512xi1>, vector<256x512xi32>
    %reduce_min3A_1206 = arith.constant dense<2147483647> : vector<256xi32>
    %reduce_min3A_1207 = vector.multi_reduction <minsi>, %select_n3A_1205, %reduce_min3A_1206 [1] : vector<256x512xi32> to vector<256xi32>
    %broadcast_in_dim3A_1208 = vector.shape_cast %reduce_min3A_1207 : vector<256xi32> to vector<256x1xi32>
    %eq3A_1209 = vector.broadcast %broadcast_in_dim3A_1208 : vector<256x1xi32> to vector<256x512xi32>
    %eq3A_1210 = arith.cmpi eq, %concatenate3A_1129, %eq3A_1209 : vector<256x512xi32>
    %and3A_1211 = arith.andi %eq3A_1202, %eq3A_1210 : vector<256x512xi1>
    %jit3A_1212 = arith.constant 3.000000e+38 : f32
    %broadcast_in_dim3A_1213 = vector.broadcast %jit3A_1212 : f32 to vector<256x512xf32>
    %select_n3A_1214 = arith.select %and3A_1211, %broadcast_in_dim3A_1213, %select_n3A_1191 : vector<256x512xi1>, vector<256x512xf32>
    %eq3A_1215 = arith.constant 3 : i32
    %eq3A_1216 = vector.broadcast %eq3A_1215 : i32 to vector<256x16xi32>
    %eq3A_1217 = arith.cmpi eq, %iota3A_1130, %eq3A_1216 : vector<256x16xi32>
    %broadcast_in_dim3A_1218 = vector.shape_cast %broadcast_in_dim3A_1208 : vector<256x1xi32> to vector<256x1xi32>
    %broadcast_in_dim3A_1219 = vector.broadcast %broadcast_in_dim3A_1218 : vector<256x1xi32> to vector<256x16xi32>
    %select_n3A_1220 = arith.select %eq3A_1217, %broadcast_in_dim3A_1219, %select_n3A_1197 : vector<256x16xi1>, vector<256x16xi32>
    %reduce_min3A_1221 = arith.constant dense<0x7F800000> : vector<256xf32>
    %reduce_min3A_1222 = vector.multi_reduction <minimumf>, %select_n3A_1214, %reduce_min3A_1221 [1] : vector<256x512xf32> to vector<256xf32>
    %broadcast_in_dim3A_1223 = vector.shape_cast %reduce_min3A_1222 : vector<256xf32> to vector<256x1xf32>
    %eq3A_1224 = vector.broadcast %broadcast_in_dim3A_1223 : vector<256x1xf32> to vector<256x512xf32>
    %eq3A_1225 = arith.cmpf oeq, %select_n3A_1214, %eq3A_1224 : vector<256x512xf32>
    %jit3A_1226 = arith.constant 1073741824 : i32
    %broadcast_in_dim3A_1227 = vector.broadcast %jit3A_1226 : i32 to vector<256x512xi32>
    %select_n3A_1228 = arith.select %eq3A_1225, %concatenate3A_1129, %broadcast_in_dim3A_1227 : vector<256x512xi1>, vector<256x512xi32>
    %reduce_min3A_1229 = arith.constant dense<2147483647> : vector<256xi32>
    %reduce_min3A_1230 = vector.multi_reduction <minsi>, %select_n3A_1228, %reduce_min3A_1229 [1] : vector<256x512xi32> to vector<256xi32>
    %broadcast_in_dim3A_1231 = vector.shape_cast %reduce_min3A_1230 : vector<256xi32> to vector<256x1xi32>
    %eq3A_1232 = vector.broadcast %broadcast_in_dim3A_1231 : vector<256x1xi32> to vector<256x512xi32>
    %eq3A_1233 = arith.cmpi eq, %concatenate3A_1129, %eq3A_1232 : vector<256x512xi32>
    %and3A_1234 = arith.andi %eq3A_1225, %eq3A_1233 : vector<256x512xi1>
    %jit3A_1235 = arith.constant 3.000000e+38 : f32
    %broadcast_in_dim3A_1236 = vector.broadcast %jit3A_1235 : f32 to vector<256x512xf32>
    %select_n3A_1237 = arith.select %and3A_1234, %broadcast_in_dim3A_1236, %select_n3A_1214 : vector<256x512xi1>, vector<256x512xf32>
    %eq3A_1238 = arith.constant 4 : i32
    %eq3A_1239 = vector.broadcast %eq3A_1238 : i32 to vector<256x16xi32>
    %eq3A_1240 = arith.cmpi eq, %iota3A_1130, %eq3A_1239 : vector<256x16xi32>
    %broadcast_in_dim3A_1241 = vector.shape_cast %broadcast_in_dim3A_1231 : vector<256x1xi32> to vector<256x1xi32>
    %broadcast_in_dim3A_1242 = vector.broadcast %broadcast_in_dim3A_1241 : vector<256x1xi32> to vector<256x16xi32>
    %select_n3A_1243 = arith.select %eq3A_1240, %broadcast_in_dim3A_1242, %select_n3A_1220 : vector<256x16xi1>, vector<256x16xi32>
    %reduce_min3A_1244 = arith.constant dense<0x7F800000> : vector<256xf32>
    %reduce_min3A_1245 = vector.multi_reduction <minimumf>, %select_n3A_1237, %reduce_min3A_1244 [1] : vector<256x512xf32> to vector<256xf32>
    %broadcast_in_dim3A_1246 = vector.shape_cast %reduce_min3A_1245 : vector<256xf32> to vector<256x1xf32>
    %eq3A_1247 = vector.broadcast %broadcast_in_dim3A_1246 : vector<256x1xf32> to vector<256x512xf32>
    %eq3A_1248 = arith.cmpf oeq, %select_n3A_1237, %eq3A_1247 : vector<256x512xf32>
    %jit3A_1249 = arith.constant 1073741824 : i32
    %broadcast_in_dim3A_1250 = vector.broadcast %jit3A_1249 : i32 to vector<256x512xi32>
    %select_n3A_1251 = arith.select %eq3A_1248, %concatenate3A_1129, %broadcast_in_dim3A_1250 : vector<256x512xi1>, vector<256x512xi32>
    %reduce_min3A_1252 = arith.constant dense<2147483647> : vector<256xi32>
    %reduce_min3A_1253 = vector.multi_reduction <minsi>, %select_n3A_1251, %reduce_min3A_1252 [1] : vector<256x512xi32> to vector<256xi32>
    %broadcast_in_dim3A_1254 = vector.shape_cast %reduce_min3A_1253 : vector<256xi32> to vector<256x1xi32>
    %eq3A_1255 = vector.broadcast %broadcast_in_dim3A_1254 : vector<256x1xi32> to vector<256x512xi32>
    %eq3A_1256 = arith.cmpi eq, %concatenate3A_1129, %eq3A_1255 : vector<256x512xi32>
    %and3A_1257 = arith.andi %eq3A_1248, %eq3A_1256 : vector<256x512xi1>
    %jit3A_1258 = arith.constant 3.000000e+38 : f32
    %broadcast_in_dim3A_1259 = vector.broadcast %jit3A_1258 : f32 to vector<256x512xf32>
    %select_n3A_1260 = arith.select %and3A_1257, %broadcast_in_dim3A_1259, %select_n3A_1237 : vector<256x512xi1>, vector<256x512xf32>
    %eq3A_1261 = arith.constant 5 : i32
    %eq3A_1262 = vector.broadcast %eq3A_1261 : i32 to vector<256x16xi32>
    %eq3A_1263 = arith.cmpi eq, %iota3A_1130, %eq3A_1262 : vector<256x16xi32>
    %broadcast_in_dim3A_1264 = vector.shape_cast %broadcast_in_dim3A_1254 : vector<256x1xi32> to vector<256x1xi32>
    %broadcast_in_dim3A_1265 = vector.broadcast %broadcast_in_dim3A_1264 : vector<256x1xi32> to vector<256x16xi32>
    %select_n3A_1266 = arith.select %eq3A_1263, %broadcast_in_dim3A_1265, %select_n3A_1243 : vector<256x16xi1>, vector<256x16xi32>
    %reduce_min3A_1267 = arith.constant dense<0x7F800000> : vector<256xf32>
    %reduce_min3A_1268 = vector.multi_reduction <minimumf>, %select_n3A_1260, %reduce_min3A_1267 [1] : vector<256x512xf32> to vector<256xf32>
    %broadcast_in_dim3A_1269 = vector.shape_cast %reduce_min3A_1268 : vector<256xf32> to vector<256x1xf32>
    %eq3A_1270 = vector.broadcast %broadcast_in_dim3A_1269 : vector<256x1xf32> to vector<256x512xf32>
    %eq3A_1271 = arith.cmpf oeq, %select_n3A_1260, %eq3A_1270 : vector<256x512xf32>
    %jit3A_1272 = arith.constant 1073741824 : i32
    %broadcast_in_dim3A_1273 = vector.broadcast %jit3A_1272 : i32 to vector<256x512xi32>
    %select_n3A_1274 = arith.select %eq3A_1271, %concatenate3A_1129, %broadcast_in_dim3A_1273 : vector<256x512xi1>, vector<256x512xi32>
    %reduce_min3A_1275 = arith.constant dense<2147483647> : vector<256xi32>
    %reduce_min3A_1276 = vector.multi_reduction <minsi>, %select_n3A_1274, %reduce_min3A_1275 [1] : vector<256x512xi32> to vector<256xi32>
    %broadcast_in_dim3A_1277 = vector.shape_cast %reduce_min3A_1276 : vector<256xi32> to vector<256x1xi32>
    %eq3A_1278 = vector.broadcast %broadcast_in_dim3A_1277 : vector<256x1xi32> to vector<256x512xi32>
    %eq3A_1279 = arith.cmpi eq, %concatenate3A_1129, %eq3A_1278 : vector<256x512xi32>
    %and3A_1280 = arith.andi %eq3A_1271, %eq3A_1279 : vector<256x512xi1>
    %jit3A_1281 = arith.constant 3.000000e+38 : f32
    %broadcast_in_dim3A_1282 = vector.broadcast %jit3A_1281 : f32 to vector<256x512xf32>
    %select_n3A_1283 = arith.select %and3A_1280, %broadcast_in_dim3A_1282, %select_n3A_1260 : vector<256x512xi1>, vector<256x512xf32>
    %eq3A_1284 = arith.constant 6 : i32
    %eq3A_1285 = vector.broadcast %eq3A_1284 : i32 to vector<256x16xi32>
    %eq3A_1286 = arith.cmpi eq, %iota3A_1130, %eq3A_1285 : vector<256x16xi32>
    %broadcast_in_dim3A_1287 = vector.shape_cast %broadcast_in_dim3A_1277 : vector<256x1xi32> to vector<256x1xi32>
    %broadcast_in_dim3A_1288 = vector.broadcast %broadcast_in_dim3A_1287 : vector<256x1xi32> to vector<256x16xi32>
    %select_n3A_1289 = arith.select %eq3A_1286, %broadcast_in_dim3A_1288, %select_n3A_1266 : vector<256x16xi1>, vector<256x16xi32>
    %reduce_min3A_1290 = arith.constant dense<0x7F800000> : vector<256xf32>
    %reduce_min3A_1291 = vector.multi_reduction <minimumf>, %select_n3A_1283, %reduce_min3A_1290 [1] : vector<256x512xf32> to vector<256xf32>
    %broadcast_in_dim3A_1292 = vector.shape_cast %reduce_min3A_1291 : vector<256xf32> to vector<256x1xf32>
    %eq3A_1293 = vector.broadcast %broadcast_in_dim3A_1292 : vector<256x1xf32> to vector<256x512xf32>
    %eq3A_1294 = arith.cmpf oeq, %select_n3A_1283, %eq3A_1293 : vector<256x512xf32>
    %jit3A_1295 = arith.constant 1073741824 : i32
    %broadcast_in_dim3A_1296 = vector.broadcast %jit3A_1295 : i32 to vector<256x512xi32>
    %select_n3A_1297 = arith.select %eq3A_1294, %concatenate3A_1129, %broadcast_in_dim3A_1296 : vector<256x512xi1>, vector<256x512xi32>
    %reduce_min3A_1298 = arith.constant dense<2147483647> : vector<256xi32>
    %reduce_min3A_1299 = vector.multi_reduction <minsi>, %select_n3A_1297, %reduce_min3A_1298 [1] : vector<256x512xi32> to vector<256xi32>
    %broadcast_in_dim3A_1300 = vector.shape_cast %reduce_min3A_1299 : vector<256xi32> to vector<256x1xi32>
    %eq3A_1301 = vector.broadcast %broadcast_in_dim3A_1300 : vector<256x1xi32> to vector<256x512xi32>
    %eq3A_1302 = arith.cmpi eq, %concatenate3A_1129, %eq3A_1301 : vector<256x512xi32>
    %and3A_1303 = arith.andi %eq3A_1294, %eq3A_1302 : vector<256x512xi1>
    %jit3A_1304 = arith.constant 3.000000e+38 : f32
    %broadcast_in_dim3A_1305 = vector.broadcast %jit3A_1304 : f32 to vector<256x512xf32>
    %select_n3A_1306 = arith.select %and3A_1303, %broadcast_in_dim3A_1305, %select_n3A_1283 : vector<256x512xi1>, vector<256x512xf32>
    %eq3A_1307 = arith.constant 7 : i32
    %eq3A_1308 = vector.broadcast %eq3A_1307 : i32 to vector<256x16xi32>
    %eq3A_1309 = arith.cmpi eq, %iota3A_1130, %eq3A_1308 : vector<256x16xi32>
    %broadcast_in_dim3A_1310 = vector.shape_cast %broadcast_in_dim3A_1300 : vector<256x1xi32> to vector<256x1xi32>
    %broadcast_in_dim3A_1311 = vector.broadcast %broadcast_in_dim3A_1310 : vector<256x1xi32> to vector<256x16xi32>
    %select_n3A_1312 = arith.select %eq3A_1309, %broadcast_in_dim3A_1311, %select_n3A_1289 : vector<256x16xi1>, vector<256x16xi32>
    %reduce_min3A_1313 = arith.constant dense<0x7F800000> : vector<256xf32>
    %reduce_min3A_1314 = vector.multi_reduction <minimumf>, %select_n3A_1306, %reduce_min3A_1313 [1] : vector<256x512xf32> to vector<256xf32>
    %broadcast_in_dim3A_1315 = vector.shape_cast %reduce_min3A_1314 : vector<256xf32> to vector<256x1xf32>
    %eq3A_1316 = vector.broadcast %broadcast_in_dim3A_1315 : vector<256x1xf32> to vector<256x512xf32>
    %eq3A_1317 = arith.cmpf oeq, %select_n3A_1306, %eq3A_1316 : vector<256x512xf32>
    %jit3A_1318 = arith.constant 1073741824 : i32
    %broadcast_in_dim3A_1319 = vector.broadcast %jit3A_1318 : i32 to vector<256x512xi32>
    %select_n3A_1320 = arith.select %eq3A_1317, %concatenate3A_1129, %broadcast_in_dim3A_1319 : vector<256x512xi1>, vector<256x512xi32>
    %reduce_min3A_1321 = arith.constant dense<2147483647> : vector<256xi32>
    %reduce_min3A_1322 = vector.multi_reduction <minsi>, %select_n3A_1320, %reduce_min3A_1321 [1] : vector<256x512xi32> to vector<256xi32>
    %broadcast_in_dim3A_1323 = vector.shape_cast %reduce_min3A_1322 : vector<256xi32> to vector<256x1xi32>
    %eq3A_1324 = vector.broadcast %broadcast_in_dim3A_1323 : vector<256x1xi32> to vector<256x512xi32>
    %eq3A_1325 = arith.cmpi eq, %concatenate3A_1129, %eq3A_1324 : vector<256x512xi32>
    %and3A_1326 = arith.andi %eq3A_1317, %eq3A_1325 : vector<256x512xi1>
    %jit3A_1327 = arith.constant 3.000000e+38 : f32
    %broadcast_in_dim3A_1328 = vector.broadcast %jit3A_1327 : f32 to vector<256x512xf32>
    %select_n3A_1329 = arith.select %and3A_1326, %broadcast_in_dim3A_1328, %select_n3A_1306 : vector<256x512xi1>, vector<256x512xf32>
    %eq3A_1330 = arith.constant 8 : i32
    %eq3A_1331 = vector.broadcast %eq3A_1330 : i32 to vector<256x16xi32>
    %eq3A_1332 = arith.cmpi eq, %iota3A_1130, %eq3A_1331 : vector<256x16xi32>
    %broadcast_in_dim3A_1333 = vector.shape_cast %broadcast_in_dim3A_1323 : vector<256x1xi32> to vector<256x1xi32>
    %broadcast_in_dim3A_1334 = vector.broadcast %broadcast_in_dim3A_1333 : vector<256x1xi32> to vector<256x16xi32>
    %select_n3A_1335 = arith.select %eq3A_1332, %broadcast_in_dim3A_1334, %select_n3A_1312 : vector<256x16xi1>, vector<256x16xi32>
    %reduce_min3A_1336 = arith.constant dense<0x7F800000> : vector<256xf32>
    %reduce_min3A_1337 = vector.multi_reduction <minimumf>, %select_n3A_1329, %reduce_min3A_1336 [1] : vector<256x512xf32> to vector<256xf32>
    %broadcast_in_dim3A_1338 = vector.shape_cast %reduce_min3A_1337 : vector<256xf32> to vector<256x1xf32>
    %eq3A_1339 = vector.broadcast %broadcast_in_dim3A_1338 : vector<256x1xf32> to vector<256x512xf32>
    %eq3A_1340 = arith.cmpf oeq, %select_n3A_1329, %eq3A_1339 : vector<256x512xf32>
    %jit3A_1341 = arith.constant 1073741824 : i32
    %broadcast_in_dim3A_1342 = vector.broadcast %jit3A_1341 : i32 to vector<256x512xi32>
    %select_n3A_1343 = arith.select %eq3A_1340, %concatenate3A_1129, %broadcast_in_dim3A_1342 : vector<256x512xi1>, vector<256x512xi32>
    %reduce_min3A_1344 = arith.constant dense<2147483647> : vector<256xi32>
    %reduce_min3A_1345 = vector.multi_reduction <minsi>, %select_n3A_1343, %reduce_min3A_1344 [1] : vector<256x512xi32> to vector<256xi32>
    %broadcast_in_dim3A_1346 = vector.shape_cast %reduce_min3A_1345 : vector<256xi32> to vector<256x1xi32>
    %eq3A_1347 = vector.broadcast %broadcast_in_dim3A_1346 : vector<256x1xi32> to vector<256x512xi32>
    %eq3A_1348 = arith.cmpi eq, %concatenate3A_1129, %eq3A_1347 : vector<256x512xi32>
    %and3A_1349 = arith.andi %eq3A_1340, %eq3A_1348 : vector<256x512xi1>
    %jit3A_1350 = arith.constant 3.000000e+38 : f32
    %broadcast_in_dim3A_1351 = vector.broadcast %jit3A_1350 : f32 to vector<256x512xf32>
    %select_n3A_1352 = arith.select %and3A_1349, %broadcast_in_dim3A_1351, %select_n3A_1329 : vector<256x512xi1>, vector<256x512xf32>
    %eq3A_1353 = arith.constant 9 : i32
    %eq3A_1354 = vector.broadcast %eq3A_1353 : i32 to vector<256x16xi32>
    %eq3A_1355 = arith.cmpi eq, %iota3A_1130, %eq3A_1354 : vector<256x16xi32>
    %broadcast_in_dim3A_1356 = vector.shape_cast %broadcast_in_dim3A_1346 : vector<256x1xi32> to vector<256x1xi32>
    %broadcast_in_dim3A_1357 = vector.broadcast %broadcast_in_dim3A_1356 : vector<256x1xi32> to vector<256x16xi32>
    %select_n3A_1358 = arith.select %eq3A_1355, %broadcast_in_dim3A_1357, %select_n3A_1335 : vector<256x16xi1>, vector<256x16xi32>
    %reduce_min3A_1359 = arith.constant dense<0x7F800000> : vector<256xf32>
    %reduce_min3A_1360 = vector.multi_reduction <minimumf>, %select_n3A_1352, %reduce_min3A_1359 [1] : vector<256x512xf32> to vector<256xf32>
    %broadcast_in_dim3A_1361 = vector.shape_cast %reduce_min3A_1360 : vector<256xf32> to vector<256x1xf32>
    %eq3A_1362 = vector.broadcast %broadcast_in_dim3A_1361 : vector<256x1xf32> to vector<256x512xf32>
    %eq3A_1363 = arith.cmpf oeq, %select_n3A_1352, %eq3A_1362 : vector<256x512xf32>
    %jit3A_1364 = arith.constant 1073741824 : i32
    %broadcast_in_dim3A_1365 = vector.broadcast %jit3A_1364 : i32 to vector<256x512xi32>
    %select_n3A_1366 = arith.select %eq3A_1363, %concatenate3A_1129, %broadcast_in_dim3A_1365 : vector<256x512xi1>, vector<256x512xi32>
    %reduce_min3A_1367 = arith.constant dense<2147483647> : vector<256xi32>
    %reduce_min3A_1368 = vector.multi_reduction <minsi>, %select_n3A_1366, %reduce_min3A_1367 [1] : vector<256x512xi32> to vector<256xi32>
    %broadcast_in_dim3A_1369 = vector.shape_cast %reduce_min3A_1368 : vector<256xi32> to vector<256x1xi32>
    %eq3A_1370 = vector.broadcast %broadcast_in_dim3A_1369 : vector<256x1xi32> to vector<256x512xi32>
    %eq3A_1371 = arith.cmpi eq, %concatenate3A_1129, %eq3A_1370 : vector<256x512xi32>
    %and3A_1372 = arith.andi %eq3A_1363, %eq3A_1371 : vector<256x512xi1>
    %jit3A_1373 = arith.constant 3.000000e+38 : f32
    %broadcast_in_dim3A_1374 = vector.broadcast %jit3A_1373 : f32 to vector<256x512xf32>
    %select_n3A_1375 = arith.select %and3A_1372, %broadcast_in_dim3A_1374, %select_n3A_1352 : vector<256x512xi1>, vector<256x512xf32>
    %eq3A_1376 = arith.constant 10 : i32
    %eq3A_1377 = vector.broadcast %eq3A_1376 : i32 to vector<256x16xi32>
    %eq3A_1378 = arith.cmpi eq, %iota3A_1130, %eq3A_1377 : vector<256x16xi32>
    %broadcast_in_dim3A_1379 = vector.shape_cast %broadcast_in_dim3A_1369 : vector<256x1xi32> to vector<256x1xi32>
    %broadcast_in_dim3A_1380 = vector.broadcast %broadcast_in_dim3A_1379 : vector<256x1xi32> to vector<256x16xi32>
    %select_n3A_1381 = arith.select %eq3A_1378, %broadcast_in_dim3A_1380, %select_n3A_1358 : vector<256x16xi1>, vector<256x16xi32>
    %reduce_min3A_1382 = arith.constant dense<0x7F800000> : vector<256xf32>
    %reduce_min3A_1383 = vector.multi_reduction <minimumf>, %select_n3A_1375, %reduce_min3A_1382 [1] : vector<256x512xf32> to vector<256xf32>
    %broadcast_in_dim3A_1384 = vector.shape_cast %reduce_min3A_1383 : vector<256xf32> to vector<256x1xf32>
    %eq3A_1385 = vector.broadcast %broadcast_in_dim3A_1384 : vector<256x1xf32> to vector<256x512xf32>
    %eq3A_1386 = arith.cmpf oeq, %select_n3A_1375, %eq3A_1385 : vector<256x512xf32>
    %jit3A_1387 = arith.constant 1073741824 : i32
    %broadcast_in_dim3A_1388 = vector.broadcast %jit3A_1387 : i32 to vector<256x512xi32>
    %select_n3A_1389 = arith.select %eq3A_1386, %concatenate3A_1129, %broadcast_in_dim3A_1388 : vector<256x512xi1>, vector<256x512xi32>
    %reduce_min3A_1390 = arith.constant dense<2147483647> : vector<256xi32>
    %reduce_min3A_1391 = vector.multi_reduction <minsi>, %select_n3A_1389, %reduce_min3A_1390 [1] : vector<256x512xi32> to vector<256xi32>
    %broadcast_in_dim3A_1392 = vector.shape_cast %reduce_min3A_1391 : vector<256xi32> to vector<256x1xi32>
    %eq3A_1393 = vector.broadcast %broadcast_in_dim3A_1392 : vector<256x1xi32> to vector<256x512xi32>
    %eq3A_1394 = arith.cmpi eq, %concatenate3A_1129, %eq3A_1393 : vector<256x512xi32>
    %and3A_1395 = arith.andi %eq3A_1386, %eq3A_1394 : vector<256x512xi1>
    %jit3A_1396 = arith.constant 3.000000e+38 : f32
    %broadcast_in_dim3A_1397 = vector.broadcast %jit3A_1396 : f32 to vector<256x512xf32>
    %select_n3A_1398 = arith.select %and3A_1395, %broadcast_in_dim3A_1397, %select_n3A_1375 : vector<256x512xi1>, vector<256x512xf32>
    %eq3A_1399 = arith.constant 11 : i32
    %eq3A_1400 = vector.broadcast %eq3A_1399 : i32 to vector<256x16xi32>
    %eq3A_1401 = arith.cmpi eq, %iota3A_1130, %eq3A_1400 : vector<256x16xi32>
    %broadcast_in_dim3A_1402 = vector.shape_cast %broadcast_in_dim3A_1392 : vector<256x1xi32> to vector<256x1xi32>
    %broadcast_in_dim3A_1403 = vector.broadcast %broadcast_in_dim3A_1402 : vector<256x1xi32> to vector<256x16xi32>
    %select_n3A_1404 = arith.select %eq3A_1401, %broadcast_in_dim3A_1403, %select_n3A_1381 : vector<256x16xi1>, vector<256x16xi32>
    %reduce_min3A_1405 = arith.constant dense<0x7F800000> : vector<256xf32>
    %reduce_min3A_1406 = vector.multi_reduction <minimumf>, %select_n3A_1398, %reduce_min3A_1405 [1] : vector<256x512xf32> to vector<256xf32>
    %broadcast_in_dim3A_1407 = vector.shape_cast %reduce_min3A_1406 : vector<256xf32> to vector<256x1xf32>
    %eq3A_1408 = vector.broadcast %broadcast_in_dim3A_1407 : vector<256x1xf32> to vector<256x512xf32>
    %eq3A_1409 = arith.cmpf oeq, %select_n3A_1398, %eq3A_1408 : vector<256x512xf32>
    %jit3A_1410 = arith.constant 1073741824 : i32
    %broadcast_in_dim3A_1411 = vector.broadcast %jit3A_1410 : i32 to vector<256x512xi32>
    %select_n3A_1412 = arith.select %eq3A_1409, %concatenate3A_1129, %broadcast_in_dim3A_1411 : vector<256x512xi1>, vector<256x512xi32>
    %reduce_min3A_1413 = arith.constant dense<2147483647> : vector<256xi32>
    %reduce_min3A_1414 = vector.multi_reduction <minsi>, %select_n3A_1412, %reduce_min3A_1413 [1] : vector<256x512xi32> to vector<256xi32>
    %broadcast_in_dim3A_1415 = vector.shape_cast %reduce_min3A_1414 : vector<256xi32> to vector<256x1xi32>
    %eq3A_1416 = vector.broadcast %broadcast_in_dim3A_1415 : vector<256x1xi32> to vector<256x512xi32>
    %eq3A_1417 = arith.cmpi eq, %concatenate3A_1129, %eq3A_1416 : vector<256x512xi32>
    %and3A_1418 = arith.andi %eq3A_1409, %eq3A_1417 : vector<256x512xi1>
    %jit3A_1419 = arith.constant 3.000000e+38 : f32
    %broadcast_in_dim3A_1420 = vector.broadcast %jit3A_1419 : f32 to vector<256x512xf32>
    %select_n3A_1421 = arith.select %and3A_1418, %broadcast_in_dim3A_1420, %select_n3A_1398 : vector<256x512xi1>, vector<256x512xf32>
    %eq3A_1422 = arith.constant 12 : i32
    %eq3A_1423 = vector.broadcast %eq3A_1422 : i32 to vector<256x16xi32>
    %eq3A_1424 = arith.cmpi eq, %iota3A_1130, %eq3A_1423 : vector<256x16xi32>
    %broadcast_in_dim3A_1425 = vector.shape_cast %broadcast_in_dim3A_1415 : vector<256x1xi32> to vector<256x1xi32>
    %broadcast_in_dim3A_1426 = vector.broadcast %broadcast_in_dim3A_1425 : vector<256x1xi32> to vector<256x16xi32>
    %select_n3A_1427 = arith.select %eq3A_1424, %broadcast_in_dim3A_1426, %select_n3A_1404 : vector<256x16xi1>, vector<256x16xi32>
    %reduce_min3A_1428 = arith.constant dense<0x7F800000> : vector<256xf32>
    %reduce_min3A_1429 = vector.multi_reduction <minimumf>, %select_n3A_1421, %reduce_min3A_1428 [1] : vector<256x512xf32> to vector<256xf32>
    %broadcast_in_dim3A_1430 = vector.shape_cast %reduce_min3A_1429 : vector<256xf32> to vector<256x1xf32>
    %eq3A_1431 = vector.broadcast %broadcast_in_dim3A_1430 : vector<256x1xf32> to vector<256x512xf32>
    %eq3A_1432 = arith.cmpf oeq, %select_n3A_1421, %eq3A_1431 : vector<256x512xf32>
    %jit3A_1433 = arith.constant 1073741824 : i32
    %broadcast_in_dim3A_1434 = vector.broadcast %jit3A_1433 : i32 to vector<256x512xi32>
    %select_n3A_1435 = arith.select %eq3A_1432, %concatenate3A_1129, %broadcast_in_dim3A_1434 : vector<256x512xi1>, vector<256x512xi32>
    %reduce_min3A_1436 = arith.constant dense<2147483647> : vector<256xi32>
    %reduce_min3A_1437 = vector.multi_reduction <minsi>, %select_n3A_1435, %reduce_min3A_1436 [1] : vector<256x512xi32> to vector<256xi32>
    %broadcast_in_dim3A_1438 = vector.shape_cast %reduce_min3A_1437 : vector<256xi32> to vector<256x1xi32>
    %eq3A_1439 = vector.broadcast %broadcast_in_dim3A_1438 : vector<256x1xi32> to vector<256x512xi32>
    %eq3A_1440 = arith.cmpi eq, %concatenate3A_1129, %eq3A_1439 : vector<256x512xi32>
    %and3A_1441 = arith.andi %eq3A_1432, %eq3A_1440 : vector<256x512xi1>
    %jit3A_1442 = arith.constant 3.000000e+38 : f32
    %broadcast_in_dim3A_1443 = vector.broadcast %jit3A_1442 : f32 to vector<256x512xf32>
    %select_n3A_1444 = arith.select %and3A_1441, %broadcast_in_dim3A_1443, %select_n3A_1421 : vector<256x512xi1>, vector<256x512xf32>
    %eq3A_1445 = arith.constant 13 : i32
    %eq3A_1446 = vector.broadcast %eq3A_1445 : i32 to vector<256x16xi32>
    %eq3A_1447 = arith.cmpi eq, %iota3A_1130, %eq3A_1446 : vector<256x16xi32>
    %broadcast_in_dim3A_1448 = vector.shape_cast %broadcast_in_dim3A_1438 : vector<256x1xi32> to vector<256x1xi32>
    %broadcast_in_dim3A_1449 = vector.broadcast %broadcast_in_dim3A_1448 : vector<256x1xi32> to vector<256x16xi32>
    %select_n3A_1450 = arith.select %eq3A_1447, %broadcast_in_dim3A_1449, %select_n3A_1427 : vector<256x16xi1>, vector<256x16xi32>
    %reduce_min3A_1451 = arith.constant dense<0x7F800000> : vector<256xf32>
    %reduce_min3A_1452 = vector.multi_reduction <minimumf>, %select_n3A_1444, %reduce_min3A_1451 [1] : vector<256x512xf32> to vector<256xf32>
    %broadcast_in_dim3A_1453 = vector.shape_cast %reduce_min3A_1452 : vector<256xf32> to vector<256x1xf32>
    %eq3A_1454 = vector.broadcast %broadcast_in_dim3A_1453 : vector<256x1xf32> to vector<256x512xf32>
    %eq3A_1455 = arith.cmpf oeq, %select_n3A_1444, %eq3A_1454 : vector<256x512xf32>
    %jit3A_1456 = arith.constant 1073741824 : i32
    %broadcast_in_dim3A_1457 = vector.broadcast %jit3A_1456 : i32 to vector<256x512xi32>
    %select_n3A_1458 = arith.select %eq3A_1455, %concatenate3A_1129, %broadcast_in_dim3A_1457 : vector<256x512xi1>, vector<256x512xi32>
    %reduce_min3A_1459 = arith.constant dense<2147483647> : vector<256xi32>
    %reduce_min3A_1460 = vector.multi_reduction <minsi>, %select_n3A_1458, %reduce_min3A_1459 [1] : vector<256x512xi32> to vector<256xi32>
    %broadcast_in_dim3A_1461 = vector.shape_cast %reduce_min3A_1460 : vector<256xi32> to vector<256x1xi32>
    %eq3A_1462 = vector.broadcast %broadcast_in_dim3A_1461 : vector<256x1xi32> to vector<256x512xi32>
    %eq3A_1463 = arith.cmpi eq, %concatenate3A_1129, %eq3A_1462 : vector<256x512xi32>
    %and3A_1464 = arith.andi %eq3A_1455, %eq3A_1463 : vector<256x512xi1>
    %jit3A_1465 = arith.constant 3.000000e+38 : f32
    %broadcast_in_dim3A_1466 = vector.broadcast %jit3A_1465 : f32 to vector<256x512xf32>
    %select_n3A_1467 = arith.select %and3A_1464, %broadcast_in_dim3A_1466, %select_n3A_1444 : vector<256x512xi1>, vector<256x512xf32>
    %eq3A_1468 = arith.constant 14 : i32
    %eq3A_1469 = vector.broadcast %eq3A_1468 : i32 to vector<256x16xi32>
    %eq3A_1470 = arith.cmpi eq, %iota3A_1130, %eq3A_1469 : vector<256x16xi32>
    %broadcast_in_dim3A_1471 = vector.shape_cast %broadcast_in_dim3A_1461 : vector<256x1xi32> to vector<256x1xi32>
    %broadcast_in_dim3A_1472 = vector.broadcast %broadcast_in_dim3A_1471 : vector<256x1xi32> to vector<256x16xi32>
    %select_n3A_1473 = arith.select %eq3A_1470, %broadcast_in_dim3A_1472, %select_n3A_1450 : vector<256x16xi1>, vector<256x16xi32>
    %reduce_min3A_1474 = arith.constant dense<0x7F800000> : vector<256xf32>
    %reduce_min3A_1475 = vector.multi_reduction <minimumf>, %select_n3A_1467, %reduce_min3A_1474 [1] : vector<256x512xf32> to vector<256xf32>
    %broadcast_in_dim3A_1476 = vector.shape_cast %reduce_min3A_1475 : vector<256xf32> to vector<256x1xf32>
    %eq3A_1477 = vector.broadcast %broadcast_in_dim3A_1476 : vector<256x1xf32> to vector<256x512xf32>
    %eq3A_1478 = arith.cmpf oeq, %select_n3A_1467, %eq3A_1477 : vector<256x512xf32>
    %jit3A_1479 = arith.constant 1073741824 : i32
    %broadcast_in_dim3A_1480 = vector.broadcast %jit3A_1479 : i32 to vector<256x512xi32>
    %select_n3A_1481 = arith.select %eq3A_1478, %concatenate3A_1129, %broadcast_in_dim3A_1480 : vector<256x512xi1>, vector<256x512xi32>
    %reduce_min3A_1482 = arith.constant dense<2147483647> : vector<256xi32>
    %reduce_min3A_1483 = vector.multi_reduction <minsi>, %select_n3A_1481, %reduce_min3A_1482 [1] : vector<256x512xi32> to vector<256xi32>
    %broadcast_in_dim3A_1484 = vector.shape_cast %reduce_min3A_1483 : vector<256xi32> to vector<256x1xi32>
    %eq3A_1485 = arith.constant 15 : i32
    %eq3A_1486 = vector.broadcast %eq3A_1485 : i32 to vector<256x16xi32>
    %eq3A_1487 = arith.cmpi eq, %iota3A_1130, %eq3A_1486 : vector<256x16xi32>
    %broadcast_in_dim3A_1488 = vector.shape_cast %broadcast_in_dim3A_1484 : vector<256x1xi32> to vector<256x1xi32>
    %broadcast_in_dim3A_1489 = vector.broadcast %broadcast_in_dim3A_1488 : vector<256x1xi32> to vector<256x16xi32>
    %select_n3A_1490 = arith.select %eq3A_1487, %broadcast_in_dim3A_1489, %select_n3A_1473 : vector<256x16xi1>, vector<256x16xi32>
    %swap3A = arith.constant 0 : index
    %swap3A_1491 = arith.constant 0 : index
    %swap3A_1492 = vector.load %arg4[%swap3A, %swap3A_1491] : memref<256x16xi32, #tpu.memory_space<vmem>>, vector<256x16xi32>
    tpu.vector_store %arg4[%swap3A, %swap3A_1491], %select_n3A_1490 {strides = array<i32>} : memref<256x16xi32, #tpu.memory_space<vmem>>, vector<256x16xi32>,
    return
  }
  func.func @transform_0(%arg0: i32, %arg1: i32) -> (i32, i32) {
    %mul3A = arith.constant 4 : i32
    %mul3A_0 = arith.muli %arg0, %mul3A : i32
    %add3A = arith.addi %mul3A_0, %arg1 : i32
    %c0_i32 = arith.constant 0 : i32
    %c0_i32_1 = arith.constant 0 : i32
    return %add3A, %c0_i32 : i32, i32
  }
  func.func @transform_1(%arg0: i32, %arg1: i32) -> (i32, i32, i32) {
    %c0_i32 = arith.constant 0 : i32
    %c0_i32_0 = arith.constant 0 : i32
    %c0_i32_1 = arith.constant 0 : i32
    return %arg0, %c0_i32, %c0_i32_0 : i32, i32, i32
  }
  func.func @transform_2(%arg0: i32, %arg1: i32) -> (i32, i32) {
    %mul3A = arith.constant 4 : i32
    %mul3A_0 = arith.muli %arg0, %mul3A : i32
    %add3A = arith.addi %mul3A_0, %arg1 : i32
    %c0_i32 = arith.constant 0 : i32
    %c0_i32_1 = arith.constant 0 : i32
    return %add3A, %c0_i32 : i32, i32
  }
}

module attributes {stable_mosaic.version = 14 : i64} {
  func.func @_mlp_body(%arg0: i32, %arg1: i32, %arg2: memref<16x256x384xf32, #tpu.memory_space<vmem>>, %arg3: memref<256x256xf32, #tpu.memory_space<vmem>>, %arg4: memref<256x16xf32, #tpu.memory_space<vmem>>, %arg5: memref<16x64xf32, #tpu.memory_space<vmem>>, %arg6: memref<1x64xf32, #tpu.memory_space<vmem>>, %arg7: memref<64x256xf32, #tpu.memory_space<vmem>>, %arg8: memref<1x256xf32, #tpu.memory_space<vmem>>, %arg9: memref<256x1024xbf16, #tpu.memory_space<vmem>>, %arg10: memref<1x1024xbf16, #tpu.memory_space<vmem>>, %arg11: memref<1024x256xbf16, #tpu.memory_space<vmem>>, %arg12: memref<1x256xf32, #tpu.memory_space<vmem>>, %arg13: memref<256x256xf32, #tpu.memory_space<vmem>>) attributes {dimension_semantics = [#tpu.dimension_semantics<arbitrary>, #tpu.dimension_semantics<arbitrary>], iteration_bounds = array<i64: 2, 4>, scalar_prefetch = 0 : i64, scratch_operands = 0 : i64, tpu.core_type = #tpu.core_type<tc>, window_params = [{transform_indices = @transform_0, window_bounds = array<i64: 16, 256, 384>}, {transform_indices = @transform_1, window_bounds = array<i64: 256, 256>}, {transform_indices = @transform_2, window_bounds = array<i64: 256, 16>}, {pipeline_mode = #tpu.pipeline_mode<synchronous>, transform_indices = @transform_3, window_bounds = array<i64: 16, 64>}, {pipeline_mode = #tpu.pipeline_mode<synchronous>, transform_indices = @transform_4, window_bounds = array<i64: 1, 64>}, {pipeline_mode = #tpu.pipeline_mode<synchronous>, transform_indices = @transform_5, window_bounds = array<i64: 64, 256>}, {pipeline_mode = #tpu.pipeline_mode<synchronous>, transform_indices = @transform_6, window_bounds = array<i64: 1, 256>}, {pipeline_mode = #tpu.pipeline_mode<synchronous>, transform_indices = @transform_7, window_bounds = array<i64: 256, 1024>}, {pipeline_mode = #tpu.pipeline_mode<synchronous>, transform_indices = @transform_8, window_bounds = array<i64: 1, 1024>}, {pipeline_mode = #tpu.pipeline_mode<synchronous>, transform_indices = @transform_9, window_bounds = array<i64: 1024, 256>}, {pipeline_mode = #tpu.pipeline_mode<synchronous>, transform_indices = @transform_10, window_bounds = array<i64: 1, 256>}, {transform_indices = @transform_11, window_bounds = array<i64: 256, 256>}]} {
    %get3A = arith.constant 0 : index
    %get3A_0 = arith.constant 0 : index
    %get3A_1 = arith.constant 0 : index
    %get3A_2 = vector.load %arg2[%get3A, %get3A_0, %get3A_1] : memref<16x256x384xf32, #tpu.memory_space<vmem>>, vector<16x256x384xf32>
    %reshape3A = vector.shape_cast %get3A_2 : vector<16x256x384xf32> to vector<4096x384xf32>
    %slice3A = vector.extract_strided_slice %reshape3A {offsets = [0, 0], sizes = [4096, 256], strides = [1, 1]} : vector<4096x384xf32> to vector<4096x256xf32>
    %slice3A_3 = vector.extract_strided_slice %reshape3A {offsets = [0, 256], sizes = [4096, 16], strides = [1, 1]} : vector<4096x384xf32> to vector<4096x16xf32>
    %get3A_4 = arith.constant 0 : index
    %get3A_5 = arith.constant 0 : index
    %get3A_6 = vector.load %arg3[%get3A_4, %get3A_5] : memref<256x256xf32, #tpu.memory_space<vmem>>, vector<256x256xf32>
    %get3A_7 = arith.constant 0 : index
    %get3A_8 = arith.constant 0 : index
    %get3A_9 = vector.load %arg4[%get3A_7, %get3A_8] : memref<256x16xf32, #tpu.memory_space<vmem>>, vector<256x16xf32>
    %broadcast_in_dim3A = vector.shape_cast %get3A_6 : vector<256x256xf32> to vector<1x256x256xf32>
    %broadcast_in_dim3A_10 = vector.shape_cast %broadcast_in_dim3A : vector<1x256x256xf32> to vector<1x256x256xf32>
    %broadcast_in_dim3A_11 = vector.broadcast %broadcast_in_dim3A_10 : vector<1x256x256xf32> to vector<16x256x256xf32>
    %reshape3A_12 = vector.shape_cast %slice3A : vector<4096x256xf32> to vector<16x256x256xf32>
    %sub3A = arith.subf %broadcast_in_dim3A_11, %reshape3A_12 : vector<16x256x256xf32>
    %reshape3A_13 = vector.shape_cast %sub3A : vector<16x256x256xf32> to vector<4096x256xf32>
    %broadcast_in_dim3A_14 = vector.shape_cast %get3A_9 : vector<256x16xf32> to vector<1x256x16xf32>
    %broadcast_in_dim3A_15 = vector.shape_cast %broadcast_in_dim3A_14 : vector<1x256x16xf32> to vector<1x256x16xf32>
    %broadcast_in_dim3A_16 = vector.broadcast %broadcast_in_dim3A_15 : vector<1x256x16xf32> to vector<16x256x16xf32>
    %reshape3A_17 = vector.shape_cast %slice3A_3 : vector<4096x16xf32> to vector<16x256x16xf32>
    %sub3A_18 = arith.subf %broadcast_in_dim3A_16, %reshape3A_17 : vector<16x256x16xf32>
    %reshape3A_19 = vector.shape_cast %sub3A_18 : vector<16x256x16xf32> to vector<4096x16xf32>
    %get3A_20 = arith.constant 0 : index
    %get3A_21 = arith.constant 0 : index
    %get3A_22 = vector.load %arg5[%get3A_20, %get3A_21] : memref<16x64xf32, #tpu.memory_space<vmem>>, vector<16x64xf32>
    %dot_general3A = arith.constant dense<0.000000e+00> : vector<4096x64xf32>
    %dot_general3A_23 = tpu.matmul %reshape3A_19, %get3A_22, %dot_general3A {dimension_numbers = #tpu.dot_dimension_numbers<[1], [0], [0], [1], [0, 0, 1, 1], [], []>, transpose_lhs_hint = false} : vector<4096x16xf32>, vector<16x64xf32>, vector<4096x64xf32> -> vector<4096x64xf32>
    %get3A_24 = arith.constant 0 : index
    %get3A_25 = arith.constant 0 : index
    %get3A_26 = vector.load %arg6[%get3A_24, %get3A_25] : memref<1x64xf32, #tpu.memory_space<vmem>>, vector<1x64xf32>
    %add3A = vector.broadcast %get3A_26 : vector<1x64xf32> to vector<4096x64xf32>
    %add3A_27 = arith.addf %dot_general3A_23, %add3A : vector<4096x64xf32>
    %max3A = arith.constant 0.000000e+00 : f32
    %max3A_28 = vector.broadcast %max3A : f32 to vector<4096x64xf32>
    %max3A_29 = arith.maximumf %add3A_27, %max3A_28 : vector<4096x64xf32>
    %get3A_30 = arith.constant 0 : index
    %get3A_31 = arith.constant 0 : index
    %get3A_32 = vector.load %arg7[%get3A_30, %get3A_31] : memref<64x256xf32, #tpu.memory_space<vmem>>, vector<64x256xf32>
    %dot_general3A_33 = arith.constant dense<0.000000e+00> : vector<4096x256xf32>
    %dot_general3A_34 = tpu.matmul %max3A_29, %get3A_32, %dot_general3A_33 {dimension_numbers = #tpu.dot_dimension_numbers<[1], [0], [0], [1], [0, 0, 1, 1], [], []>, transpose_lhs_hint = false} : vector<4096x64xf32>, vector<64x256xf32>, vector<4096x256xf32> -> vector<4096x256xf32>
    %get3A_35 = arith.constant 0 : index
    %get3A_36 = arith.constant 0 : index
    %get3A_37 = vector.load %arg8[%get3A_35, %get3A_36] : memref<1x256xf32, #tpu.memory_space<vmem>>, vector<1x256xf32>
    %add3A_38 = vector.broadcast %get3A_37 : vector<1x256xf32> to vector<4096x256xf32>
    %add3A_39 = arith.addf %dot_general3A_34, %add3A_38 : vector<4096x256xf32>
    %add3A_40 = arith.addf %reshape3A_13, %add3A_39 : vector<4096x256xf32>
    %convert_element_type3A = arith.truncf %add3A_40 : vector<4096x256xf32> to vector<4096x256xbf16>
    %get3A_41 = arith.constant 0 : index
    %get3A_42 = arith.constant 0 : index
    %get3A_43 = vector.load %arg9[%get3A_41, %get3A_42] : memref<256x1024xbf16, #tpu.memory_space<vmem>>, vector<256x1024xbf16>
    %dot_general3A_44 = arith.constant dense<0.000000e+00> : vector<4096x1024xf32>
    %dot_general3A_45 = tpu.matmul %convert_element_type3A, %get3A_43, %dot_general3A_44 {dimension_numbers = #tpu.dot_dimension_numbers<[1], [0], [0], [1], [0, 0, 1, 1], [], []>, transpose_lhs_hint = false} : vector<4096x256xbf16>, vector<256x1024xbf16>, vector<4096x1024xf32> -> vector<4096x1024xf32>
    %convert_element_type3A_46 = arith.truncf %dot_general3A_45 : vector<4096x1024xf32> to vector<4096x1024xbf16>
    %get3A_47 = arith.constant 0 : index
    %get3A_48 = arith.constant 0 : index
    %get3A_49 = vector.load %arg10[%get3A_47, %get3A_48] : memref<1x1024xbf16, #tpu.memory_space<vmem>>, vector<1x1024xbf16>
    %add3A_50 = vector.broadcast %get3A_49 : vector<1x1024xbf16> to vector<4096x1024xbf16>
    %add3A_51 = arith.addf %convert_element_type3A_46, %add3A_50 : vector<4096x1024xbf16>
    %max3A_52 = arith.constant 0.000000e+00 : bf16
    %max3A_53 = vector.broadcast %max3A_52 : bf16 to vector<4096x1024xbf16>
    %max3A_54 = arith.maximumf %add3A_51, %max3A_53 : vector<4096x1024xbf16>
    %get3A_55 = arith.constant 0 : index
    %get3A_56 = arith.constant 0 : index
    %get3A_57 = vector.load %arg11[%get3A_55, %get3A_56] : memref<1024x256xbf16, #tpu.memory_space<vmem>>, vector<1024x256xbf16>
    %dot_general3A_58 = arith.constant dense<0.000000e+00> : vector<4096x256xf32>
    %dot_general3A_59 = tpu.matmul %max3A_54, %get3A_57, %dot_general3A_58 {dimension_numbers = #tpu.dot_dimension_numbers<[1], [0], [0], [1], [0, 0, 1, 1], [], []>, transpose_lhs_hint = false} : vector<4096x1024xbf16>, vector<1024x256xbf16>, vector<4096x256xf32> -> vector<4096x256xf32>
    %get3A_60 = arith.constant 0 : index
    %get3A_61 = arith.constant 0 : index
    %get3A_62 = vector.load %arg12[%get3A_60, %get3A_61] : memref<1x256xf32, #tpu.memory_space<vmem>>, vector<1x256xf32>
    %add3A_63 = vector.broadcast %get3A_62 : vector<1x256xf32> to vector<4096x256xf32>
    %add3A_64 = arith.addf %dot_general3A_59, %add3A_63 : vector<4096x256xf32>
    %reshape3A_65 = vector.shape_cast %add3A_64 : vector<4096x256xf32> to vector<16x256x256xf32>
    %add3A_66 = arith.addf %slice3A, %add3A_39 : vector<4096x256xf32>
    %reshape3A_67 = vector.shape_cast %add3A_66 : vector<4096x256xf32> to vector<16x256x256xf32>
    %slice3A_68 = vector.extract_strided_slice %reshape3A_65 {offsets = [0, 0, 0], sizes = [1, 256, 256], strides = [1, 1, 1]} : vector<16x256x256xf32> to vector<1x256x256xf32>
    %squeeze3A = vector.shape_cast %slice3A_68 : vector<1x256x256xf32> to vector<256x256xf32>
    %slice3A_69 = vector.extract_strided_slice %reshape3A_65 {offsets = [1, 0, 0], sizes = [1, 256, 256], strides = [1, 1, 1]} : vector<16x256x256xf32> to vector<1x256x256xf32>
    %squeeze3A_70 = vector.shape_cast %slice3A_69 : vector<1x256x256xf32> to vector<256x256xf32>
    %max3A_71 = arith.maximumf %squeeze3A, %squeeze3A_70 : vector<256x256xf32>
    %slice3A_72 = vector.extract_strided_slice %reshape3A_65 {offsets = [2, 0, 0], sizes = [1, 256, 256], strides = [1, 1, 1]} : vector<16x256x256xf32> to vector<1x256x256xf32>
    %squeeze3A_73 = vector.shape_cast %slice3A_72 : vector<1x256x256xf32> to vector<256x256xf32>
    %max3A_74 = arith.maximumf %max3A_71, %squeeze3A_73 : vector<256x256xf32>
    %slice3A_75 = vector.extract_strided_slice %reshape3A_65 {offsets = [3, 0, 0], sizes = [1, 256, 256], strides = [1, 1, 1]} : vector<16x256x256xf32> to vector<1x256x256xf32>
    %squeeze3A_76 = vector.shape_cast %slice3A_75 : vector<1x256x256xf32> to vector<256x256xf32>
    %max3A_77 = arith.maximumf %max3A_74, %squeeze3A_76 : vector<256x256xf32>
    %slice3A_78 = vector.extract_strided_slice %reshape3A_65 {offsets = [4, 0, 0], sizes = [1, 256, 256], strides = [1, 1, 1]} : vector<16x256x256xf32> to vector<1x256x256xf32>
    %squeeze3A_79 = vector.shape_cast %slice3A_78 : vector<1x256x256xf32> to vector<256x256xf32>
    %max3A_80 = arith.maximumf %max3A_77, %squeeze3A_79 : vector<256x256xf32>
    %slice3A_81 = vector.extract_strided_slice %reshape3A_65 {offsets = [5, 0, 0], sizes = [1, 256, 256], strides = [1, 1, 1]} : vector<16x256x256xf32> to vector<1x256x256xf32>
    %squeeze3A_82 = vector.shape_cast %slice3A_81 : vector<1x256x256xf32> to vector<256x256xf32>
    %max3A_83 = arith.maximumf %max3A_80, %squeeze3A_82 : vector<256x256xf32>
    %slice3A_84 = vector.extract_strided_slice %reshape3A_65 {offsets = [6, 0, 0], sizes = [1, 256, 256], strides = [1, 1, 1]} : vector<16x256x256xf32> to vector<1x256x256xf32>
    %squeeze3A_85 = vector.shape_cast %slice3A_84 : vector<1x256x256xf32> to vector<256x256xf32>
    %max3A_86 = arith.maximumf %max3A_83, %squeeze3A_85 : vector<256x256xf32>
    %slice3A_87 = vector.extract_strided_slice %reshape3A_65 {offsets = [7, 0, 0], sizes = [1, 256, 256], strides = [1, 1, 1]} : vector<16x256x256xf32> to vector<1x256x256xf32>
    %squeeze3A_88 = vector.shape_cast %slice3A_87 : vector<1x256x256xf32> to vector<256x256xf32>
    %max3A_89 = arith.maximumf %max3A_86, %squeeze3A_88 : vector<256x256xf32>
    %slice3A_90 = vector.extract_strided_slice %reshape3A_65 {offsets = [8, 0, 0], sizes = [1, 256, 256], strides = [1, 1, 1]} : vector<16x256x256xf32> to vector<1x256x256xf32>
    %squeeze3A_91 = vector.shape_cast %slice3A_90 : vector<1x256x256xf32> to vector<256x256xf32>
    %max3A_92 = arith.maximumf %max3A_89, %squeeze3A_91 : vector<256x256xf32>
    %slice3A_93 = vector.extract_strided_slice %reshape3A_65 {offsets = [9, 0, 0], sizes = [1, 256, 256], strides = [1, 1, 1]} : vector<16x256x256xf32> to vector<1x256x256xf32>
    %squeeze3A_94 = vector.shape_cast %slice3A_93 : vector<1x256x256xf32> to vector<256x256xf32>
    %max3A_95 = arith.maximumf %max3A_92, %squeeze3A_94 : vector<256x256xf32>
    %slice3A_96 = vector.extract_strided_slice %reshape3A_65 {offsets = [10, 0, 0], sizes = [1, 256, 256], strides = [1, 1, 1]} : vector<16x256x256xf32> to vector<1x256x256xf32>
    %squeeze3A_97 = vector.shape_cast %slice3A_96 : vector<1x256x256xf32> to vector<256x256xf32>
    %max3A_98 = arith.maximumf %max3A_95, %squeeze3A_97 : vector<256x256xf32>
    %slice3A_99 = vector.extract_strided_slice %reshape3A_65 {offsets = [11, 0, 0], sizes = [1, 256, 256], strides = [1, 1, 1]} : vector<16x256x256xf32> to vector<1x256x256xf32>
    %squeeze3A_100 = vector.shape_cast %slice3A_99 : vector<1x256x256xf32> to vector<256x256xf32>
    %max3A_101 = arith.maximumf %max3A_98, %squeeze3A_100 : vector<256x256xf32>
    %slice3A_102 = vector.extract_strided_slice %reshape3A_65 {offsets = [12, 0, 0], sizes = [1, 256, 256], strides = [1, 1, 1]} : vector<16x256x256xf32> to vector<1x256x256xf32>
    %squeeze3A_103 = vector.shape_cast %slice3A_102 : vector<1x256x256xf32> to vector<256x256xf32>
    %max3A_104 = arith.maximumf %max3A_101, %squeeze3A_103 : vector<256x256xf32>
    %slice3A_105 = vector.extract_strided_slice %reshape3A_65 {offsets = [13, 0, 0], sizes = [1, 256, 256], strides = [1, 1, 1]} : vector<16x256x256xf32> to vector<1x256x256xf32>
    %squeeze3A_106 = vector.shape_cast %slice3A_105 : vector<1x256x256xf32> to vector<256x256xf32>
    %max3A_107 = arith.maximumf %max3A_104, %squeeze3A_106 : vector<256x256xf32>
    %slice3A_108 = vector.extract_strided_slice %reshape3A_65 {offsets = [14, 0, 0], sizes = [1, 256, 256], strides = [1, 1, 1]} : vector<16x256x256xf32> to vector<1x256x256xf32>
    %squeeze3A_109 = vector.shape_cast %slice3A_108 : vector<1x256x256xf32> to vector<256x256xf32>
    %max3A_110 = arith.maximumf %max3A_107, %squeeze3A_109 : vector<256x256xf32>
    %slice3A_111 = vector.extract_strided_slice %reshape3A_65 {offsets = [15, 0, 0], sizes = [1, 256, 256], strides = [1, 1, 1]} : vector<16x256x256xf32> to vector<1x256x256xf32>
    %squeeze3A_112 = vector.shape_cast %slice3A_111 : vector<1x256x256xf32> to vector<256x256xf32>
    %max3A_113 = arith.maximumf %max3A_110, %squeeze3A_112 : vector<256x256xf32>
    %broadcast_in_dim3A_114 = arith.constant 0.000000e+00 : f32
    %broadcast_in_dim3A_115 = vector.broadcast %broadcast_in_dim3A_114 : f32 to vector<256x256xf32>
    %broadcast_in_dim3A_116 = arith.constant 0.000000e+00 : f32
    %broadcast_in_dim3A_117 = vector.broadcast %broadcast_in_dim3A_116 : f32 to vector<256x256xf32>
    %slice3A_118 = vector.extract_strided_slice %reshape3A_65 {offsets = [0, 0, 0], sizes = [1, 256, 256], strides = [1, 1, 1]} : vector<16x256x256xf32> to vector<1x256x256xf32>
    %squeeze3A_119 = vector.shape_cast %slice3A_118 : vector<1x256x256xf32> to vector<256x256xf32>
    %sub3A_120 = arith.subf %squeeze3A_119, %max3A_113 : vector<256x256xf32>
    %exp3A = math.exp %sub3A_120 : vector<256x256xf32>
    %slice3A_121 = vector.extract_strided_slice %reshape3A_67 {offsets = [0, 0, 0], sizes = [1, 256, 256], strides = [1, 1, 1]} : vector<16x256x256xf32> to vector<1x256x256xf32>
    %squeeze3A_122 = vector.shape_cast %slice3A_121 : vector<1x256x256xf32> to vector<256x256xf32>
    %mul3A = arith.mulf %exp3A, %squeeze3A_122 : vector<256x256xf32>
    %add3A_123 = arith.addf %broadcast_in_dim3A_115, %mul3A : vector<256x256xf32>
    %add3A_124 = arith.addf %broadcast_in_dim3A_117, %exp3A : vector<256x256xf32>
    %slice3A_125 = vector.extract_strided_slice %reshape3A_65 {offsets = [1, 0, 0], sizes = [1, 256, 256], strides = [1, 1, 1]} : vector<16x256x256xf32> to vector<1x256x256xf32>
    %squeeze3A_126 = vector.shape_cast %slice3A_125 : vector<1x256x256xf32> to vector<256x256xf32>
    %sub3A_127 = arith.subf %squeeze3A_126, %max3A_113 : vector<256x256xf32>
    %exp3A_128 = math.exp %sub3A_127 : vector<256x256xf32>
    %slice3A_129 = vector.extract_strided_slice %reshape3A_67 {offsets = [1, 0, 0], sizes = [1, 256, 256], strides = [1, 1, 1]} : vector<16x256x256xf32> to vector<1x256x256xf32>
    %squeeze3A_130 = vector.shape_cast %slice3A_129 : vector<1x256x256xf32> to vector<256x256xf32>
    %mul3A_131 = arith.mulf %exp3A_128, %squeeze3A_130 : vector<256x256xf32>
    %add3A_132 = arith.addf %add3A_123, %mul3A_131 : vector<256x256xf32>
    %add3A_133 = arith.addf %add3A_124, %exp3A_128 : vector<256x256xf32>
    %slice3A_134 = vector.extract_strided_slice %reshape3A_65 {offsets = [2, 0, 0], sizes = [1, 256, 256], strides = [1, 1, 1]} : vector<16x256x256xf32> to vector<1x256x256xf32>
    %squeeze3A_135 = vector.shape_cast %slice3A_134 : vector<1x256x256xf32> to vector<256x256xf32>
    %sub3A_136 = arith.subf %squeeze3A_135, %max3A_113 : vector<256x256xf32>
    %exp3A_137 = math.exp %sub3A_136 : vector<256x256xf32>
    %slice3A_138 = vector.extract_strided_slice %reshape3A_67 {offsets = [2, 0, 0], sizes = [1, 256, 256], strides = [1, 1, 1]} : vector<16x256x256xf32> to vector<1x256x256xf32>
    %squeeze3A_139 = vector.shape_cast %slice3A_138 : vector<1x256x256xf32> to vector<256x256xf32>
    %mul3A_140 = arith.mulf %exp3A_137, %squeeze3A_139 : vector<256x256xf32>
    %add3A_141 = arith.addf %add3A_132, %mul3A_140 : vector<256x256xf32>
    %add3A_142 = arith.addf %add3A_133, %exp3A_137 : vector<256x256xf32>
    %slice3A_143 = vector.extract_strided_slice %reshape3A_65 {offsets = [3, 0, 0], sizes = [1, 256, 256], strides = [1, 1, 1]} : vector<16x256x256xf32> to vector<1x256x256xf32>
    %squeeze3A_144 = vector.shape_cast %slice3A_143 : vector<1x256x256xf32> to vector<256x256xf32>
    %sub3A_145 = arith.subf %squeeze3A_144, %max3A_113 : vector<256x256xf32>
    %exp3A_146 = math.exp %sub3A_145 : vector<256x256xf32>
    %slice3A_147 = vector.extract_strided_slice %reshape3A_67 {offsets = [3, 0, 0], sizes = [1, 256, 256], strides = [1, 1, 1]} : vector<16x256x256xf32> to vector<1x256x256xf32>
    %squeeze3A_148 = vector.shape_cast %slice3A_147 : vector<1x256x256xf32> to vector<256x256xf32>
    %mul3A_149 = arith.mulf %exp3A_146, %squeeze3A_148 : vector<256x256xf32>
    %add3A_150 = arith.addf %add3A_141, %mul3A_149 : vector<256x256xf32>
    %add3A_151 = arith.addf %add3A_142, %exp3A_146 : vector<256x256xf32>
    %slice3A_152 = vector.extract_strided_slice %reshape3A_65 {offsets = [4, 0, 0], sizes = [1, 256, 256], strides = [1, 1, 1]} : vector<16x256x256xf32> to vector<1x256x256xf32>
    %squeeze3A_153 = vector.shape_cast %slice3A_152 : vector<1x256x256xf32> to vector<256x256xf32>
    %sub3A_154 = arith.subf %squeeze3A_153, %max3A_113 : vector<256x256xf32>
    %exp3A_155 = math.exp %sub3A_154 : vector<256x256xf32>
    %slice3A_156 = vector.extract_strided_slice %reshape3A_67 {offsets = [4, 0, 0], sizes = [1, 256, 256], strides = [1, 1, 1]} : vector<16x256x256xf32> to vector<1x256x256xf32>
    %squeeze3A_157 = vector.shape_cast %slice3A_156 : vector<1x256x256xf32> to vector<256x256xf32>
    %mul3A_158 = arith.mulf %exp3A_155, %squeeze3A_157 : vector<256x256xf32>
    %add3A_159 = arith.addf %add3A_150, %mul3A_158 : vector<256x256xf32>
    %add3A_160 = arith.addf %add3A_151, %exp3A_155 : vector<256x256xf32>
    %slice3A_161 = vector.extract_strided_slice %reshape3A_65 {offsets = [5, 0, 0], sizes = [1, 256, 256], strides = [1, 1, 1]} : vector<16x256x256xf32> to vector<1x256x256xf32>
    %squeeze3A_162 = vector.shape_cast %slice3A_161 : vector<1x256x256xf32> to vector<256x256xf32>
    %sub3A_163 = arith.subf %squeeze3A_162, %max3A_113 : vector<256x256xf32>
    %exp3A_164 = math.exp %sub3A_163 : vector<256x256xf32>
    %slice3A_165 = vector.extract_strided_slice %reshape3A_67 {offsets = [5, 0, 0], sizes = [1, 256, 256], strides = [1, 1, 1]} : vector<16x256x256xf32> to vector<1x256x256xf32>
    %squeeze3A_166 = vector.shape_cast %slice3A_165 : vector<1x256x256xf32> to vector<256x256xf32>
    %mul3A_167 = arith.mulf %exp3A_164, %squeeze3A_166 : vector<256x256xf32>
    %add3A_168 = arith.addf %add3A_159, %mul3A_167 : vector<256x256xf32>
    %add3A_169 = arith.addf %add3A_160, %exp3A_164 : vector<256x256xf32>
    %slice3A_170 = vector.extract_strided_slice %reshape3A_65 {offsets = [6, 0, 0], sizes = [1, 256, 256], strides = [1, 1, 1]} : vector<16x256x256xf32> to vector<1x256x256xf32>
    %squeeze3A_171 = vector.shape_cast %slice3A_170 : vector<1x256x256xf32> to vector<256x256xf32>
    %sub3A_172 = arith.subf %squeeze3A_171, %max3A_113 : vector<256x256xf32>
    %exp3A_173 = math.exp %sub3A_172 : vector<256x256xf32>
    %slice3A_174 = vector.extract_strided_slice %reshape3A_67 {offsets = [6, 0, 0], sizes = [1, 256, 256], strides = [1, 1, 1]} : vector<16x256x256xf32> to vector<1x256x256xf32>
    %squeeze3A_175 = vector.shape_cast %slice3A_174 : vector<1x256x256xf32> to vector<256x256xf32>
    %mul3A_176 = arith.mulf %exp3A_173, %squeeze3A_175 : vector<256x256xf32>
    %add3A_177 = arith.addf %add3A_168, %mul3A_176 : vector<256x256xf32>
    %add3A_178 = arith.addf %add3A_169, %exp3A_173 : vector<256x256xf32>
    %slice3A_179 = vector.extract_strided_slice %reshape3A_65 {offsets = [7, 0, 0], sizes = [1, 256, 256], strides = [1, 1, 1]} : vector<16x256x256xf32> to vector<1x256x256xf32>
    %squeeze3A_180 = vector.shape_cast %slice3A_179 : vector<1x256x256xf32> to vector<256x256xf32>
    %sub3A_181 = arith.subf %squeeze3A_180, %max3A_113 : vector<256x256xf32>
    %exp3A_182 = math.exp %sub3A_181 : vector<256x256xf32>
    %slice3A_183 = vector.extract_strided_slice %reshape3A_67 {offsets = [7, 0, 0], sizes = [1, 256, 256], strides = [1, 1, 1]} : vector<16x256x256xf32> to vector<1x256x256xf32>
    %squeeze3A_184 = vector.shape_cast %slice3A_183 : vector<1x256x256xf32> to vector<256x256xf32>
    %mul3A_185 = arith.mulf %exp3A_182, %squeeze3A_184 : vector<256x256xf32>
    %add3A_186 = arith.addf %add3A_177, %mul3A_185 : vector<256x256xf32>
    %add3A_187 = arith.addf %add3A_178, %exp3A_182 : vector<256x256xf32>
    %slice3A_188 = vector.extract_strided_slice %reshape3A_65 {offsets = [8, 0, 0], sizes = [1, 256, 256], strides = [1, 1, 1]} : vector<16x256x256xf32> to vector<1x256x256xf32>
    %squeeze3A_189 = vector.shape_cast %slice3A_188 : vector<1x256x256xf32> to vector<256x256xf32>
    %sub3A_190 = arith.subf %squeeze3A_189, %max3A_113 : vector<256x256xf32>
    %exp3A_191 = math.exp %sub3A_190 : vector<256x256xf32>
    %slice3A_192 = vector.extract_strided_slice %reshape3A_67 {offsets = [8, 0, 0], sizes = [1, 256, 256], strides = [1, 1, 1]} : vector<16x256x256xf32> to vector<1x256x256xf32>
    %squeeze3A_193 = vector.shape_cast %slice3A_192 : vector<1x256x256xf32> to vector<256x256xf32>
    %mul3A_194 = arith.mulf %exp3A_191, %squeeze3A_193 : vector<256x256xf32>
    %add3A_195 = arith.addf %add3A_186, %mul3A_194 : vector<256x256xf32>
    %add3A_196 = arith.addf %add3A_187, %exp3A_191 : vector<256x256xf32>
    %slice3A_197 = vector.extract_strided_slice %reshape3A_65 {offsets = [9, 0, 0], sizes = [1, 256, 256], strides = [1, 1, 1]} : vector<16x256x256xf32> to vector<1x256x256xf32>
    %squeeze3A_198 = vector.shape_cast %slice3A_197 : vector<1x256x256xf32> to vector<256x256xf32>
    %sub3A_199 = arith.subf %squeeze3A_198, %max3A_113 : vector<256x256xf32>
    %exp3A_200 = math.exp %sub3A_199 : vector<256x256xf32>
    %slice3A_201 = vector.extract_strided_slice %reshape3A_67 {offsets = [9, 0, 0], sizes = [1, 256, 256], strides = [1, 1, 1]} : vector<16x256x256xf32> to vector<1x256x256xf32>
    %squeeze3A_202 = vector.shape_cast %slice3A_201 : vector<1x256x256xf32> to vector<256x256xf32>
    %mul3A_203 = arith.mulf %exp3A_200, %squeeze3A_202 : vector<256x256xf32>
    %add3A_204 = arith.addf %add3A_195, %mul3A_203 : vector<256x256xf32>
    %add3A_205 = arith.addf %add3A_196, %exp3A_200 : vector<256x256xf32>
    %slice3A_206 = vector.extract_strided_slice %reshape3A_65 {offsets = [10, 0, 0], sizes = [1, 256, 256], strides = [1, 1, 1]} : vector<16x256x256xf32> to vector<1x256x256xf32>
    %squeeze3A_207 = vector.shape_cast %slice3A_206 : vector<1x256x256xf32> to vector<256x256xf32>
    %sub3A_208 = arith.subf %squeeze3A_207, %max3A_113 : vector<256x256xf32>
    %exp3A_209 = math.exp %sub3A_208 : vector<256x256xf32>
    %slice3A_210 = vector.extract_strided_slice %reshape3A_67 {offsets = [10, 0, 0], sizes = [1, 256, 256], strides = [1, 1, 1]} : vector<16x256x256xf32> to vector<1x256x256xf32>
    %squeeze3A_211 = vector.shape_cast %slice3A_210 : vector<1x256x256xf32> to vector<256x256xf32>
    %mul3A_212 = arith.mulf %exp3A_209, %squeeze3A_211 : vector<256x256xf32>
    %add3A_213 = arith.addf %add3A_204, %mul3A_212 : vector<256x256xf32>
    %add3A_214 = arith.addf %add3A_205, %exp3A_209 : vector<256x256xf32>
    %slice3A_215 = vector.extract_strided_slice %reshape3A_65 {offsets = [11, 0, 0], sizes = [1, 256, 256], strides = [1, 1, 1]} : vector<16x256x256xf32> to vector<1x256x256xf32>
    %squeeze3A_216 = vector.shape_cast %slice3A_215 : vector<1x256x256xf32> to vector<256x256xf32>
    %sub3A_217 = arith.subf %squeeze3A_216, %max3A_113 : vector<256x256xf32>
    %exp3A_218 = math.exp %sub3A_217 : vector<256x256xf32>
    %slice3A_219 = vector.extract_strided_slice %reshape3A_67 {offsets = [11, 0, 0], sizes = [1, 256, 256], strides = [1, 1, 1]} : vector<16x256x256xf32> to vector<1x256x256xf32>
    %squeeze3A_220 = vector.shape_cast %slice3A_219 : vector<1x256x256xf32> to vector<256x256xf32>
    %mul3A_221 = arith.mulf %exp3A_218, %squeeze3A_220 : vector<256x256xf32>
    %add3A_222 = arith.addf %add3A_213, %mul3A_221 : vector<256x256xf32>
    %add3A_223 = arith.addf %add3A_214, %exp3A_218 : vector<256x256xf32>
    %slice3A_224 = vector.extract_strided_slice %reshape3A_65 {offsets = [12, 0, 0], sizes = [1, 256, 256], strides = [1, 1, 1]} : vector<16x256x256xf32> to vector<1x256x256xf32>
    %squeeze3A_225 = vector.shape_cast %slice3A_224 : vector<1x256x256xf32> to vector<256x256xf32>
    %sub3A_226 = arith.subf %squeeze3A_225, %max3A_113 : vector<256x256xf32>
    %exp3A_227 = math.exp %sub3A_226 : vector<256x256xf32>
    %slice3A_228 = vector.extract_strided_slice %reshape3A_67 {offsets = [12, 0, 0], sizes = [1, 256, 256], strides = [1, 1, 1]} : vector<16x256x256xf32> to vector<1x256x256xf32>
    %squeeze3A_229 = vector.shape_cast %slice3A_228 : vector<1x256x256xf32> to vector<256x256xf32>
    %mul3A_230 = arith.mulf %exp3A_227, %squeeze3A_229 : vector<256x256xf32>
    %add3A_231 = arith.addf %add3A_222, %mul3A_230 : vector<256x256xf32>
    %add3A_232 = arith.addf %add3A_223, %exp3A_227 : vector<256x256xf32>
    %slice3A_233 = vector.extract_strided_slice %reshape3A_65 {offsets = [13, 0, 0], sizes = [1, 256, 256], strides = [1, 1, 1]} : vector<16x256x256xf32> to vector<1x256x256xf32>
    %squeeze3A_234 = vector.shape_cast %slice3A_233 : vector<1x256x256xf32> to vector<256x256xf32>
    %sub3A_235 = arith.subf %squeeze3A_234, %max3A_113 : vector<256x256xf32>
    %exp3A_236 = math.exp %sub3A_235 : vector<256x256xf32>
    %slice3A_237 = vector.extract_strided_slice %reshape3A_67 {offsets = [13, 0, 0], sizes = [1, 256, 256], strides = [1, 1, 1]} : vector<16x256x256xf32> to vector<1x256x256xf32>
    %squeeze3A_238 = vector.shape_cast %slice3A_237 : vector<1x256x256xf32> to vector<256x256xf32>
    %mul3A_239 = arith.mulf %exp3A_236, %squeeze3A_238 : vector<256x256xf32>
    %add3A_240 = arith.addf %add3A_231, %mul3A_239 : vector<256x256xf32>
    %add3A_241 = arith.addf %add3A_232, %exp3A_236 : vector<256x256xf32>
    %slice3A_242 = vector.extract_strided_slice %reshape3A_65 {offsets = [14, 0, 0], sizes = [1, 256, 256], strides = [1, 1, 1]} : vector<16x256x256xf32> to vector<1x256x256xf32>
    %squeeze3A_243 = vector.shape_cast %slice3A_242 : vector<1x256x256xf32> to vector<256x256xf32>
    %sub3A_244 = arith.subf %squeeze3A_243, %max3A_113 : vector<256x256xf32>
    %exp3A_245 = math.exp %sub3A_244 : vector<256x256xf32>
    %slice3A_246 = vector.extract_strided_slice %reshape3A_67 {offsets = [14, 0, 0], sizes = [1, 256, 256], strides = [1, 1, 1]} : vector<16x256x256xf32> to vector<1x256x256xf32>
    %squeeze3A_247 = vector.shape_cast %slice3A_246 : vector<1x256x256xf32> to vector<256x256xf32>
    %mul3A_248 = arith.mulf %exp3A_245, %squeeze3A_247 : vector<256x256xf32>
    %add3A_249 = arith.addf %add3A_240, %mul3A_248 : vector<256x256xf32>
    %add3A_250 = arith.addf %add3A_241, %exp3A_245 : vector<256x256xf32>
    %slice3A_251 = vector.extract_strided_slice %reshape3A_65 {offsets = [15, 0, 0], sizes = [1, 256, 256], strides = [1, 1, 1]} : vector<16x256x256xf32> to vector<1x256x256xf32>
    %squeeze3A_252 = vector.shape_cast %slice3A_251 : vector<1x256x256xf32> to vector<256x256xf32>
    %sub3A_253 = arith.subf %squeeze3A_252, %max3A_113 : vector<256x256xf32>
    %exp3A_254 = math.exp %sub3A_253 : vector<256x256xf32>
    %slice3A_255 = vector.extract_strided_slice %reshape3A_67 {offsets = [15, 0, 0], sizes = [1, 256, 256], strides = [1, 1, 1]} : vector<16x256x256xf32> to vector<1x256x256xf32>
    %squeeze3A_256 = vector.shape_cast %slice3A_255 : vector<1x256x256xf32> to vector<256x256xf32>
    %mul3A_257 = arith.mulf %exp3A_254, %squeeze3A_256 : vector<256x256xf32>
    %add3A_258 = arith.addf %add3A_249, %mul3A_257 : vector<256x256xf32>
    %add3A_259 = arith.addf %add3A_250, %exp3A_254 : vector<256x256xf32>
    %div3A = arith.divf %add3A_258, %add3A_259 : vector<256x256xf32>
    %swap3A = arith.constant 0 : index
    %swap3A_260 = arith.constant 0 : index
    %swap3A_261 = vector.load %arg13[%swap3A, %swap3A_260] : memref<256x256xf32, #tpu.memory_space<vmem>>, vector<256x256xf32>
    tpu.vector_store %arg13[%swap3A, %swap3A_260], %div3A {strides = array<i32>} : memref<256x256xf32, #tpu.memory_space<vmem>>, vector<256x256xf32>,
    return
  }
  func.func @transform_0(%arg0: i32, %arg1: i32) -> (i32, i32, i32) {
    %c0_i32 = arith.constant 0 : i32
    %c0_i32_0 = arith.constant 0 : i32
    return %arg0, %arg1, %c0_i32 : i32, i32, i32
  }
  func.func @transform_1(%arg0: i32, %arg1: i32) -> (i32, i32) {
    %mul3A = arith.constant 4 : i32
    %mul3A_0 = arith.muli %arg0, %mul3A : i32
    %add3A = arith.addi %mul3A_0, %arg1 : i32
    %c0_i32 = arith.constant 0 : i32
    %c0_i32_1 = arith.constant 0 : i32
    return %add3A, %c0_i32 : i32, i32
  }
  func.func @transform_2(%arg0: i32, %arg1: i32) -> (i32, i32) {
    %mul3A = arith.constant 4 : i32
    %mul3A_0 = arith.muli %arg0, %mul3A : i32
    %add3A = arith.addi %mul3A_0, %arg1 : i32
    %c0_i32 = arith.constant 0 : i32
    %c0_i32_1 = arith.constant 0 : i32
    return %add3A, %c0_i32 : i32, i32
  }
  func.func @transform_3(%arg0: i32, %arg1: i32) -> (i32, i32) {
    %c0_i32 = arith.constant 0 : i32
    %c0_i32_0 = arith.constant 0 : i32
    %c0_i32_1 = arith.constant 0 : i32
    return %c0_i32, %c0_i32_0 : i32, i32
  }
  func.func @transform_4(%arg0: i32, %arg1: i32) -> (i32, i32) {
    %c0_i32 = arith.constant 0 : i32
    %c0_i32_0 = arith.constant 0 : i32
    %c0_i32_1 = arith.constant 0 : i32
    return %c0_i32, %c0_i32_0 : i32, i32
  }
  func.func @transform_5(%arg0: i32, %arg1: i32) -> (i32, i32) {
    %c0_i32 = arith.constant 0 : i32
    %c0_i32_0 = arith.constant 0 : i32
    %c0_i32_1 = arith.constant 0 : i32
    return %c0_i32, %c0_i32_0 : i32, i32
  }
  func.func @transform_6(%arg0: i32, %arg1: i32) -> (i32, i32) {
    %c0_i32 = arith.constant 0 : i32
    %c0_i32_0 = arith.constant 0 : i32
    %c0_i32_1 = arith.constant 0 : i32
    return %c0_i32, %c0_i32_0 : i32, i32
  }
  func.func @transform_7(%arg0: i32, %arg1: i32) -> (i32, i32) {
    %c0_i32 = arith.constant 0 : i32
    %c0_i32_0 = arith.constant 0 : i32
    %c0_i32_1 = arith.constant 0 : i32
    return %c0_i32, %c0_i32_0 : i32, i32
  }
  func.func @transform_8(%arg0: i32, %arg1: i32) -> (i32, i32) {
    %c0_i32 = arith.constant 0 : i32
    %c0_i32_0 = arith.constant 0 : i32
    %c0_i32_1 = arith.constant 0 : i32
    return %c0_i32, %c0_i32_0 : i32, i32
  }
  func.func @transform_9(%arg0: i32, %arg1: i32) -> (i32, i32) {
    %c0_i32 = arith.constant 0 : i32
    %c0_i32_0 = arith.constant 0 : i32
    %c0_i32_1 = arith.constant 0 : i32
    return %c0_i32, %c0_i32_0 : i32, i32
  }
  func.func @transform_10(%arg0: i32, %arg1: i32) -> (i32, i32) {
    %c0_i32 = arith.constant 0 : i32
    %c0_i32_0 = arith.constant 0 : i32
    %c0_i32_1 = arith.constant 0 : i32
    return %c0_i32, %c0_i32_0 : i32, i32
  }
  func.func @transform_11(%arg0: i32, %arg1: i32) -> (i32, i32) {
    %mul3A = arith.constant 4 : i32
    %mul3A_0 = arith.muli %arg0, %mul3A : i32
    %add3A = arith.addi %mul3A_0, %arg1 : i32
    %c0_i32 = arith.constant 0 : i32
    %c0_i32_1 = arith.constant 0 : i32
    return %add3A, %c0_i32 : i32, i32
  }
}

</mosaic_0001>

<sc_bundles>
// kernel: kernel.11.cloned.1.call-start
scs
__scs_entry_jumppad:
0x0: {  	(pc) =	sbr.rel $0x88, $3  }
0x1: {  	(tag) =	ssettag $0x0;
	lr =	simm.s32 $0x1  }
0x2: {  	[smem:$0x3F91] =	sst lr;
	_ =	strace $0xD0000000  }
0x3: {  	_ = 	snop  }
0x4: {  	_ = 	snop  }
0x5: {  	_ = 	snop  }
0x6: {  	_ = 	snop  }
0x7: {  	_ = 	snop  }
__scs_overlays_trampoline_lowered:
0x8: {  	[smem:$0x3FA0] =	sst s0  }
0x9: {  	[smem:$0x3FA1] =	sst s1  }
0xa: {  	[smem:$0x3FA2] =	sst s2  }
0xb: {  	[smem:$0x3FA3] =	sst s3  }
0xc: {  	[smem:$0x3FA4] =	sst s4  }
0xd: {  	[smem:$0x3FA5] =	sst s5  }
0xe: {  	[smem:$0x3FA6] =	sst s6  }
0xf: {  	[smem:$0x3FA7] =	sst s7  }
0x10: {  	[smem:$0x3FA8] =	sst s8  }
0x11: {  	[smem:$0x3FA9] =	sst s9;
	s0 =	simm.s32 @!p0 $0x0  }
0x12: {  	s1 =	sld [smem:$0x3F8F];
	s0 =	simm.s32 @p0 $0x1  }
0x13: {  	[smem:$0x3FAA] =	sst s0;
	s0 =	simm.s32 @!p1 $0x0  }
0x14: {  	s2 =	sld [smem:$0x3F8E];
	s0 =	simm.s32 @p1 $0x1  }
0x15: {  	[smem:$0x3FAB] =	sst s0;
	s0 =	simm.s32 @!p2 $0x0  }
0x16: {  	s3 =	sld [smem:$0x3FDB];
	s0 =	simm.s32 @p2 $0x1  }
0x17: {  	s4 =	simm.s32 $0x1BF5;
	[smem:$0x3FAD] =	sst s0  }
0x18: {  	s0 =	sld [smem:$0x3F90];
	_ =	swait.ge [sflag:s4], $0x0  }
0x19: {  	s7 =	sld [smem:$0x3F91]  }
0x1a: {  	s8 =	sadd.s32 $0xFFFFE003, lr  }
0x1b: {  	s9 =	sadd.s32 $0xFFFFFEF7, lr;
	s5 =	simm.s32 $0xFFFFFFFF;
	p2 =	slt.u32 s8, $0xFFFFF086  }
0x1c: {  	p1 =	slt.u32 s9, $0xF7A;
	s5 =	simm.s32 @!p2 $0x0  }
0x1d: {  	s5 =	simm.s32 @p1 $0x1;
	p0 =	seq.s32 s7, s2  }
0x1e: {  	s7 =	smul.u32 @!p0 $0xF7A, s2;
	p2 =	seq.s32 @!p0 s5, $0x0  }
0x1f: {  	s9 =	smul.u32 $0xF7A, s1;
	s8 =	simm.s32 @!p0 $0x1BF5;
	p2 =	por !p2, p0  }
0x20: {  	[sflag:s8] =	ssyncset.s32 @!p0 $0xFFFFF086;
	s6 =	sadd.s32 @!p0 s3, s7;
	s7 =	simm.s32 @!p0 $0x108  }
0x21: {  	s3 =	sadd.s32 s3, s9;
	s6 =	sadd.s32 @!p0 $0x88, s6;
	s7 =	simm.s32 @p2 $0x1082  }
0x22: {  	[simem:s7], [sflag:s8] =	dma.local @!p0 [hbm:s6], $0xF7A  }
0x23: {  	s9 =	sor.u32 $0xD0000000, s2;
	s6 =	simm.s32 $0x108;
	_ =	swait.ge @!p0 [sflag:s8], $0x0  }
0x24: {  	s3 =	sadd.s32 $0x88, s3;
	s6 =	simm.s32 @!p1 $0x1082;
	[sflag:s4] =	ssyncset.s32 $0xFFFFF086  }
0x25: {  	[simem:s6], [sflag:s4] =	dma.local [hbm:s3], $0xF7A  }
0x26: {  	[smem:$0x3F91] =	sst s1;
	(tag) =	ssettag s2;
	_ =	strace s9  }
0x27: {  	s1 =	sld [smem:$0x3FA1]  }
0x28: {  	s2 =	sld [smem:$0x3FA2]  }
0x29: {  	s4 =	sld [smem:$0x3FA4]  }
0x2a: {  	p0 =	seq.s32 s5, $0x0;
	s5 =	sld [smem:$0x3FA5]  }
0x2b: {  	s6 =	sld [smem:$0x3FA6]  }
0x2c: {  	s7 =	sld [smem:$0x3FA7]  }
0x2d: {  	s3 =	simm.s32 $0x108;
	s8 =	sld [smem:$0x3FA8]  }
0x2e: {  	s3 =	simm.s32 @!p0 $0x1082;
	s9 =	sld [smem:$0x3FA9]  }
0x2f: {  	lr =	sadd.s32 s0, s3;
	s0 =	sld [smem:$0x3FA0]  }
0x30: {  	s3 =	sld [smem:$0x3FA3]  }
0x31: {  	[smem:$0x3FAC] =	sst s10  }
0x32: {  	s10 =	sld [smem:$0x3FAA];
	_ =	sdelay $0x3  }
0x33: {  	p0 =	seq.s32 s10, $0x1;
	s10 =	sld [smem:$0x3FAC];
	_ =	sdelay $0x3  }
0x34: {  	[smem:$0x3FAC] =	sst s10  }
0x35: {  	s10 =	sld [smem:$0x3FAB];
	_ =	sdelay $0x3  }
0x36: {  	p1 =	seq.s32 s10, $0x1;
	s10 =	sld [smem:$0x3FAC];
	_ =	sdelay $0x3  }
0x37: {  	[smem:$0x3FAC] =	sst s10  }
0x38: {  	s10 =	sld [smem:$0x3FAD]  }
0x39: {  	_ = 	snop;
	(pc) =	sbr.ind lr, $3  }
0x3a: {  	_ = 	snop  }
0x3b: {  	_ = 	snop  }
0x3c: {  	p2 =	seq.s32 s10, $0x1;
	s10 =	sld [smem:$0x3FAC]  }
0x3d: {  	_ =	shalt  }
0x3e: {  	_ =	shalt  }
0x3f: {  	_ =	shalt  }
0x40: {  	_ =	shalt  }
0x41: {  	_ =	shalt  }
0x42: {  	_ =	shalt  }
0x43: {  	_ =	shalt  }
0x44: {  	_ =	shalt  }
0x45: {  	_ =	shalt  }
0x46: {  	_ =	shalt  }
0x47: {  	_ =	shalt  }
0x48: {  	_ =	shalt  }
0x49: {  	_ =	shalt  }
0x4a: {  	_ =	shalt  }
0x4b: {  	_ =	shalt  }
0x4c: {  	_ =	shalt  }
0x4d: {  	_ =	shalt  }
0x4e: {  	_ =	shalt  }
0x4f: {  	_ =	shalt  }
0x50: {  	_ =	shalt  }
0x51: {  	_ =	shalt  }
0x52: {  	_ =	shalt  }
0x53: {  	_ =	shalt  }
0x54: {  	_ =	shalt  }
0x55: {  	_ =	shalt  }
0x56: {  	_ =	shalt  }
0x57: {  	_ =	shalt  }
0x58: {  	_ =	shalt  }
0x59: {  	_ =	shalt  }
0x5a: {  	_ =	shalt  }
0x5b: {  	_ =	shalt  }
0x5c: {  	_ =	shalt  }
0x5d: {  	_ =	shalt  }
0x5e: {  	_ =	shalt  }
0x5f: {  	_ =	shalt  }
0x60: {  	_ =	shalt  }
0x61: {  	_ =	shalt  }
0x62: {  	_ =	shalt  }
0x63: {  	_ =	shalt  }
0x64: {  	_ =	shalt  }
0x65: {  	_ =	shalt  }
0x66: {  	_ =	shalt  }
0x67: {  	_ =	shalt  }
0x68: {  	_ =	shalt  }
0x69: {  	_ =	shalt  }
0x6a: {  	_ =	shalt  }
0x6b: {  	_ =	shalt  }
0x6c: {  	_ =	shalt  }
0x6d: {  	_ =	shalt  }
0x6e: {  	_ =	shalt  }
0x6f: {  	_ =	shalt  }
0x70: {  	_ =	shalt  }
0x71: {  	_ =	shalt  }
0x72: {  	_ =	shalt  }
0x73: {  	_ =	shalt  }
0x74: {  	_ =	shalt  }
0x75: {  	_ =	shalt  }
0x76: {  	_ =	shalt  }
0x77: {  	_ =	shalt  }
0x78: {  	_ =	shalt  }
0x79: {  	_ =	shalt  }
0x7a: {  	_ =	shalt  }
0x7b: {  	_ =	shalt  }
0x7c: {  	_ =	shalt  }
0x7d: {  	_ =	shalt  }
0x7e: {  	_ =	shalt  }
0x7f: {  	_ =	shalt  }
0x80: {  	_ =	shalt  }
0x81: {  	_ =	shalt  }
0x82: {  	_ =	shalt  }
0x83: {  	_ =	shalt  }
0x84: {  	_ =	shalt  }
0x85: {  	_ =	shalt  }
0x86: {  	_ =	shalt  }
0x87: {  	_ =	shalt  }
.Lfunc_end0:
.L_simem_size_0:
called_computation.1_lowered:
.L_overlay_start_0:
0x88: {  	s2 =	sld [smem:$0x3FD9]  }
0x89: {  	s3 =	sld [smem:$0x3FFE];
	_ =	sdelay $0x1  }
0x8a: {  	s1 =	srdreg.scid  }
0x8b: {  	s0 =	sand.u32 $0x1, s1  }
0x8c: {  	s17 =	sshll.u32 s0, $0xA;
	s2 =	sadd.s32 s3, s2  }
0x8d: {  	s2 =	sadd.s32 s2, s17  }
0x8e: {  	[smem:$0x3FB8] =	sst s2  }
0x8f: {  	_ = 	snop  }
0x90: {  	s18 =	sld [smem:$0x3FD0];
	(tm) =	ssettm $0x1  }
0x91: {  	s19 =	sld [smem:$0x3FFB];
	_ =	sdelay $0x3  }
0x92: {  	_ =	strace s19  }
0x93: {  	s2 =	sld [smem:$0x3FFC];
	_ =	sdelay $0x3  }
0x94: {  	_ =	strace s2  }
0x95: {  	s2 =	sld [smem:$0x3FFD];
	_ =	sdelay $0x3  }
0x96: {  	_ =	strace s2  }
0x97: {  	_ =	strace $0x8FFFFFFF  }
0x98: {  	s20 =	sld [smem:$0x3FDB];
	_ =	sdelay $0x1  }
0x99: {  	s4 =	simm.s32 $_scs_section_size  }
0x9a: {  	s5 =	simm.s32 $_size__tile_overlayer_lowered;
	s6 =	simm.s32 $_tile_overlayer_lowered  }
0x9b: {  	s7 =	simm.s32 $0x1BFF;
	s21 =	sshll.u32 s6, $0x1;
	s4 =	sadd.s32 s4, s20  }
0x9c: {  	s22 =	simm.s32 $0x0;
	s5 =	sshll.u32 s5, $0x1;
	s6 =	sadd.s32 s21, s4  }
0x9d: {  	[timem:s22], [sflag:s7] =	dma.local [hbm:s6], s5  }
0x9e: {  	_ =	swait.ge [sflag:s7], s5  }
0x9f: {  	s5 =	ssub.s32 $0x0, s5;
	[sflag:s7] =	ssyncset.done $0x0  }
0xa0: {  	[sflag:s7] =	ssyncadd.s32 s5;
	_ =	sdelay $0x1  }
0xa1: {  	s23 =	simm.s32 $0x1B8B  }
0xa2: {  	_ =	swait.ge [sflag:s23], $0x1  }
0xa3: {  	[sflag:s23] =	ssyncset.done $0x0  }
0xa4: {  	[sflag:s23] =	ssyncadd.s32 $0xFFFFFFFF  }
0xa5: {  	s5 =	sld [smem:$0x0]  }
0xa6: {  	s6 =	sand.u32 $0xFFFFFFFE, s1  }
0xa7: {  	p0 =	sne.s32 s1, s6  }
0xa8: {  	s6 =	sshll.u32 @p0 s6, $0xE  }
0xa9: {  	s6 =	sadd.s32 @p0 $0x11B8D, s6;
	s7 =	sshll.u32 @p0 s5, $0x11  }
0xaa: {  	s6 =	sor.u32 @p0 s7, s6  }
0xab: {  	[sflag:s6] =	ssyncadd.remote.s32 @p0 $0x1;
	_ =	sdelay $0x1  }
0xac: {  	s6 =	simm.s32 @p0 $0x1B8D  }
0xad: {  	_ =	swait.eq @p0 [sflag:s6], $0x1  }
0xae: {  	[sflag:s6] =	ssyncadd.s32 @p0 $0xFFFFFFFF  }
0xaf: {  	s7 =	sshll.u32 @!p0 s1, $0xE  }
0xb0: {  	s7 =	sor.u32 @!p0 $0x4000, s7;
	s6 =	simm.s32 @!p0 $0x1B8D  }
0xb1: {  	s5 =	sshll.u32 @!p0 s5, $0x11;
	s7 =	sadd.s32 @!p0 $0x11B8D, s7;
	_ =	swait.eq @!p0 [sflag:s6], $0x1  }
0xb2: {  	s5 =	sor.u32 @!p0 s5, s7;
	[sflag:s6] =	ssyncadd.s32 @!p0 $0xFFFFFFFF  }
0xb3: {  	s25 =	simm.s32 $0x1B8E;
	s24 =	sld [smem:$0x3FFE];
	[sflag:s5] =	ssyncadd.remote.s32 @!p0 $0x1  }
0xb4: {  	s26 =	simm.s32 $execute0_lowered;
	[smem:$0x3FD2] =	sst s25  }
0xb5: {  	s6 =	sshll.u32 s26, $0x1;
	_ =	strace $0x80000049;
	[dreg:$0x1] =	wrdreg $0xFFFFFFFF  }
0xb6: {  	s28 =	simm.s32 $_size_execute0_lowered;
	s4 =	sadd.s32 s4, s6;
	[dreg:$0x0] =	wrdreg $0x0  }
0xb7: {  	s6 =	sshll.u32 s28, $0x1;
	[dreg:$0x2] =	wrdreg s4  }
0xb8: {  	[dreg:$0x3] =	wrdreg s6  }
0xb9: {  	[dreg:$0x4] =	wrdreg $0xC0  }
0xba: {  	_ =	task [dreg:s22], $0x5FFFF  }
0xbb: {  	[dreg:$0x1] =	wrdreg $0xFFFFFFFF  }
0xbc: {  	[dreg:$0x0] =	wrdreg $0x60  }
0xbd: {  	[dreg:$0x2] =	wrdreg s24  }
0xbe: {  	[dreg:$0x3] =	wrdreg s18  }
0xbf: {  	[dreg:$0x4] =	wrdreg $0xA  }
0xc0: {  	_ =	task.clear_ibuf [dreg:s22], $0x5FFFF;
	_ =	strace $0x90000049  }
0xc1: {  	s29 =	simm.s32 $0xA;
	_ =	strace $0x8000004B  }
0xc2: {  	_ =	swait.ge [sflag:s29], $0x1  }
0xc3: {  	[sflag:s29] =	ssyncadd.s32 $0xFFFFFFFF  }
0xc4: {  	_ =	strace $0x9000004B  }
0xc5: {  	_ =	sfence  }
0xc6: {  	s30 =	sld [smem:$0x0];
	_ =	sdelay $0x2  }
0xc7: {  	s31 =	sshll.u32 s1, $0xD;
	s1 =	sshrl.u32 s1, $0x2  }
0xc8: {  	s4 =	sand.u32 $0x4000, s31;
	s1 =	sadd.s32 s1, s30  }
0xc9: {  	s0 =	sor.u32 s4, s0;
	s1 =	sshll.u32 s1, $0x11  }
0xca: {  	s0 =	sor.u32 s1, s0  }
0xcb: {  	s0 =	sadd.s32 $0x8F2B, s0  }
0xcc: {  	[sflag:s0] =	ssyncadd.remote.s32 $0x1  }
0xcd: {  	_ =	sfence.sel $0xFFFF  }
0xce: {  	[dreg:$0x0] =	wrdreg $0xFFFFFFFF;
	(pc) =	sbr.abs _section_cstart, $3  }
0xcf: {  	[dreg:$0x1] =	wrdreg $0xFFFFFFFF  }
0xd0: {  	_ =	task.clear_ibuf [dreg:s22], $0x2FFFF;
	_ =	strace $0x9FFFFFFF  }
0xd1: {  	(tm) =	ssettm $0x7FFFFFFF  }
tec
execute0_lowered:
.L_overlay_start_1:
0x0: {  	(tag) =	ssettag $0x1  }
0x1: {  	s0 =	rddreg [dreg:$0x0]  }
0x2: {  	s3 =	rddreg [dreg:$0x1];
	s2 =	simm.s32 $0x0  }
0x3: {  	s25 =	simm.s32 $0x900;
	[smem:$0x7FF] =	sst s2  }
0x4: {  	s26 =	simm.s32 $0xD00;
	_ =	strace $0x8000004A;
	[dreg:$0x4] =	wrdreg s25  }
0x5: {  	s7 =	simm.s32 $0x2100;
	[dreg:$0x5] =	wrdreg s26  }
0x6: {  	s8 =	simm.s32 $0x2500;
	[dreg:$0x8] =	wrdreg s7  }
0x7: {  	s9 =	simm.s32 $0x2D00;
	[dreg:$0x9] =	wrdreg s8  }
0x8: {  	s10 =	simm.s32 $0x3100;
	[dreg:$0xa] =	wrdreg s9  }
0x9: {  	s11 =	simm.s32 $0x3900;
	[dreg:$0xb] =	wrdreg s10  }
0xa: {  	s12 =	simm.s32 $0x3D00;
	[dreg:$0xc] =	wrdreg s11  }
0xb: {  	s13 =	simm.s32 $0x4500;
	[dreg:$0xd] =	wrdreg s12  }
0xc: {  	s14 =	simm.s32 $0x4900;
	[dreg:$0xe] =	wrdreg s13  }
0xd: {  	s15 =	simm.s32 $0x5100;
	[dreg:$0xf] =	wrdreg s14  }
0xe: {  	s16 =	simm.s32 $0x5500;
	[dreg:$0x10] =	wrdreg s15  }
0xf: {  	s17 =	simm.s32 $0x5D00;
	[dreg:$0x11] =	wrdreg s16  }
0x10: {  	s18 =	simm.s32 $0x6100;
	[dreg:$0x12] =	wrdreg s17  }
0x11: {  	s19 =	simm.s32 $0x6900;
	[dreg:$0x13] =	wrdreg s18  }
0x12: {  	s20 =	simm.s32 $0x6D00;
	[dreg:$0x14] =	wrdreg s19  }
0x13: {  	s21 =	simm.s32 $0x7500;
	[dreg:$0x15] =	wrdreg s20  }
0x14: {  	s22 =	simm.s32 $0x7900;
	[dreg:$0x16] =	wrdreg s21  }
0x15: {  	s6 =	stileid.u32;
	s23 =	simm.s32 $0x8100;
	[dreg:$0x17] =	wrdreg s22  }
0x16: {  	s24 =	simm.s32 $0x8500;
	s4 =	sshll.u32 s6, $0x8;
	[dreg:$0x18] =	wrdreg s23  }
0x17: {  	s3 =	sadd.s32 s4, s3;
	s4 =	simm.s32 $0x1500;
	[dreg:$0x19] =	wrdreg s24  }
0x18: {  	s25 =	simm.s32 $0x8D00;
	[dreg:$0x6] =	wrdreg s4  }
0x19: {  	s26 =	simm.s32 $0x9100;
	[dreg:$0x1a] =	wrdreg s25  }
0x1a: {  	s7 =	simm.s32 $0xA500;
	[dreg:$0x1b] =	wrdreg s26  }
0x1b: {  	s1 =	srdreg.scid;
	s8 =	simm.s32 $0xA900;
	[dreg:$0x1e] =	wrdreg s7  }
0x1c: {  	s28 =	simm.s32 $0x17500;
	s9 =	simm.s32 $0xB100;
	[dreg:$0x1f] =	wrdreg s8  }
0x1d: {  	s29 =	simm.s32 $0x17D00;
	s10 =	simm.s32 $0xB500;
	[smem:$0x7ED] =	sst s9  }
0x1e: {  	s30 =	simm.s32 $0x1;
	s11 =	simm.s32 $0xBD00;
	[smem:$0x7EE] =	sst s10  }
0x1f: {  	s31 =	simm.s32 $0x0;
	s13 =	simm.s32 $0xC100;
	[smem:$0x7EF] =	sst s11  }
0x20: {  	s1 =	sand.u32 $0x1, s1;
	s14 =	simm.s32 $0xC900;
	[smem:$0x7F0] =	sst s13  }
0x21: {  	s5 =	sshll.u32 s1, $0x7;
	s15 =	simm.s32 $0xCD00;
	[smem:$0x7F1] =	sst s14  }
0x22: {  	s12 =	smul.u32 $0x18000, s6;
	s17 =	simm.s32 $0xD500;
	[smem:$0x7F2] =	sst s15  }
0x23: {  	s16 =	ssub.s32 $0x2, s1;
	s18 =	simm.s32 $0xD900;
	[smem:$0x7F3] =	sst s17  }
0x24: {  	s19 =	simm.s32 $0xE100;
	s20 =	simm.s32 $0xE500;
	[smem:$0x7F4] =	sst s18  }
0x25: {  	s1 =	smul.u32 $0xC000, s1;
	s21 =	simm.s32 $0xED00;
	[smem:$0x7F5] =	sst s19  }
0x26: {  	s22 =	simm.s32 $0xF100;
	s23 =	simm.s32 $0xF900;
	[smem:$0x7F6] =	sst s20  }
0x27: {  	s3 =	sadd.s32 s5, s3;
	s5 =	simm.s32 $0x1900;
	[smem:$0x7F8] =	sst s21  }
0x28: {  	s4 =	simm.s32 $0x9900;
	s7 =	sshrl.u32 s16, $0x1;
	[smem:$0x7F9] =	sst s22  }
0x29: {  	[smem:$0x7FB] =	sst s23;
	s25 =	simm.s32 $0xFD00;
	s26 =	simm.s32 $0x10500  }
0x2a: {  	s8 =	simm.s32 $0x100;
	s9 =	simm.s32 $0x10900;
	s10 =	simm.s32 $0x11100  }
0x2b: {  	s11 =	simm.s32 $0x11500;
	s13 =	simm.s32 $0x12100;
	s14 =	simm.s32 $0x12900  }
0x2c: {  	s15 =	simm.s32 $0x12D00;
	s17 =	simm.s32 $0x13900;
	s18 =	simm.s32 $0x14100  }
0x2d: {  	s19 =	simm.s32 $0x14500;
	s20 =	simm.s32 $0x14D00;
	[dreg:$0x3] =	wrdreg s3  }
0x2e: {  	s21 =	simm.s32 $0x15100;
	s22 =	simm.s32 $0x15900;
	[dreg:$0x7] =	wrdreg s5  }
0x2f: {  	s23 =	simm.s32 $0x15D00;
	[dreg:$0x1c] =	wrdreg s4;
	s5 =	simm.s32 $0x9D00  }
0x30: {  	s3 =	sadd.s32 $0x4200, s0;
	s6 =	sadd.s32 s12, s0;
	[smem:$0x7FC] =	sst s25  }
0x31: {  	s4 =	sadd.s32 $0x4300, s0;
	[smem:$0x7FD] =	sst s26;
	s12 =	simm.s32 $0x11D00  }
0x32: {  	s25 =	simm.s32 $0x16900;
	[dreg:$0x1d] =	wrdreg s5;
	s5 =	ssub.s32 s16, s7  }
0x33: {  	v2 =	vlaneseq.u32;
	s26 =	simm.s32 $0x17100;
	s1 =	sadd.s32 s1, s6;
	s5 =	smax.u32 s5, $0x1  }
0x34: {  	vm0 =	vmmov $0xffff;
	vm1 =	vmmov $0xff;
	v1 =	vshrl.u32 v2, $0x3;
	s7 =	simm.s32 $0x2;
	s24 =	sadd.s32 $0x1E4200, s1;
	[smem:$0x7F7] =	sst s5  }
0x35: {  	v0 =	vand.u32 $0x7, v2;
	v2 =	vor.u32 $0x8, v2;
	v1 =	vmul.u32 $0x8, v1;
	s16 =	simm.s32 $0x13500;
	[smem:$0x7FA] =	sst s24;
	s24 =	simm.s32 $0x16500  }
.LBB2_1:
0x36: {  	s6 =	sld [smem:$0x7FA];
	s1 =	simm.s32 $0x0  }
.LBB2_2:
0x37: {  	s5 =	rddreg [dreg:$0x3]  }
0x38: {  	s5 =	sadd.s32 s1, s5  }
0x39: {  	[tilespmem:s2], [sflag:$0x2] =	stream.linear.gather [hbm4b:s5+s2], $0x100, $0x38;
	[tilespmem:$0x18100] =	vst v63  }
0x3a: {  	_ =	swait.ge [sflag:s7], $0x100  }
0x3b: {  	[sflag:s7] =	ssyncset.done $0x0  }
0x3c: {  	[sflag:s7] =	ssyncadd.s32 $0xFFFFFF00  }
0x3d: {  	v3 =	vld [tilespmem:$0x0];
	_ =	sdelay $0x4  }
0x3e: {  	v4 =	vshrl.u32 v3, $0x3  }
0x3f: {  	v4 =	vmul.u32 $0x18, v4  }
0x40: {  	v3 =	vand.u32 $0x7, v3  }
0x41: {  	v3 =	vor.u32 v3, v4  }
0x42: {  	v4 =	vperm.xlane v3, v0;
	_ =	sdelay $0x1  }
0x43: {  	v4 =	vadd.s32 v1, v4;
	_ =	sdelay $0x1  }
0x44: {  	v3 =	vperm.xlane v3, v2;
	_ =	sdelay $0x1  }
0x45: {  	v3 =	vadd.s32 v1, v3  }
0x46: {  	[tilespmem:s8], [sflag:$0x1] =	stream.indirect_vreg.gather [hbm4b:s3+s2], $0x80, v4, vm0, $0xb8;
	[tilespmem:$0x18100] =	vst v63  }
0x47: {  	s5 =	rddreg [dreg:$0x4]  }
0x48: {  	[tilespmem:s5], [sflag:$0x1] =	stream.indirect_vreg.gather [hbm4b:s4+s2], $0x80, v4, vm1, $0xb8;
	[tilespmem:$0x18100] =	vst v63  }
0x49: {  	s0 =	rddreg [dreg:$0x5]  }
0x4a: {  	[tilespmem:s0], [sflag:$0x1] =	stream.indirect_vreg.gather [hbm4b:s3+s2], $0x80, v3, vm0, $0xb8;
	[tilespmem:$0x18100] =	vst v63  }
0x4b: {  	s5 =	rddreg [dreg:$0x6]  }
0x4c: {  	[tilespmem:s5], [sflag:$0x1] =	stream.indirect_vreg.gather [hbm4b:s4+s2], $0x80, v3, vm1, $0xb8;
	[tilespmem:$0x18100] =	vst v63  }
0x4d: {  	v3 =	vld [tilespmem:$0x10];
	_ =	sdelay $0x4  }
0x4e: {  	v49 =	vshrl.u32 v3, $0x3  }
0x4f: {  	v4 =	vmul.u32 $0x18, v49  }
0x50: {  	v3 =	vand.u32 $0x7, v3  }
0x51: {  	v3 =	vor.u32 v3, v4  }
0x52: {  	v4 =	vperm.xlane v3, v0;
	_ =	sdelay $0x1  }
0x53: {  	v4 =	vadd.s32 v1, v4;
	_ =	sdelay $0x1  }
0x54: {  	v3 =	vperm.xlane v3, v2;
	_ =	sdelay $0x1  }
0x55: {  	s0 =	rddreg [dreg:$0x7];
	v3 =	vadd.s32 v1, v3  }
0x56: {  	[tilespmem:s0], [sflag:$0x1] =	stream.indirect_vreg.gather [hbm4b:s3+s2], $0x80, v4, vm0, $0xb8;
	[tilespmem:$0x18100] =	vst v63  }
0x57: {  	s5 =	rddreg [dreg:$0x8]  }
0x58: {  	[tilespmem:s5], [sflag:$0x1] =	stream.indirect_vreg.gather [hbm4b:s4+s2], $0x80, v4, vm1, $0xb8;
	[tilespmem:$0x18100] =	vst v63  }
0x59: {  	s0 =	rddreg [dreg:$0x9]  }
0x5a: {  	[tilespmem:s0], [sflag:$0x1] =	stream.indirect_vreg.gather [hbm4b:s3+s2], $0x80, v3, vm0, $0xb8;
	[tilespmem:$0x18100] =	vst v63  }
0x5b: {  	s5 =	rddreg [dreg:$0xa]  }
0x5c: {  	[tilespmem:s5], [sflag:$0x1] =	stream.indirect_vreg.gather [hbm4b:s4+s2], $0x80, v3, vm1, $0xb8;
	[tilespmem:$0x18100] =	vst v63  }
0x5d: {  	v3 =	vld [tilespmem:$0x20];
	_ =	sdelay $0x4  }
0x5e: {  	v50 =	vshrl.u32 v3, $0x3  }
0x5f: {  	v4 =	vmul.u32 $0x18, v50  }
0x60: {  	v3 =	vand.u32 $0x7, v3  }
0x61: {  	v3 =	vor.u32 v3, v4  }
0x62: {  	v4 =	vperm.xlane v3, v0;
	_ =	sdelay $0x1  }
0x63: {  	v4 =	vadd.s32 v1, v4;
	_ =	sdelay $0x1  }
0x64: {  	v3 =	vperm.xlane v3, v2;
	_ =	sdelay $0x1  }
0x65: {  	s0 =	rddreg [dreg:$0xb];
	v3 =	vadd.s32 v1, v3  }
0x66: {  	[tilespmem:s0], [sflag:$0x1] =	stream.indirect_vreg.gather [hbm4b:s3+s2], $0x80, v4, vm0, $0xb8;
	[tilespmem:$0x18100] =	vst v63  }
0x67: {  	s5 =	rddreg [dreg:$0xc]  }
0x68: {  	[tilespmem:s5], [sflag:$0x1] =	stream.indirect_vreg.gather [hbm4b:s4+s2], $0x80, v4, vm1, $0xb8;
	[tilespmem:$0x18100] =	vst v63  }
0x69: {  	s0 =	rddreg [dreg:$0xd]  }
0x6a: {  	[tilespmem:s0], [sflag:$0x1] =	stream.indirect_vreg.gather [hbm4b:s3+s2], $0x80, v3, vm0, $0xb8;
	[tilespmem:$0x18100] =	vst v63  }
0x6b: {  	s5 =	rddreg [dreg:$0xe]  }
0x6c: {  	[tilespmem:s5], [sflag:$0x1] =	stream.indirect_vreg.gather [hbm4b:s4+s2], $0x80, v3, vm1, $0xb8;
	[tilespmem:$0x18100] =	vst v63  }
0x6d: {  	v3 =	vld [tilespmem:$0x30];
	_ =	sdelay $0x4  }
0x6e: {  	v51 =	vshrl.u32 v3, $0x3  }
0x6f: {  	v4 =	vmul.u32 $0x18, v51  }
0x70: {  	v3 =	vand.u32 $0x7, v3  }
0x71: {  	v3 =	vor.u32 v3, v4  }
0x72: {  	v4 =	vperm.xlane v3, v0;
	_ =	sdelay $0x1  }
0x73: {  	v4 =	vadd.s32 v1, v4;
	_ =	sdelay $0x1  }
0x74: {  	v3 =	vperm.xlane v3, v2;
	_ =	sdelay $0x1  }
0x75: {  	s0 =	rddreg [dreg:$0xf];
	v3 =	vadd.s32 v1, v3  }
0x76: {  	[tilespmem:s0], [sflag:$0x1] =	stream.indirect_vreg.gather [hbm4b:s3+s2], $0x80, v4, vm0, $0xb8;
	[tilespmem:$0x18100] =	vst v63  }
0x77: {  	s5 =	rddreg [dreg:$0x10]  }
0x78: {  	[tilespmem:s5], [sflag:$0x1] =	stream.indirect_vreg.gather [hbm4b:s4+s2], $0x80, v4, vm1, $0xb8;
	[tilespmem:$0x18100] =	vst v63  }
0x79: {  	s0 =	rddreg [dreg:$0x11]  }
0x7a: {  	[tilespmem:s0], [sflag:$0x1] =	stream.indirect_vreg.gather [hbm4b:s3+s2], $0x80, v3, vm0, $0xb8;
	[tilespmem:$0x18100] =	vst v63  }
0x7b: {  	s5 =	rddreg [dreg:$0x12]  }
0x7c: {  	[tilespmem:s5], [sflag:$0x1] =	stream.indirect_vreg.gather [hbm4b:s4+s2], $0x80, v3, vm1, $0xb8;
	[tilespmem:$0x18100] =	vst v63  }
0x7d: {  	v3 =	vld [tilespmem:$0x40];
	_ =	sdelay $0x4  }
0x7e: {  	v52 =	vshrl.u32 v3, $0x3  }
0x7f: {  	v4 =	vmul.u32 $0x18, v52  }
0x80: {  	v3 =	vand.u32 $0x7, v3  }
0x81: {  	v3 =	vor.u32 v3, v4  }
0x82: {  	v4 =	vperm.xlane v3, v0;
	_ =	sdelay $0x1  }
0x83: {  	v4 =	vadd.s32 v1, v4;
	_ =	sdelay $0x1  }
0x84: {  	v3 =	vperm.xlane v3, v2;
	_ =	sdelay $0x1  }
0x85: {  	s0 =	rddreg [dreg:$0x13];
	v3 =	vadd.s32 v1, v3  }
0x86: {  	[tilespmem:s0], [sflag:$0x1] =	stream.indirect_vreg.gather [hbm4b:s3+s2], $0x80, v4, vm0, $0xb8;
	[tilespmem:$0x18100] =	vst v63  }
0x87: {  	s5 =	rddreg [dreg:$0x14]  }
0x88: {  	[tilespmem:s5], [sflag:$0x1] =	stream.indirect_vreg.gather [hbm4b:s4+s2], $0x80, v4, vm1, $0xb8;
	[tilespmem:$0x18100] =	vst v63  }
0x89: {  	s0 =	rddreg [dreg:$0x15]  }
0x8a: {  	[tilespmem:s0], [sflag:$0x1] =	stream.indirect_vreg.gather [hbm4b:s3+s2], $0x80, v3, vm0, $0xb8;
	[tilespmem:$0x18100] =	vst v63  }
0x8b: {  	s5 =	rddreg [dreg:$0x16]  }
0x8c: {  	[tilespmem:s5], [sflag:$0x1] =	stream.indirect_vreg.gather [hbm4b:s4+s2], $0x80, v3, vm1, $0xb8;
	[tilespmem:$0x18100] =	vst v63  }
0x8d: {  	v3 =	vld [tilespmem:$0x50];
	_ =	sdelay $0x4  }
0x8e: {  	v53 =	vshrl.u32 v3, $0x3  }
0x8f: {  	v4 =	vmul.u32 $0x18, v53  }
0x90: {  	v3 =	vand.u32 $0x7, v3  }
0x91: {  	v3 =	vor.u32 v3, v4  }
0x92: {  	v4 =	vperm.xlane v3, v0;
	_ =	sdelay $0x1  }
0x93: {  	v4 =	vadd.s32 v1, v4;
	_ =	sdelay $0x1  }
0x94: {  	v3 =	vperm.xlane v3, v2;
	_ =	sdelay $0x1  }
0x95: {  	s0 =	rddreg [dreg:$0x17];
	v3 =	vadd.s32 v1, v3  }
0x96: {  	[tilespmem:s0], [sflag:$0x1] =	stream.indirect_vreg.gather [hbm4b:s3+s2], $0x80, v4, vm0, $0xb8;
	[tilespmem:$0x18100] =	vst v63  }
0x97: {  	s5 =	rddreg [dreg:$0x18]  }
0x98: {  	[tilespmem:s5], [sflag:$0x1] =	stream.indirect_vreg.gather [hbm4b:s4+s2], $0x80, v4, vm1, $0xb8;
	[tilespmem:$0x18100] =	vst v63  }
0x99: {  	s0 =	rddreg [dreg:$0x19]  }
0x9a: {  	[tilespmem:s0], [sflag:$0x1] =	stream.indirect_vreg.gather [hbm4b:s3+s2], $0x80, v3, vm0, $0xb8;
	[tilespmem:$0x18100] =	vst v63  }
0x9b: {  	s5 =	rddreg [dreg:$0x1a]  }
0x9c: {  	[tilespmem:s5], [sflag:$0x1] =	stream.indirect_vreg.gather [hbm4b:s4+s2], $0x80, v3, vm1, $0xb8;
	[tilespmem:$0x18100] =	vst v63  }
0x9d: {  	v3 =	vld [tilespmem:$0x60];
	_ =	sdelay $0x4  }
0x9e: {  	v54 =	vshrl.u32 v3, $0x3  }
0x9f: {  	v4 =	vmul.u32 $0x18, v54  }
0xa0: {  	v3 =	vand.u32 $0x7, v3  }
0xa1: {  	v3 =	vor.u32 v3, v4  }
0xa2: {  	v4 =	vperm.xlane v3, v0;
	_ =	sdelay $0x1  }
0xa3: {  	v4 =	vadd.s32 v1, v4;
	_ =	sdelay $0x1  }
0xa4: {  	v3 =	vperm.xlane v3, v2;
	_ =	sdelay $0x1  }
0xa5: {  	s0 =	rddreg [dreg:$0x1b];
	v3 =	vadd.s32 v1, v3  }
0xa6: {  	[tilespmem:s0], [sflag:$0x1] =	stream.indirect_vreg.gather [hbm4b:s3+s2], $0x80, v4, vm0, $0xb8;
	[tilespmem:$0x18100] =	vst v63  }
0xa7: {  	s5 =	rddreg [dreg:$0x1c]  }
0xa8: {  	[tilespmem:s5], [sflag:$0x1] =	stream.indirect_vreg.gather [hbm4b:s4+s2], $0x80, v4, vm1, $0xb8;
	[tilespmem:$0x18100] =	vst v63  }
0xa9: {  	s0 =	rddreg [dreg:$0x1d]  }
0xaa: {  	[tilespmem:s0], [sflag:$0x1] =	stream.indirect_vreg.gather [hbm4b:s3+s2], $0x80, v3, vm0, $0xb8;
	[tilespmem:$0x18100] =	vst v63  }
0xab: {  	s5 =	rddreg [dreg:$0x1e]  }
0xac: {  	[tilespmem:s5], [sflag:$0x1] =	stream.indirect_vreg.gather [hbm4b:s4+s2], $0x80, v3, vm1, $0xb8;
	[tilespmem:$0x18100] =	vst v63  }
0xad: {  	v3 =	vld [tilespmem:$0x70];
	_ =	sdelay $0x4  }
0xae: {  	v55 =	vshrl.u32 v3, $0x3  }
0xaf: {  	v4 =	vmul.u32 $0x18, v55  }
0xb0: {  	v3 =	vand.u32 $0x7, v3  }
0xb1: {  	v3 =	vor.u32 v3, v4  }
0xb2: {  	v4 =	vperm.xlane v3, v0;
	_ =	sdelay $0x1  }
0xb3: {  	v4 =	vadd.s32 v1, v4;
	_ =	sdelay $0x1  }
0xb4: {  	v3 =	vperm.xlane v3, v2  }
0xb5: {  	s0 =	rddreg [dreg:$0x1f]  }
0xb6: {  	s5 =	sld [smem:$0x7ED];
	v3 =	vadd.s32 v1, v3  }
0xb7: {  	[tilespmem:s0], [sflag:$0x1] =	stream.indirect_vreg.gather [hbm4b:s3+s2], $0x80, v4, vm0, $0xb8;
	[tilespmem:$0x18100] =	vst v63  }
0xb8: {  	s0 =	sld [smem:$0x7EE]  }
0xb9: {  	[tilespmem:s5], [sflag:$0x1] =	stream.indirect_vreg.gather [hbm4b:s4+s2], $0x80, v4, vm1, $0xb8;
	[tilespmem:$0x18100] =	vst v63  }
0xba: {  	s5 =	sld [smem:$0x7EF]  }
0xbb: {  	[tilespmem:s0], [sflag:$0x1] =	stream.indirect_vreg.gather [hbm4b:s3+s2], $0x80, v3, vm0, $0xb8;
	[tilespmem:$0x18100] =	vst v63  }
0xbc: {  	_ = 	snop  }
0xbd: {  	[tilespmem:s5], [sflag:$0x1] =	stream.indirect_vreg.gather [hbm4b:s4+s2], $0x80, v3, vm1, $0xb8;
	[tilespmem:$0x18100] =	vst v63  }
0xbe: {  	v3 =	vld [tilespmem:$0x80];
	_ =	sdelay $0x4  }
0xbf: {  	v56 =	vshrl.u32 v3, $0x3  }
0xc0: {  	v4 =	vmul.u32 $0x18, v56  }
0xc1: {  	v3 =	vand.u32 $0x7, v3  }
0xc2: {  	v3 =	vor.u32 v3, v4  }
0xc3: {  	v4 =	vperm.xlane v3, v0;
	_ =	sdelay $0x1  }
0xc4: {  	v4 =	vadd.s32 v1, v4;
	_ =	sdelay $0x1  }
0xc5: {  	s0 =	sld [smem:$0x7F0];
	v3 =	vperm.xlane v3, v2;
	_ =	sdelay $0x1  }
0xc6: {  	s5 =	sld [smem:$0x7F1];
	v3 =	vadd.s32 v1, v3  }
0xc7: {  	[tilespmem:s0], [sflag:$0x1] =	stream.indirect_vreg.gather [hbm4b:s3+s2], $0x80, v4, vm0, $0xb8;
	[tilespmem:$0x18100] =	vst v63  }
0xc8: {  	s0 =	sld [smem:$0x7F2]  }
0xc9: {  	[tilespmem:s5], [sflag:$0x1] =	stream.indirect_vreg.gather [hbm4b:s4+s2], $0x80, v4, vm1, $0xb8;
	[tilespmem:$0x18100] =	vst v63  }
0xca: {  	s5 =	sld [smem:$0x7F3]  }
0xcb: {  	[tilespmem:s0], [sflag:$0x1] =	stream.indirect_vreg.gather [hbm4b:s3+s2], $0x80, v3, vm0, $0xb8;
	[tilespmem:$0x18100] =	vst v63  }
0xcc: {  	_ = 	snop  }
0xcd: {  	[tilespmem:s5], [sflag:$0x1] =	stream.indirect_vreg.gather [hbm4b:s4+s2], $0x80, v3, vm1, $0xb8;
	[tilespmem:$0x18100] =	vst v63  }
0xce: {  	v3 =	vld [tilespmem:$0x90];
	_ =	sdelay $0x4  }
0xcf: {  	v57 =	vshrl.u32 v3, $0x3  }
0xd0: {  	v4 =	vmul.u32 $0x18, v57  }
0xd1: {  	v3 =	vand.u32 $0x7, v3  }
0xd2: {  	v3 =	vor.u32 v3, v4  }
0xd3: {  	v4 =	vperm.xlane v3, v0;
	_ =	sdelay $0x1  }
0xd4: {  	v4 =	vadd.s32 v1, v4;
	_ =	sdelay $0x1  }
0xd5: {  	s0 =	sld [smem:$0x7F4];
	v3 =	vperm.xlane v3, v2;
	_ =	sdelay $0x1  }
0xd6: {  	s5 =	sld [smem:$0x7F5];
	v3 =	vadd.s32 v1, v3  }
0xd7: {  	[tilespmem:s0], [sflag:$0x1] =	stream.indirect_vreg.gather [hbm4b:s3+s2], $0x80, v4, vm0, $0xb8;
	[tilespmem:$0x18100] =	vst v63  }
0xd8: {  	s0 =	sld [smem:$0x7F6]  }
0xd9: {  	[tilespmem:s5], [sflag:$0x1] =	stream.indirect_vreg.gather [hbm4b:s4+s2], $0x80, v4, vm1, $0xb8;
	[tilespmem:$0x18100] =	vst v63  }
0xda: {  	s5 =	sld [smem:$0x7F8]  }
0xdb: {  	[tilespmem:s0], [sflag:$0x1] =	stream.indirect_vreg.gather [hbm4b:s3+s2], $0x80, v3, vm0, $0xb8;
	[tilespmem:$0x18100] =	vst v63  }
0xdc: {  	_ = 	snop  }
0xdd: {  	[tilespmem:s5], [sflag:$0x1] =	stream.indirect_vreg.gather [hbm4b:s4+s2], $0x80, v3, vm1, $0xb8;
	[tilespmem:$0x18100] =	vst v63  }
0xde: {  	v3 =	vld [tilespmem:$0xA0];
	_ =	sdelay $0x4  }
0xdf: {  	v58 =	vshrl.u32 v3, $0x3  }
0xe0: {  	v4 =	vmul.u32 $0x18, v58  }
0xe1: {  	v3 =	vand.u32 $0x7, v3  }
0xe2: {  	v3 =	vor.u32 v3, v4  }
0xe3: {  	v4 =	vperm.xlane v3, v0;
	_ =	sdelay $0x1  }
0xe4: {  	v4 =	vadd.s32 v1, v4;
	_ =	sdelay $0x1  }
0xe5: {  	s0 =	sld [smem:$0x7F9];
	v3 =	vperm.xlane v3, v2;
	_ =	sdelay $0x1  }
0xe6: {  	s5 =	sld [smem:$0x7FB];
	v3 =	vadd.s32 v1, v3  }
0xe7: {  	[tilespmem:s0], [sflag:$0x1] =	stream.indirect_vreg.gather [hbm4b:s3+s2], $0x80, v4, vm0, $0xb8;
	[tilespmem:$0x18100] =	vst v63  }
0xe8: {  	s0 =	sld [smem:$0x7FC]  }
0xe9: {  	[tilespmem:s5], [sflag:$0x1] =	stream.indirect_vreg.gather [hbm4b:s4+s2], $0x80, v4, vm1, $0xb8;
	[tilespmem:$0x18100] =	vst v63  }
0xea: {  	s5 =	sld [smem:$0x7FD]  }
0xeb: {  	[tilespmem:s0], [sflag:$0x1] =	stream.indirect_vreg.gather [hbm4b:s3+s2], $0x80, v3, vm0, $0xb8;
	[tilespmem:$0x18100] =	vst v63  }
0xec: {  	_ = 	snop  }
0xed: {  	[tilespmem:s5], [sflag:$0x1] =	stream.indirect_vreg.gather [hbm4b:s4+s2], $0x80, v3, vm1, $0xb8;
	[tilespmem:$0x18100] =	vst v63  }
0xee: {  	v3 =	vld [tilespmem:$0xB0];
	_ =	sdelay $0x4  }
0xef: {  	v59 =	vshrl.u32 v3, $0x3  }
0xf0: {  	v4 =	vmul.u32 $0x18, v59  }
0xf1: {  	v3 =	vand.u32 $0x7, v3  }
0xf2: {  	v3 =	vor.u32 v3, v4  }
0xf3: {  	v4 =	vperm.xlane v3, v0;
	_ =	sdelay $0x1  }
0xf4: {  	v4 =	vadd.s32 v1, v4;
	_ =	sdelay $0x1  }
0xf5: {  	v3 =	vperm.xlane v3, v2;
	_ =	sdelay $0x1  }
0xf6: {  	v3 =	vadd.s32 v1, v3  }
0xf7: {  	[tilespmem:s9], [sflag:$0x1] =	stream.indirect_vreg.gather [hbm4b:s3+s2], $0x80, v4, vm0, $0xb8;
	[tilespmem:$0x18100] =	vst v63  }
0xf8: {  	_ = 	snop  }
0xf9: {  	[tilespmem:s10], [sflag:$0x1] =	stream.indirect_vreg.gather [hbm4b:s4+s2], $0x80, v4, vm1, $0xb8;
	[tilespmem:$0x18100] =	vst v63  }
0xfa: {  	_ = 	snop  }
0xfb: {  	[tilespmem:s11], [sflag:$0x1] =	stream.indirect_vreg.gather [hbm4b:s3+s2], $0x80, v3, vm0, $0xb8;
	[tilespmem:$0x18100] =	vst v63  }
0xfc: {  	_ = 	snop  }
0xfd: {  	[tilespmem:s12], [sflag:$0x1] =	stream.indirect_vreg.gather [hbm4b:s4+s2], $0x80, v3, vm1, $0xb8;
	[tilespmem:$0x18100] =	vst v63  }
0xfe: {  	v3 =	vld [tilespmem:$0xC0];
	_ =	sdelay $0x4  }
0xff: {  	v60 =	vshrl.u32 v3, $0x3  }
0x100: {  	v4 =	vmul.u32 $0x18, v60  }
0x101: {  	v3 =	vand.u32 $0x7, v3  }
0x102: {  	v3 =	vor.u32 v3, v4  }
0x103: {  	v4 =	vperm.xlane v3, v0;
	_ =	sdelay $0x1  }
0x104: {  	v4 =	vadd.s32 v1, v4;
	_ =	sdelay $0x1  }
0x105: {  	v3 =	vperm.xlane v3, v2;
	_ =	sdelay $0x1  }
0x106: {  	v3 =	vadd.s32 v1, v3  }
0x107: {  	[tilespmem:s13], [sflag:$0x1] =	stream.indirect_vreg.gather [hbm4b:s3+s2], $0x80, v4, vm0, $0xb8;
	[tilespmem:$0x18100] =	vst v63  }
0x108: {  	_ = 	snop  }
0x109: {  	[tilespmem:s14], [sflag:$0x1] =	stream.indirect_vreg.gather [hbm4b:s4+s2], $0x80, v4, vm1, $0xb8;
	[tilespmem:$0x18100] =	vst v63  }
0x10a: {  	_ = 	snop  }
0x10b: {  	[tilespmem:s15], [sflag:$0x1] =	stream.indirect_vreg.gather [hbm4b:s3+s2], $0x80, v3, vm0, $0xb8;
	[tilespmem:$0x18100] =	vst v63  }
0x10c: {  	_ = 	snop  }
0x10d: {  	[tilespmem:s16], [sflag:$0x1] =	stream.indirect_vreg.gather [hbm4b:s4+s2], $0x80, v3, vm1, $0xb8;
	[tilespmem:$0x18100] =	vst v63  }
0x10e: {  	v3 =	vld [tilespmem:$0xD0];
	_ =	sdelay $0x4  }
0x10f: {  	v61 =	vshrl.u32 v3, $0x3  }
0x110: {  	v4 =	vmul.u32 $0x18, v61  }
0x111: {  	v3 =	vand.u32 $0x7, v3  }
0x112: {  	v3 =	vor.u32 v3, v4  }
0x113: {  	v4 =	vperm.xlane v3, v0;
	_ =	sdelay $0x1  }
0x114: {  	v4 =	vadd.s32 v1, v4;
	_ =	sdelay $0x1  }
0x115: {  	v3 =	vperm.xlane v3, v2;
	_ =	sdelay $0x1  }
0x116: {  	v3 =	vadd.s32 v1, v3  }
0x117: {  	[tilespmem:s17], [sflag:$0x1] =	stream.indirect_vreg.gather [hbm4b:s3+s2], $0x80, v4, vm0, $0xb8;
	[tilespmem:$0x18100] =	vst v63  }
0x118: {  	_ = 	snop  }
0x119: {  	[tilespmem:s18], [sflag:$0x1] =	stream.indirect_vreg.gather [hbm4b:s4+s2], $0x80, v4, vm1, $0xb8;
	[tilespmem:$0x18100] =	vst v63  }
0x11a: {  	_ = 	snop  }
0x11b: {  	[tilespmem:s19], [sflag:$0x1] =	stream.indirect_vreg.gather [hbm4b:s3+s2], $0x80, v3, vm0, $0xb8;
	[tilespmem:$0x18100] =	vst v63  }
0x11c: {  	_ = 	snop  }
0x11d: {  	[tilespmem:s20], [sflag:$0x1] =	stream.indirect_vreg.gather [hbm4b:s4+s2], $0x80, v3, vm1, $0xb8;
	[tilespmem:$0x18100] =	vst v63  }
0x11e: {  	v3 =	vld [tilespmem:$0xE0];
	_ =	sdelay $0x4  }
0x11f: {  	v62 =	vshrl.u32 v3, $0x3  }
0x120: {  	v4 =	vmul.u32 $0x18, v62  }
0x121: {  	v3 =	vand.u32 $0x7, v3  }
0x122: {  	v3 =	vor.u32 v3, v4  }
0x123: {  	v4 =	vperm.xlane v3, v0;
	_ =	sdelay $0x1  }
0x124: {  	v4 =	vadd.s32 v1, v4;
	_ =	sdelay $0x1  }
0x125: {  	v3 =	vperm.xlane v3, v2;
	_ =	sdelay $0x1  }
0x126: {  	v3 =	vadd.s32 v1, v3  }
0x127: {  	[tilespmem:s21], [sflag:$0x1] =	stream.indirect_vreg.gather [hbm4b:s3+s2], $0x80, v4, vm0, $0xb8;
	[tilespmem:$0x18100] =	vst v63  }
0x128: {  	_ = 	snop  }
0x129: {  	[tilespmem:s22], [sflag:$0x1] =	stream.indirect_vreg.gather [hbm4b:s4+s2], $0x80, v4, vm1, $0xb8;
	[tilespmem:$0x18100] =	vst v63  }
0x12a: {  	_ = 	snop  }
0x12b: {  	[tilespmem:s23], [sflag:$0x1] =	stream.indirect_vreg.gather [hbm4b:s3+s2], $0x80, v3, vm0, $0xb8;
	[tilespmem:$0x18100] =	vst v63  }
0x12c: {  	_ = 	snop  }
0x12d: {  	[tilespmem:s24], [sflag:$0x1] =	stream.indirect_vreg.gather [hbm4b:s4+s2], $0x80, v3, vm1, $0xb8;
	[tilespmem:$0x18100] =	vst v63  }
0x12e: {  	v3 =	vld [tilespmem:$0xF0];
	_ =	sdelay $0x4  }
0x12f: {  	v63 =	vshrl.u32 v3, $0x3  }
0x130: {  	v4 =	vmul.u32 $0x18, v63  }
0x131: {  	v3 =	vand.u32 $0x7, v3  }
0x132: {  	v3 =	vor.u32 v3, v4  }
0x133: {  	v4 =	vperm.xlane v3, v0;
	_ =	sdelay $0x1  }
0x134: {  	v4 =	vadd.s32 v1, v4;
	_ =	sdelay $0x1  }
0x135: {  	v3 =	vperm.xlane v3, v2;
	_ =	sdelay $0x1  }
0x136: {  	v3 =	vadd.s32 v1, v3  }
0x137: {  	[tilespmem:s25], [sflag:$0x1] =	stream.indirect_vreg.gather [hbm4b:s3+s2], $0x80, v4, vm0, $0xb8;
	[tilespmem:$0x18100] =	vst v63  }
0x138: {  	_ = 	snop  }
0x139: {  	[tilespmem:s26], [sflag:$0x1] =	stream.indirect_vreg.gather [hbm4b:s4+s2], $0x80, v4, vm1, $0xb8;
	[tilespmem:$0x18100] =	vst v63  }
0x13a: {  	_ = 	snop  }
0x13b: {  	[tilespmem:s28], [sflag:$0x1] =	stream.indirect_vreg.gather [hbm4b:s3+s2], $0x80, v3, vm0, $0xb8;
	[tilespmem:$0x18100] =	vst v63  }
0x13c: {  	_ = 	snop  }
0x13d: {  	[tilespmem:s29], [sflag:$0x1] =	stream.indirect_vreg.gather [hbm4b:s4+s2], $0x80, v3, vm1, $0xb8;
	[tilespmem:$0x18100] =	vst v63  }
0x13e: {  	_ =	swait.ge [sflag:s30], $0x18000  }
0x13f: {  	p0 =	sne.s32 s1, $0x60;
	[sflag:s30] =	ssyncset.done $0x0  }
.Ltmp0:
0x140: {  	[sflag:s30] =	ssyncadd.s32 $0xFFFE8000;
	(pc) =	sbr.rel @p0 .LBB2_2-.Ltmp0, $4  }
0x141: {  	[hbm4b:s6+s2] =	stream.linear.scatter [tilespmem:s8], [sflag:$0x2], $0x18000, $0x38;
	[tilespmem:$0x18100] =	vst v63  }
0x142: {  	_ =	swait.ge [sflag:s7], $0x18000  }
0x143: {  	[sflag:s7] =	ssyncset.done $0x0  }
0x144: {  	s1 =	sadd.s32 $0x20, s1;
	s6 =	sadd.s32 $0x3000, s6;
	[sflag:s7] =	ssyncadd.s32 $0xFFFE8000  }
0x145: {  	s0 =	sld [smem:$0x7F7];
	_ =	sdelay $0x1  }
0x146: {  	s31 =	sadd.s32 $0x1, s31  }
0x147: {  	p0 =	sne.s32 s31, s0  }
.Ltmp1:
0x148: {  	_ = 	snop;
	(pc) =	sbr.rel @p0 .LBB2_1-.Ltmp1, $1  }
0x149: {  	_ =	sdelay $0x3  }
0x14a: {  	_ =	sfence.sel $0x180000  }
0x14b: {  	[bflag:$0x0] =	sbarrier.arrive $0xFFFF  }
0x14c: {  	_ =	strace $0x9000004A  }
0x14d: {  	s0 =	stileid.u32;
	[bflag:$0x2] =	sbarrier.arrive $0xFFFF  }
0x14e: {  	p0 =	sne.s32 s0, $0x0;
	s0 =	rddreg [dreg:$0x2]  }
0x14f: {  	s0 =	sadd.s32 @!p0 $0x100000, s0  }
0x150: {  	[sflag:s0] =	ssyncadd.tile.s32 @!p0 $0x1;
	_ =	shalt  }
.Lfunc_end2:
_tile_overlayer_lowered:
.L_overlay_start_2:
0x151: {  	(tag) =	ssettag $0x2  }
0x152: {  	s0 =	rddreg [dreg:$0x0];
	s2 =	stileid.u32  }
0x153: {  	s1 =	rddreg [dreg:$0x1];
	p0 =	sne.s32 s2, $0x0  }
0x154: {  	s3 =	rddreg [dreg:$0x2];
	[bflag:$0x3] =	sbarrier.arrive $0xFFFF;
	s2 =	simm.s32 @!p0 $0x1C02  }
0x155: {  	[timem:s3], [sflag:s2] =	dma.local @!p0 [hbm:s0], s1  }
0x156: {  	s0 =	simm.s32 @!p0 $0x2  }
0x157: {  	_ =	swait.ge @!p0 [sflag:s0], s1  }
0x158: {  	s1 =	ssub.s32 @!p0 $0x0, s1;
	[sflag:s0] =	ssyncset.done @!p0 $0x0  }
0x159: {  	[sflag:s0] =	ssyncadd.s32 @!p0 s1  }
0x15a: {  	[bflag:$0x3] =	sbarrier.arrive $0xFFFF  }
0x15b: {  	_ =	shalt  }

// kernel: kernel.8.cloned.1.call-start
scs
__scs_entry_jumppad:
0x0: {  	(pc) =	sbr.rel $0x88, $3  }
0x1: {  	(tag) =	ssettag $0x0;
	lr =	simm.s32 $0x1  }
0x2: {  	[smem:$0x3F91] =	sst lr;
	_ =	strace $0xD0000000  }
0x3: {  	_ = 	snop  }
0x4: {  	_ = 	snop  }
0x5: {  	_ = 	snop  }
0x6: {  	_ = 	snop  }
0x7: {  	_ = 	snop  }
__scs_overlays_trampoline_lowered:
0x8: {  	[smem:$0x3FA0] =	sst s0  }
0x9: {  	[smem:$0x3FA1] =	sst s1  }
0xa: {  	[smem:$0x3FA2] =	sst s2  }
0xb: {  	[smem:$0x3FA3] =	sst s3  }
0xc: {  	[smem:$0x3FA4] =	sst s4  }
0xd: {  	[smem:$0x3FA5] =	sst s5  }
0xe: {  	[smem:$0x3FA6] =	sst s6  }
0xf: {  	[smem:$0x3FA7] =	sst s7  }
0x10: {  	[smem:$0x3FA8] =	sst s8  }
0x11: {  	[smem:$0x3FA9] =	sst s9;
	s0 =	simm.s32 @!p0 $0x0  }
0x12: {  	s1 =	sld [smem:$0x3F8F];
	s0 =	simm.s32 @p0 $0x1  }
0x13: {  	[smem:$0x3FAA] =	sst s0;
	s0 =	simm.s32 @!p1 $0x0  }
0x14: {  	s2 =	sld [smem:$0x3F8E];
	s0 =	simm.s32 @p1 $0x1  }
0x15: {  	[smem:$0x3FAB] =	sst s0;
	s0 =	simm.s32 @!p2 $0x0  }
0x16: {  	s3 =	sld [smem:$0x3FDB];
	s0 =	simm.s32 @p2 $0x1  }
0x17: {  	s4 =	simm.s32 $0x1BF5;
	[smem:$0x3FAD] =	sst s0  }
0x18: {  	s0 =	sld [smem:$0x3F90];
	_ =	swait.ge [sflag:s4], $0x0  }
0x19: {  	s7 =	sld [smem:$0x3F91]  }
0x1a: {  	s8 =	sadd.s32 $0xFFFFE003, lr  }
0x1b: {  	s9 =	sadd.s32 $0xFFFFFEF7, lr;
	s5 =	simm.s32 $0xFFFFFFFF;
	p2 =	slt.u32 s8, $0xFFFFF086  }
0x1c: {  	p1 =	slt.u32 s9, $0xF7A;
	s5 =	simm.s32 @!p2 $0x0  }
0x1d: {  	s5 =	simm.s32 @p1 $0x1;
	p0 =	seq.s32 s7, s2  }
0x1e: {  	s7 =	smul.u32 @!p0 $0xF7A, s2;
	p2 =	seq.s32 @!p0 s5, $0x0  }
0x1f: {  	s9 =	smul.u32 $0xF7A, s1;
	s8 =	simm.s32 @!p0 $0x1BF5;
	p2 =	por !p2, p0  }
0x20: {  	[sflag:s8] =	ssyncset.s32 @!p0 $0xFFFFF086;
	s6 =	sadd.s32 @!p0 s3, s7;
	s7 =	simm.s32 @!p0 $0x108  }
0x21: {  	s3 =	sadd.s32 s3, s9;
	s6 =	sadd.s32 @!p0 $0x88, s6;
	s7 =	simm.s32 @p2 $0x1082  }
0x22: {  	[simem:s7], [sflag:s8] =	dma.local @!p0 [hbm:s6], $0xF7A  }
0x23: {  	s9 =	sor.u32 $0xD0000000, s2;
	s6 =	simm.s32 $0x108;
	_ =	swait.ge @!p0 [sflag:s8], $0x0  }
0x24: {  	s3 =	sadd.s32 $0x88, s3;
	s6 =	simm.s32 @!p1 $0x1082;
	[sflag:s4] =	ssyncset.s32 $0xFFFFF086  }
0x25: {  	[simem:s6], [sflag:s4] =	dma.local [hbm:s3], $0xF7A  }
0x26: {  	[smem:$0x3F91] =	sst s1;
	(tag) =	ssettag s2;
	_ =	strace s9  }
0x27: {  	s1 =	sld [smem:$0x3FA1]  }
0x28: {  	s2 =	sld [smem:$0x3FA2]  }
0x29: {  	s4 =	sld [smem:$0x3FA4]  }
0x2a: {  	p0 =	seq.s32 s5, $0x0;
	s5 =	sld [smem:$0x3FA5]  }
0x2b: {  	s6 =	sld [smem:$0x3FA6]  }
0x2c: {  	s7 =	sld [smem:$0x3FA7]  }
0x2d: {  	s3 =	simm.s32 $0x108;
	s8 =	sld [smem:$0x3FA8]  }
0x2e: {  	s3 =	simm.s32 @!p0 $0x1082;
	s9 =	sld [smem:$0x3FA9]  }
0x2f: {  	lr =	sadd.s32 s0, s3;
	s0 =	sld [smem:$0x3FA0]  }
0x30: {  	s3 =	sld [smem:$0x3FA3]  }
0x31: {  	[smem:$0x3FAC] =	sst s10  }
0x32: {  	s10 =	sld [smem:$0x3FAA];
	_ =	sdelay $0x3  }
0x33: {  	p0 =	seq.s32 s10, $0x1;
	s10 =	sld [smem:$0x3FAC];
	_ =	sdelay $0x3  }
0x34: {  	[smem:$0x3FAC] =	sst s10  }
0x35: {  	s10 =	sld [smem:$0x3FAB];
	_ =	sdelay $0x3  }
0x36: {  	p1 =	seq.s32 s10, $0x1;
	s10 =	sld [smem:$0x3FAC];
	_ =	sdelay $0x3  }
0x37: {  	[smem:$0x3FAC] =	sst s10  }
0x38: {  	s10 =	sld [smem:$0x3FAD]  }
0x39: {  	_ = 	snop;
	(pc) =	sbr.ind lr, $3  }
0x3a: {  	_ = 	snop  }
0x3b: {  	_ = 	snop  }
0x3c: {  	p2 =	seq.s32 s10, $0x1;
	s10 =	sld [smem:$0x3FAC]  }
0x3d: {  	_ =	shalt  }
0x3e: {  	_ =	shalt  }
0x3f: {  	_ =	shalt  }
0x40: {  	_ =	shalt  }
0x41: {  	_ =	shalt  }
0x42: {  	_ =	shalt  }
0x43: {  	_ =	shalt  }
0x44: {  	_ =	shalt  }
0x45: {  	_ =	shalt  }
0x46: {  	_ =	shalt  }
0x47: {  	_ =	shalt  }
0x48: {  	_ =	shalt  }
0x49: {  	_ =	shalt  }
0x4a: {  	_ =	shalt  }
0x4b: {  	_ =	shalt  }
0x4c: {  	_ =	shalt  }
0x4d: {  	_ =	shalt  }
0x4e: {  	_ =	shalt  }
0x4f: {  	_ =	shalt  }
0x50: {  	_ =	shalt  }
0x51: {  	_ =	shalt  }
0x52: {  	_ =	shalt  }
0x53: {  	_ =	shalt  }
0x54: {  	_ =	shalt  }
0x55: {  	_ =	shalt  }
0x56: {  	_ =	shalt  }
0x57: {  	_ =	shalt  }
0x58: {  	_ =	shalt  }
0x59: {  	_ =	shalt  }
0x5a: {  	_ =	shalt  }
0x5b: {  	_ =	shalt  }
0x5c: {  	_ =	shalt  }
0x5d: {  	_ =	shalt  }
0x5e: {  	_ =	shalt  }
0x5f: {  	_ =	shalt  }
0x60: {  	_ =	shalt  }
0x61: {  	_ =	shalt  }
0x62: {  	_ =	shalt  }
0x63: {  	_ =	shalt  }
0x64: {  	_ =	shalt  }
0x65: {  	_ =	shalt  }
0x66: {  	_ =	shalt  }
0x67: {  	_ =	shalt  }
0x68: {  	_ =	shalt  }
0x69: {  	_ =	shalt  }
0x6a: {  	_ =	shalt  }
0x6b: {  	_ =	shalt  }
0x6c: {  	_ =	shalt  }
0x6d: {  	_ =	shalt  }
0x6e: {  	_ =	shalt  }
0x6f: {  	_ =	shalt  }
0x70: {  	_ =	shalt  }
0x71: {  	_ =	shalt  }
0x72: {  	_ =	shalt  }
0x73: {  	_ =	shalt  }
0x74: {  	_ =	shalt  }
0x75: {  	_ =	shalt  }
0x76: {  	_ =	shalt  }
0x77: {  	_ =	shalt  }
0x78: {  	_ =	shalt  }
0x79: {  	_ =	shalt  }
0x7a: {  	_ =	shalt  }
0x7b: {  	_ =	shalt  }
0x7c: {  	_ =	shalt  }
0x7d: {  	_ =	shalt  }
0x7e: {  	_ =	shalt  }
0x7f: {  	_ =	shalt  }
0x80: {  	_ =	shalt  }
0x81: {  	_ =	shalt  }
0x82: {  	_ =	shalt  }
0x83: {  	_ =	shalt  }
0x84: {  	_ =	shalt  }
0x85: {  	_ =	shalt  }
0x86: {  	_ =	shalt  }
0x87: {  	_ =	shalt  }
.Lfunc_end0:
.L_simem_size_0:
called_computation_lowered:
.L_overlay_start_0:
0x88: {  	s2 =	sld [smem:$0x3FD9]  }
0x89: {  	s3 =	sld [smem:$0x3FFE];
	_ =	sdelay $0x1  }
0x8a: {  	s1 =	srdreg.scid  }
0x8b: {  	s0 =	sand.u32 $0x1, s1  }
0x8c: {  	s16 =	sshll.u32 s0, $0xA;
	s2 =	sadd.s32 s3, s2  }
0x8d: {  	s2 =	sadd.s32 s2, s16  }
0x8e: {  	[smem:$0x3FB8] =	sst s2  }
0x8f: {  	_ = 	snop  }
0x90: {  	(tm) =	ssettm $0x1  }
0x91: {  	s17 =	sld [smem:$0x3FFB];
	_ =	sdelay $0x3  }
0x92: {  	_ =	strace s17  }
0x93: {  	s2 =	sld [smem:$0x3FFC];
	_ =	sdelay $0x3  }
0x94: {  	_ =	strace s2  }
0x95: {  	s2 =	sld [smem:$0x3FFD];
	_ =	sdelay $0x3  }
0x96: {  	_ =	strace s2  }
0x97: {  	_ =	strace $0x8FFFFFFF  }
0x98: {  	s18 =	sld [smem:$0x3FDB];
	_ =	sdelay $0x1  }
0x99: {  	s19 =	simm.s32 $_scs_section_size  }
0x9a: {  	s4 =	simm.s32 $_size__tile_overlayer_lowered;
	s5 =	simm.s32 $_tile_overlayer_lowered  }
0x9b: {  	s22 =	simm.s32 $0x1BFF;
	s21 =	sshll.u32 s5, $0x1;
	s2 =	sadd.s32 s19, s18  }
0x9c: {  	s6 =	simm.s32 $0x0;
	s20 =	sshll.u32 s4, $0x1;
	s4 =	sadd.s32 s21, s2  }
0x9d: {  	[timem:s6], [sflag:s22] =	dma.local [hbm:s4], s20  }
0x9e: {  	_ =	swait.ge [sflag:s22], s20  }
0x9f: {  	s3 =	ssub.s32 $0x0, s20;
	[sflag:s22] =	ssyncset.done $0x0  }
0xa0: {  	[sflag:s22] =	ssyncadd.s32 s3;
	_ =	sdelay $0x1  }
0xa1: {  	s23 =	simm.s32 $0x1B8B  }
0xa2: {  	_ =	swait.ge [sflag:s23], $0x1  }
0xa3: {  	[sflag:s23] =	ssyncset.done $0x0  }
0xa4: {  	s25 =	simm.s32 $0x1B8E;
	s24 =	sld [smem:$0x3FFE];
	[sflag:s23] =	ssyncadd.s32 $0xFFFFFFFF  }
0xa5: {  	s26 =	simm.s32 $execute0_lowered;
	[smem:$0x3FD2] =	sst s25  }
0xa6: {  	s4 =	sshll.u32 s26, $0x1;
	_ =	strace $0x80000046;
	[dreg:$0x1] =	wrdreg $0xFFFFFFFF  }
0xa7: {  	s28 =	simm.s32 $_size_execute0_lowered;
	s2 =	sadd.s32 s2, s4;
	[dreg:$0x0] =	wrdreg $0x0  }
0xa8: {  	s4 =	sshll.u32 s28, $0x1;
	[dreg:$0x2] =	wrdreg s2  }
0xa9: {  	[dreg:$0x3] =	wrdreg s4  }
0xaa: {  	[dreg:$0x4] =	wrdreg $0xC0  }
0xab: {  	_ =	task [dreg:s6], $0x5FFFF  }
0xac: {  	[dreg:$0x1] =	wrdreg $0xFFFFFFFF  }
0xad: {  	[dreg:$0x0] =	wrdreg $0x60  }
0xae: {  	[dreg:$0x2] =	wrdreg s24  }
0xaf: {  	[dreg:$0x3] =	wrdreg $0x9  }
0xb0: {  	_ =	task.clear_ibuf [dreg:s6], $0x4FFFF;
	_ =	strace $0x90000046  }
0xb1: {  	s29 =	simm.s32 $0x9;
	_ =	strace $0x80000048  }
0xb2: {  	_ =	swait.ge [sflag:s29], $0x1  }
0xb3: {  	[sflag:s29] =	ssyncadd.s32 $0xFFFFFFFF  }
0xb4: {  	_ =	strace $0x90000048  }
0xb5: {  	_ =	sfence  }
0xb6: {  	s30 =	sld [smem:$0x0];
	_ =	sdelay $0x2  }
0xb7: {  	s31 =	sshll.u32 s1, $0xD;
	s1 =	sshrl.u32 s1, $0x2  }
0xb8: {  	s3 =	sand.u32 $0x4000, s31;
	s1 =	sadd.s32 s1, s30  }
0xb9: {  	s0 =	sor.u32 s3, s0;
	s1 =	sshll.u32 s1, $0x11  }
0xba: {  	s0 =	sor.u32 s1, s0  }
0xbb: {  	s0 =	sadd.s32 $0x8F2B, s0  }
0xbc: {  	[sflag:s0] =	ssyncadd.remote.s32 $0x1  }
0xbd: {  	_ =	sfence.sel $0xFFFF  }
0xbe: {  	[dreg:$0x0] =	wrdreg $0xFFFFFFFF;
	(pc) =	sbr.abs _section_cstart, $3  }
0xbf: {  	[dreg:$0x1] =	wrdreg $0xFFFFFFFF  }
0xc0: {  	_ =	task.clear_ibuf [dreg:s6], $0x2FFFF;
	_ =	strace $0x9FFFFFFF  }
0xc1: {  	(tm) =	ssettm $0x7FFFFFFF  }
tec
execute0_lowered:
.L_overlay_start_1:
0x0: {  	(tag) =	ssettag $0x1  }
0x1: {  	s0 =	rddreg [dreg:$0x0];
	s2 =	simm.s32 $0x0  }
0x2: {  	s25 =	simm.s32 $0x900;
	[smem:$0x7FF] =	sst s2  }
0x3: {  	s26 =	simm.s32 $0xD00;
	_ =	strace $0x80000047;
	[dreg:$0x3] =	wrdreg s25  }
0x4: {  	s6 =	simm.s32 $0x1900;
	[dreg:$0x4] =	wrdreg s26  }
0x5: {  	s7 =	simm.s32 $0x2100;
	[dreg:$0x6] =	wrdreg s6  }
0x6: {  	s8 =	simm.s32 $0x2500;
	[dreg:$0x7] =	wrdreg s7  }
0x7: {  	s9 =	simm.s32 $0x2D00;
	[dreg:$0x8] =	wrdreg s8  }
0x8: {  	s10 =	simm.s32 $0x3100;
	[dreg:$0x9] =	wrdreg s9  }
0x9: {  	s11 =	simm.s32 $0x3900;
	[dreg:$0xa] =	wrdreg s10  }
0xa: {  	s12 =	simm.s32 $0x3D00;
	[dreg:$0xb] =	wrdreg s11  }
0xb: {  	s13 =	simm.s32 $0x4500;
	[dreg:$0xc] =	wrdreg s12  }
0xc: {  	s14 =	simm.s32 $0x4900;
	[dreg:$0xd] =	wrdreg s13  }
0xd: {  	s15 =	simm.s32 $0x5100;
	[dreg:$0xe] =	wrdreg s14  }
0xe: {  	s16 =	simm.s32 $0x5500;
	[dreg:$0xf] =	wrdreg s15  }
0xf: {  	s17 =	simm.s32 $0x5D00;
	[dreg:$0x10] =	wrdreg s16  }
0x10: {  	s18 =	simm.s32 $0x6100;
	[dreg:$0x11] =	wrdreg s17  }
0x11: {  	s19 =	simm.s32 $0x6900;
	[dreg:$0x12] =	wrdreg s18  }
0x12: {  	s20 =	simm.s32 $0x6D00;
	[dreg:$0x13] =	wrdreg s19  }
0x13: {  	s21 =	simm.s32 $0x7500;
	[dreg:$0x14] =	wrdreg s20  }
0x14: {  	s22 =	simm.s32 $0x7900;
	[dreg:$0x15] =	wrdreg s21  }
0x15: {  	s23 =	simm.s32 $0x8100;
	[dreg:$0x16] =	wrdreg s22  }
0x16: {  	s24 =	simm.s32 $0x8500;
	[dreg:$0x17] =	wrdreg s23  }
0x17: {  	[dreg:$0x18] =	wrdreg s24;
	s25 =	simm.s32 $0x8D00  }
0x18: {  	s26 =	simm.s32 $0x9100;
	[dreg:$0x19] =	wrdreg s25  }
0x19: {  	s5 =	stileid.u32;
	s6 =	simm.s32 $0x9D00;
	[dreg:$0x1a] =	wrdreg s26  }
0x1a: {  	s1 =	srdreg.scid;
	s7 =	simm.s32 $0xA500;
	[dreg:$0x1c] =	wrdreg s6  }
0x1b: {  	s28 =	simm.s32 $0x17500;
	s8 =	simm.s32 $0xA900;
	[dreg:$0x1d] =	wrdreg s7  }
0x1c: {  	s29 =	simm.s32 $0x17D00;
	s9 =	simm.s32 $0xB100;
	[dreg:$0x1e] =	wrdreg s8  }
0x1d: {  	s30 =	simm.s32 $0x1;
	s10 =	simm.s32 $0xB500;
	[dreg:$0x1f] =	wrdreg s9  }
0x1e: {  	s31 =	simm.s32 $0x0;
	s11 =	simm.s32 $0xBD00;
	[smem:$0x7EE] =	sst s10  }
0x1f: {  	s3 =	sshll.u32 s5, $0x8;
	s13 =	simm.s32 $0xC100;
	[smem:$0x7EF] =	sst s11  }
0x20: {  	s1 =	sand.u32 $0x1, s1;
	s14 =	simm.s32 $0xC900;
	[smem:$0x7F0] =	sst s13  }
0x21: {  	s3 =	sadd.s32 s3, s0;
	s15 =	simm.s32 $0xCD00;
	[smem:$0x7F1] =	sst s14  }
0x22: {  	s4 =	sshll.u32 s1, $0x7;
	s17 =	simm.s32 $0xD500;
	[smem:$0x7F2] =	sst s15  }
0x23: {  	s12 =	smul.u32 $0x18000, s5;
	s18 =	simm.s32 $0xD900;
	[smem:$0x7F3] =	sst s17  }
0x24: {  	s16 =	ssub.s32 $0x2, s1;
	s19 =	simm.s32 $0xE100;
	[smem:$0x7F4] =	sst s18  }
0x25: {  	s20 =	simm.s32 $0xE500;
	s1 =	smul.u32 $0xC000, s1;
	[smem:$0x7F5] =	sst s19  }
0x26: {  	s21 =	simm.s32 $0xED00;
	s22 =	simm.s32 $0xF100;
	[smem:$0x7F6] =	sst s20  }
0x27: {  	s23 =	simm.s32 $0xF900;
	s3 =	sadd.s32 s4, s3;
	[smem:$0x7F8] =	sst s21  }
0x28: {  	s4 =	simm.s32 $0x1500;
	s7 =	sshrl.u32 s16, $0x1;
	[smem:$0x7F9] =	sst s22  }
0x29: {  	[smem:$0x7FB] =	sst s23;
	s25 =	simm.s32 $0xFD00;
	s26 =	simm.s32 $0x10500  }
0x2a: {  	s8 =	simm.s32 $0x100;
	s9 =	simm.s32 $0x10900;
	s10 =	simm.s32 $0x11100  }
0x2b: {  	s11 =	simm.s32 $0x11500;
	s13 =	simm.s32 $0x12100;
	s14 =	simm.s32 $0x12900  }
0x2c: {  	s15 =	simm.s32 $0x12D00;
	s17 =	simm.s32 $0x13900;
	s18 =	simm.s32 $0x14100  }
0x2d: {  	s19 =	simm.s32 $0x14500;
	s20 =	simm.s32 $0x14D00;
	s21 =	simm.s32 $0x15100  }
0x2e: {  	s22 =	simm.s32 $0x15900;
	s23 =	simm.s32 $0x15D00;
	s3 =	sadd.s32 $0x3200, s3  }
0x2f: {  	[dreg:$0x5] =	wrdreg s4;
	s4 =	simm.s32 $0x9900;
	s6 =	sadd.s32 s12, s0  }
0x30: {  	s5 =	ssub.s32 s16, s7;
	s7 =	simm.s32 $0x2;
	[smem:$0x7FC] =	sst s25  }
0x31: {  	[smem:$0x7FD] =	sst s26;
	s12 =	simm.s32 $0x11D00;
	s16 =	simm.s32 $0x13500  }
0x32: {  	s25 =	simm.s32 $0x16900;
	s26 =	simm.s32 $0x17100;
	[dreg:$0x2] =	wrdreg s3  }
0x33: {  	v2 =	vlaneseq.u32;
	[dreg:$0x1b] =	wrdreg s4;
	s5 =	smax.u32 s5, $0x1;
	s1 =	sadd.s32 s1, s6  }
0x34: {  	vm0 =	vmmov $0xffff;
	vm1 =	vmmov $0xff;
	v1 =	vshrl.u32 v2, $0x3;
	s3 =	sadd.s32 $0x4200, s0;
	[smem:$0x7F7] =	sst s5;
	s24 =	sadd.s32 $0x64200, s1  }
0x35: {  	v0 =	vand.u32 $0x7, v2;
	v2 =	vor.u32 $0x8, v2;
	v1 =	vmul.u32 $0x8, v1;
	s4 =	sadd.s32 $0x4300, s0;
	[smem:$0x7FA] =	sst s24;
	s24 =	simm.s32 $0x16500  }
.LBB2_1:
0x36: {  	s6 =	sld [smem:$0x7FA];
	s1 =	simm.s32 $0x0  }
.LBB2_2:
0x37: {  	s5 =	rddreg [dreg:$0x2]  }
0x38: {  	s5 =	sadd.s32 s1, s5  }
0x39: {  	[tilespmem:s2], [sflag:$0x2] =	stream.linear.gather [hbm4b:s5+s2], $0x100, $0x38;
	[tilespmem:$0x18100] =	vst v63  }
0x3a: {  	_ =	swait.ge [sflag:s7], $0x100  }
0x3b: {  	[sflag:s7] =	ssyncset.done $0x0  }
0x3c: {  	[sflag:s7] =	ssyncadd.s32 $0xFFFFFF00  }
0x3d: {  	v3 =	vld [tilespmem:$0x0];
	_ =	sdelay $0x4  }
0x3e: {  	v4 =	vshrl.u32 v3, $0x3  }
0x3f: {  	v4 =	vmul.u32 $0x18, v4  }
0x40: {  	v3 =	vand.u32 $0x7, v3  }
0x41: {  	v3 =	vor.u32 v3, v4  }
0x42: {  	v4 =	vperm.xlane v3, v0;
	_ =	sdelay $0x1  }
0x43: {  	v4 =	vadd.s32 v1, v4;
	_ =	sdelay $0x1  }
0x44: {  	v3 =	vperm.xlane v3, v2;
	_ =	sdelay $0x1  }
0x45: {  	v3 =	vadd.s32 v1, v3  }
0x46: {  	[tilespmem:s8], [sflag:$0x1] =	stream.indirect_vreg.gather [hbm4b:s3+s2], $0x80, v4, vm0, $0xb8;
	[tilespmem:$0x18100] =	vst v63  }
0x47: {  	s5 =	rddreg [dreg:$0x3]  }
0x48: {  	[tilespmem:s5], [sflag:$0x1] =	stream.indirect_vreg.gather [hbm4b:s4+s2], $0x80, v4, vm1, $0xb8;
	[tilespmem:$0x18100] =	vst v63  }
0x49: {  	s0 =	rddreg [dreg:$0x4]  }
0x4a: {  	[tilespmem:s0], [sflag:$0x1] =	stream.indirect_vreg.gather [hbm4b:s3+s2], $0x80, v3, vm0, $0xb8;
	[tilespmem:$0x18100] =	vst v63  }
0x4b: {  	s5 =	rddreg [dreg:$0x5]  }
0x4c: {  	[tilespmem:s5], [sflag:$0x1] =	stream.indirect_vreg.gather [hbm4b:s4+s2], $0x80, v3, vm1, $0xb8;
	[tilespmem:$0x18100] =	vst v63  }
0x4d: {  	v3 =	vld [tilespmem:$0x10];
	_ =	sdelay $0x4  }
0x4e: {  	v49 =	vshrl.u32 v3, $0x3  }
0x4f: {  	v4 =	vmul.u32 $0x18, v49  }
0x50: {  	v3 =	vand.u32 $0x7, v3  }
0x51: {  	v3 =	vor.u32 v3, v4  }
0x52: {  	v4 =	vperm.xlane v3, v0;
	_ =	sdelay $0x1  }
0x53: {  	v4 =	vadd.s32 v1, v4;
	_ =	sdelay $0x1  }
0x54: {  	v3 =	vperm.xlane v3, v2;
	_ =	sdelay $0x1  }
0x55: {  	s0 =	rddreg [dreg:$0x6];
	v3 =	vadd.s32 v1, v3  }
0x56: {  	[tilespmem:s0], [sflag:$0x1] =	stream.indirect_vreg.gather [hbm4b:s3+s2], $0x80, v4, vm0, $0xb8;
	[tilespmem:$0x18100] =	vst v63  }
0x57: {  	s5 =	rddreg [dreg:$0x7]  }
0x58: {  	[tilespmem:s5], [sflag:$0x1] =	stream.indirect_vreg.gather [hbm4b:s4+s2], $0x80, v4, vm1, $0xb8;
	[tilespmem:$0x18100] =	vst v63  }
0x59: {  	s0 =	rddreg [dreg:$0x8]  }
0x5a: {  	[tilespmem:s0], [sflag:$0x1] =	stream.indirect_vreg.gather [hbm4b:s3+s2], $0x80, v3, vm0, $0xb8;
	[tilespmem:$0x18100] =	vst v63  }
0x5b: {  	s5 =	rddreg [dreg:$0x9]  }
0x5c: {  	[tilespmem:s5], [sflag:$0x1] =	stream.indirect_vreg.gather [hbm4b:s4+s2], $0x80, v3, vm1, $0xb8;
	[tilespmem:$0x18100] =	vst v63  }
0x5d: {  	v3 =	vld [tilespmem:$0x20];
	_ =	sdelay $0x4  }
0x5e: {  	v50 =	vshrl.u32 v3, $0x3  }
0x5f: {  	v4 =	vmul.u32 $0x18, v50  }
0x60: {  	v3 =	vand.u32 $0x7, v3  }
0x61: {  	v3 =	vor.u32 v3, v4  }
0x62: {  	v4 =	vperm.xlane v3, v0;
	_ =	sdelay $0x1  }
0x63: {  	v4 =	vadd.s32 v1, v4;
	_ =	sdelay $0x1  }
0x64: {  	v3 =	vperm.xlane v3, v2;
	_ =	sdelay $0x1  }
0x65: {  	s0 =	rddreg [dreg:$0xa];
	v3 =	vadd.s32 v1, v3  }
0x66: {  	[tilespmem:s0], [sflag:$0x1] =	stream.indirect_vreg.gather [hbm4b:s3+s2], $0x80, v4, vm0, $0xb8;
	[tilespmem:$0x18100] =	vst v63  }
0x67: {  	s5 =	rddreg [dreg:$0xb]  }
0x68: {  	[tilespmem:s5], [sflag:$0x1] =	stream.indirect_vreg.gather [hbm4b:s4+s2], $0x80, v4, vm1, $0xb8;
	[tilespmem:$0x18100] =	vst v63  }
0x69: {  	s0 =	rddreg [dreg:$0xc]  }
0x6a: {  	[tilespmem:s0], [sflag:$0x1] =	stream.indirect_vreg.gather [hbm4b:s3+s2], $0x80, v3, vm0, $0xb8;
	[tilespmem:$0x18100] =	vst v63  }
0x6b: {  	s5 =	rddreg [dreg:$0xd]  }
0x6c: {  	[tilespmem:s5], [sflag:$0x1] =	stream.indirect_vreg.gather [hbm4b:s4+s2], $0x80, v3, vm1, $0xb8;
	[tilespmem:$0x18100] =	vst v63  }
0x6d: {  	v3 =	vld [tilespmem:$0x30];
	_ =	sdelay $0x4  }
0x6e: {  	v51 =	vshrl.u32 v3, $0x3  }
0x6f: {  	v4 =	vmul.u32 $0x18, v51  }
0x70: {  	v3 =	vand.u32 $0x7, v3  }
0x71: {  	v3 =	vor.u32 v3, v4  }
0x72: {  	v4 =	vperm.xlane v3, v0;
	_ =	sdelay $0x1  }
0x73: {  	v4 =	vadd.s32 v1, v4;
	_ =	sdelay $0x1  }
0x74: {  	v3 =	vperm.xlane v3, v2;
	_ =	sdelay $0x1  }
0x75: {  	s0 =	rddreg [dreg:$0xe];
	v3 =	vadd.s32 v1, v3  }
0x76: {  	[tilespmem:s0], [sflag:$0x1] =	stream.indirect_vreg.gather [hbm4b:s3+s2], $0x80, v4, vm0, $0xb8;
	[tilespmem:$0x18100] =	vst v63  }
0x77: {  	s5 =	rddreg [dreg:$0xf]  }
0x78: {  	[tilespmem:s5], [sflag:$0x1] =	stream.indirect_vreg.gather [hbm4b:s4+s2], $0x80, v4, vm1, $0xb8;
	[tilespmem:$0x18100] =	vst v63  }
0x79: {  	s0 =	rddreg [dreg:$0x10]  }
0x7a: {  	[tilespmem:s0], [sflag:$0x1] =	stream.indirect_vreg.gather [hbm4b:s3+s2], $0x80, v3, vm0, $0xb8;
	[tilespmem:$0x18100] =	vst v63  }
0x7b: {  	s5 =	rddreg [dreg:$0x11]  }
0x7c: {  	[tilespmem:s5], [sflag:$0x1] =	stream.indirect_vreg.gather [hbm4b:s4+s2], $0x80, v3, vm1, $0xb8;
	[tilespmem:$0x18100] =	vst v63  }
0x7d: {  	v3 =	vld [tilespmem:$0x40];
	_ =	sdelay $0x4  }
0x7e: {  	v52 =	vshrl.u32 v3, $0x3  }
0x7f: {  	v4 =	vmul.u32 $0x18, v52  }
0x80: {  	v3 =	vand.u32 $0x7, v3  }
0x81: {  	v3 =	vor.u32 v3, v4  }
0x82: {  	v4 =	vperm.xlane v3, v0;
	_ =	sdelay $0x1  }
0x83: {  	v4 =	vadd.s32 v1, v4;
	_ =	sdelay $0x1  }
0x84: {  	v3 =	vperm.xlane v3, v2;
	_ =	sdelay $0x1  }
0x85: {  	s0 =	rddreg [dreg:$0x12];
	v3 =	vadd.s32 v1, v3  }
0x86: {  	[tilespmem:s0], [sflag:$0x1] =	stream.indirect_vreg.gather [hbm4b:s3+s2], $0x80, v4, vm0, $0xb8;
	[tilespmem:$0x18100] =	vst v63  }
0x87: {  	s5 =	rddreg [dreg:$0x13]  }
0x88: {  	[tilespmem:s5], [sflag:$0x1] =	stream.indirect_vreg.gather [hbm4b:s4+s2], $0x80, v4, vm1, $0xb8;
	[tilespmem:$0x18100] =	vst v63  }
0x89: {  	s0 =	rddreg [dreg:$0x14]  }
0x8a: {  	[tilespmem:s0], [sflag:$0x1] =	stream.indirect_vreg.gather [hbm4b:s3+s2], $0x80, v3, vm0, $0xb8;
	[tilespmem:$0x18100] =	vst v63  }
0x8b: {  	s5 =	rddreg [dreg:$0x15]  }
0x8c: {  	[tilespmem:s5], [sflag:$0x1] =	stream.indirect_vreg.gather [hbm4b:s4+s2], $0x80, v3, vm1, $0xb8;
	[tilespmem:$0x18100] =	vst v63  }
0x8d: {  	v3 =	vld [tilespmem:$0x50];
	_ =	sdelay $0x4  }
0x8e: {  	v53 =	vshrl.u32 v3, $0x3  }
0x8f: {  	v4 =	vmul.u32 $0x18, v53  }
0x90: {  	v3 =	vand.u32 $0x7, v3  }
0x91: {  	v3 =	vor.u32 v3, v4  }
0x92: {  	v4 =	vperm.xlane v3, v0;
	_ =	sdelay $0x1  }
0x93: {  	v4 =	vadd.s32 v1, v4;
	_ =	sdelay $0x1  }
0x94: {  	v3 =	vperm.xlane v3, v2;
	_ =	sdelay $0x1  }
0x95: {  	s0 =	rddreg [dreg:$0x16];
	v3 =	vadd.s32 v1, v3  }
0x96: {  	[tilespmem:s0], [sflag:$0x1] =	stream.indirect_vreg.gather [hbm4b:s3+s2], $0x80, v4, vm0, $0xb8;
	[tilespmem:$0x18100] =	vst v63  }
0x97: {  	s5 =	rddreg [dreg:$0x17]  }
0x98: {  	[tilespmem:s5], [sflag:$0x1] =	stream.indirect_vreg.gather [hbm4b:s4+s2], $0x80, v4, vm1, $0xb8;
	[tilespmem:$0x18100] =	vst v63  }
0x99: {  	s0 =	rddreg [dreg:$0x18]  }
0x9a: {  	[tilespmem:s0], [sflag:$0x1] =	stream.indirect_vreg.gather [hbm4b:s3+s2], $0x80, v3, vm0, $0xb8;
	[tilespmem:$0x18100] =	vst v63  }
0x9b: {  	s5 =	rddreg [dreg:$0x19]  }
0x9c: {  	[tilespmem:s5], [sflag:$0x1] =	stream.indirect_vreg.gather [hbm4b:s4+s2], $0x80, v3, vm1, $0xb8;
	[tilespmem:$0x18100] =	vst v63  }
0x9d: {  	v3 =	vld [tilespmem:$0x60];
	_ =	sdelay $0x4  }
0x9e: {  	v54 =	vshrl.u32 v3, $0x3  }
0x9f: {  	v4 =	vmul.u32 $0x18, v54  }
0xa0: {  	v3 =	vand.u32 $0x7, v3  }
0xa1: {  	v3 =	vor.u32 v3, v4  }
0xa2: {  	v4 =	vperm.xlane v3, v0;
	_ =	sdelay $0x1  }
0xa3: {  	v4 =	vadd.s32 v1, v4;
	_ =	sdelay $0x1  }
0xa4: {  	v3 =	vperm.xlane v3, v2;
	_ =	sdelay $0x1  }
0xa5: {  	s0 =	rddreg [dreg:$0x1a];
	v3 =	vadd.s32 v1, v3  }
0xa6: {  	[tilespmem:s0], [sflag:$0x1] =	stream.indirect_vreg.gather [hbm4b:s3+s2], $0x80, v4, vm0, $0xb8;
	[tilespmem:$0x18100] =	vst v63  }
0xa7: {  	s5 =	rddreg [dreg:$0x1b]  }
0xa8: {  	[tilespmem:s5], [sflag:$0x1] =	stream.indirect_vreg.gather [hbm4b:s4+s2], $0x80, v4, vm1, $0xb8;
	[tilespmem:$0x18100] =	vst v63  }
0xa9: {  	s0 =	rddreg [dreg:$0x1c]  }
0xaa: {  	[tilespmem:s0], [sflag:$0x1] =	stream.indirect_vreg.gather [hbm4b:s3+s2], $0x80, v3, vm0, $0xb8;
	[tilespmem:$0x18100] =	vst v63  }
0xab: {  	s5 =	rddreg [dreg:$0x1d]  }
0xac: {  	[tilespmem:s5], [sflag:$0x1] =	stream.indirect_vreg.gather [hbm4b:s4+s2], $0x80, v3, vm1, $0xb8;
	[tilespmem:$0x18100] =	vst v63  }
0xad: {  	v3 =	vld [tilespmem:$0x70];
	_ =	sdelay $0x4  }
0xae: {  	v55 =	vshrl.u32 v3, $0x3  }
0xaf: {  	v4 =	vmul.u32 $0x18, v55  }
0xb0: {  	v3 =	vand.u32 $0x7, v3  }
0xb1: {  	v3 =	vor.u32 v3, v4  }
0xb2: {  	v4 =	vperm.xlane v3, v0;
	_ =	sdelay $0x1  }
0xb3: {  	v4 =	vadd.s32 v1, v4;
	_ =	sdelay $0x1  }
0xb4: {  	v3 =	vperm.xlane v3, v2  }
0xb5: {  	s0 =	rddreg [dreg:$0x1e]  }
0xb6: {  	s5 =	rddreg [dreg:$0x1f];
	v3 =	vadd.s32 v1, v3  }
0xb7: {  	[tilespmem:s0], [sflag:$0x1] =	stream.indirect_vreg.gather [hbm4b:s3+s2], $0x80, v4, vm0, $0xb8;
	[tilespmem:$0x18100] =	vst v63  }
0xb8: {  	s0 =	sld [smem:$0x7EE]  }
0xb9: {  	[tilespmem:s5], [sflag:$0x1] =	stream.indirect_vreg.gather [hbm4b:s4+s2], $0x80, v4, vm1, $0xb8;
	[tilespmem:$0x18100] =	vst v63  }
0xba: {  	s5 =	sld [smem:$0x7EF]  }
0xbb: {  	[tilespmem:s0], [sflag:$0x1] =	stream.indirect_vreg.gather [hbm4b:s3+s2], $0x80, v3, vm0, $0xb8;
	[tilespmem:$0x18100] =	vst v63  }
0xbc: {  	_ = 	snop  }
0xbd: {  	[tilespmem:s5], [sflag:$0x1] =	stream.indirect_vreg.gather [hbm4b:s4+s2], $0x80, v3, vm1, $0xb8;
	[tilespmem:$0x18100] =	vst v63  }
0xbe: {  	v3 =	vld [tilespmem:$0x80];
	_ =	sdelay $0x4  }
0xbf: {  	v56 =	vshrl.u32 v3, $0x3  }
0xc0: {  	v4 =	vmul.u32 $0x18, v56  }
0xc1: {  	v3 =	vand.u32 $0x7, v3  }
0xc2: {  	v3 =	vor.u32 v3, v4  }
0xc3: {  	v4 =	vperm.xlane v3, v0;
	_ =	sdelay $0x1  }
0xc4: {  	v4 =	vadd.s32 v1, v4;
	_ =	sdelay $0x1  }
0xc5: {  	s0 =	sld [smem:$0x7F0];
	v3 =	vperm.xlane v3, v2;
	_ =	sdelay $0x1  }
0xc6: {  	s5 =	sld [smem:$0x7F1];
	v3 =	vadd.s32 v1, v3  }
0xc7: {  	[tilespmem:s0], [sflag:$0x1] =	stream.indirect_vreg.gather [hbm4b:s3+s2], $0x80, v4, vm0, $0xb8;
	[tilespmem:$0x18100] =	vst v63  }
0xc8: {  	s0 =	sld [smem:$0x7F2]  }
0xc9: {  	[tilespmem:s5], [sflag:$0x1] =	stream.indirect_vreg.gather [hbm4b:s4+s2], $0x80, v4, vm1, $0xb8;
	[tilespmem:$0x18100] =	vst v63  }
0xca: {  	s5 =	sld [smem:$0x7F3]  }
0xcb: {  	[tilespmem:s0], [sflag:$0x1] =	stream.indirect_vreg.gather [hbm4b:s3+s2], $0x80, v3, vm0, $0xb8;
	[tilespmem:$0x18100] =	vst v63  }
0xcc: {  	_ = 	snop  }
0xcd: {  	[tilespmem:s5], [sflag:$0x1] =	stream.indirect_vreg.gather [hbm4b:s4+s2], $0x80, v3, vm1, $0xb8;
	[tilespmem:$0x18100] =	vst v63  }
0xce: {  	v3 =	vld [tilespmem:$0x90];
	_ =	sdelay $0x4  }
0xcf: {  	v57 =	vshrl.u32 v3, $0x3  }
0xd0: {  	v4 =	vmul.u32 $0x18, v57  }
0xd1: {  	v3 =	vand.u32 $0x7, v3  }
0xd2: {  	v3 =	vor.u32 v3, v4  }
0xd3: {  	v4 =	vperm.xlane v3, v0;
	_ =	sdelay $0x1  }
0xd4: {  	v4 =	vadd.s32 v1, v4;
	_ =	sdelay $0x1  }
0xd5: {  	s0 =	sld [smem:$0x7F4];
	v3 =	vperm.xlane v3, v2;
	_ =	sdelay $0x1  }
0xd6: {  	s5 =	sld [smem:$0x7F5];
	v3 =	vadd.s32 v1, v3  }
0xd7: {  	[tilespmem:s0], [sflag:$0x1] =	stream.indirect_vreg.gather [hbm4b:s3+s2], $0x80, v4, vm0, $0xb8;
	[tilespmem:$0x18100] =	vst v63  }
0xd8: {  	s0 =	sld [smem:$0x7F6]  }
0xd9: {  	[tilespmem:s5], [sflag:$0x1] =	stream.indirect_vreg.gather [hbm4b:s4+s2], $0x80, v4, vm1, $0xb8;
	[tilespmem:$0x18100] =	vst v63  }
0xda: {  	s5 =	sld [smem:$0x7F8]  }
0xdb: {  	[tilespmem:s0], [sflag:$0x1] =	stream.indirect_vreg.gather [hbm4b:s3+s2], $0x80, v3, vm0, $0xb8;
	[tilespmem:$0x18100] =	vst v63  }
0xdc: {  	_ = 	snop  }
0xdd: {  	[tilespmem:s5], [sflag:$0x1] =	stream.indirect_vreg.gather [hbm4b:s4+s2], $0x80, v3, vm1, $0xb8;
	[tilespmem:$0x18100] =	vst v63  }
0xde: {  	v3 =	vld [tilespmem:$0xA0];
	_ =	sdelay $0x4  }
0xdf: {  	v58 =	vshrl.u32 v3, $0x3  }
0xe0: {  	v4 =	vmul.u32 $0x18, v58  }
0xe1: {  	v3 =	vand.u32 $0x7, v3  }
0xe2: {  	v3 =	vor.u32 v3, v4  }
0xe3: {  	v4 =	vperm.xlane v3, v0;
	_ =	sdelay $0x1  }
0xe4: {  	v4 =	vadd.s32 v1, v4;
	_ =	sdelay $0x1  }
0xe5: {  	s0 =	sld [smem:$0x7F9];
	v3 =	vperm.xlane v3, v2;
	_ =	sdelay $0x1  }
0xe6: {  	s5 =	sld [smem:$0x7FB];
	v3 =	vadd.s32 v1, v3  }
0xe7: {  	[tilespmem:s0], [sflag:$0x1] =	stream.indirect_vreg.gather [hbm4b:s3+s2], $0x80, v4, vm0, $0xb8;
	[tilespmem:$0x18100] =	vst v63  }
0xe8: {  	s0 =	sld [smem:$0x7FC]  }
0xe9: {  	[tilespmem:s5], [sflag:$0x1] =	stream.indirect_vreg.gather [hbm4b:s4+s2], $0x80, v4, vm1, $0xb8;
	[tilespmem:$0x18100] =	vst v63  }
0xea: {  	s5 =	sld [smem:$0x7FD]  }
0xeb: {  	[tilespmem:s0], [sflag:$0x1] =	stream.indirect_vreg.gather [hbm4b:s3+s2], $0x80, v3, vm0, $0xb8;
	[tilespmem:$0x18100] =	vst v63  }
0xec: {  	_ = 	snop  }
0xed: {  	[tilespmem:s5], [sflag:$0x1] =	stream.indirect_vreg.gather [hbm4b:s4+s2], $0x80, v3, vm1, $0xb8;
	[tilespmem:$0x18100] =	vst v63  }
0xee: {  	v3 =	vld [tilespmem:$0xB0];
	_ =	sdelay $0x4  }
0xef: {  	v59 =	vshrl.u32 v3, $0x3  }
0xf0: {  	v4 =	vmul.u32 $0x18, v59  }
0xf1: {  	v3 =	vand.u32 $0x7, v3  }
0xf2: {  	v3 =	vor.u32 v3, v4  }
0xf3: {  	v4 =	vperm.xlane v3, v0;
	_ =	sdelay $0x1  }
0xf4: {  	v4 =	vadd.s32 v1, v4;
	_ =	sdelay $0x1  }
0xf5: {  	v3 =	vperm.xlane v3, v2;
	_ =	sdelay $0x1  }
0xf6: {  	v3 =	vadd.s32 v1, v3  }
0xf7: {  	[tilespmem:s9], [sflag:$0x1] =	stream.indirect_vreg.gather [hbm4b:s3+s2], $0x80, v4, vm0, $0xb8;
	[tilespmem:$0x18100] =	vst v63  }
0xf8: {  	_ = 	snop  }
0xf9: {  	[tilespmem:s10], [sflag:$0x1] =	stream.indirect_vreg.gather [hbm4b:s4+s2], $0x80, v4, vm1, $0xb8;
	[tilespmem:$0x18100] =	vst v63  }
0xfa: {  	_ = 	snop  }
0xfb: {  	[tilespmem:s11], [sflag:$0x1] =	stream.indirect_vreg.gather [hbm4b:s3+s2], $0x80, v3, vm0, $0xb8;
	[tilespmem:$0x18100] =	vst v63  }
0xfc: {  	_ = 	snop  }
0xfd: {  	[tilespmem:s12], [sflag:$0x1] =	stream.indirect_vreg.gather [hbm4b:s4+s2], $0x80, v3, vm1, $0xb8;
	[tilespmem:$0x18100] =	vst v63  }
0xfe: {  	v3 =	vld [tilespmem:$0xC0];
	_ =	sdelay $0x4  }
0xff: {  	v60 =	vshrl.u32 v3, $0x3  }
0x100: {  	v4 =	vmul.u32 $0x18, v60  }
0x101: {  	v3 =	vand.u32 $0x7, v3  }
0x102: {  	v3 =	vor.u32 v3, v4  }
0x103: {  	v4 =	vperm.xlane v3, v0;
	_ =	sdelay $0x1  }
0x104: {  	v4 =	vadd.s32 v1, v4;
	_ =	sdelay $0x1  }
0x105: {  	v3 =	vperm.xlane v3, v2;
	_ =	sdelay $0x1  }
0x106: {  	v3 =	vadd.s32 v1, v3  }
0x107: {  	[tilespmem:s13], [sflag:$0x1] =	stream.indirect_vreg.gather [hbm4b:s3+s2], $0x80, v4, vm0, $0xb8;
	[tilespmem:$0x18100] =	vst v63  }
0x108: {  	_ = 	snop  }
0x109: {  	[tilespmem:s14], [sflag:$0x1] =	stream.indirect_vreg.gather [hbm4b:s4+s2], $0x80, v4, vm1, $0xb8;
	[tilespmem:$0x18100] =	vst v63  }
0x10a: {  	_ = 	snop  }
0x10b: {  	[tilespmem:s15], [sflag:$0x1] =	stream.indirect_vreg.gather [hbm4b:s3+s2], $0x80, v3, vm0, $0xb8;
	[tilespmem:$0x18100] =	vst v63  }
0x10c: {  	_ = 	snop  }
0x10d: {  	[tilespmem:s16], [sflag:$0x1] =	stream.indirect_vreg.gather [hbm4b:s4+s2], $0x80, v3, vm1, $0xb8;
	[tilespmem:$0x18100] =	vst v63  }
0x10e: {  	v3 =	vld [tilespmem:$0xD0];
	_ =	sdelay $0x4  }
0x10f: {  	v61 =	vshrl.u32 v3, $0x3  }
0x110: {  	v4 =	vmul.u32 $0x18, v61  }
0x111: {  	v3 =	vand.u32 $0x7, v3  }
0x112: {  	v3 =	vor.u32 v3, v4  }
0x113: {  	v4 =	vperm.xlane v3, v0;
	_ =	sdelay $0x1  }
0x114: {  	v4 =	vadd.s32 v1, v4;
	_ =	sdelay $0x1  }
0x115: {  	v3 =	vperm.xlane v3, v2;
	_ =	sdelay $0x1  }
0x116: {  	v3 =	vadd.s32 v1, v3  }
0x117: {  	[tilespmem:s17], [sflag:$0x1] =	stream.indirect_vreg.gather [hbm4b:s3+s2], $0x80, v4, vm0, $0xb8;
	[tilespmem:$0x18100] =	vst v63  }
0x118: {  	_ = 	snop  }
0x119: {  	[tilespmem:s18], [sflag:$0x1] =	stream.indirect_vreg.gather [hbm4b:s4+s2], $0x80, v4, vm1, $0xb8;
	[tilespmem:$0x18100] =	vst v63  }
0x11a: {  	_ = 	snop  }
0x11b: {  	[tilespmem:s19], [sflag:$0x1] =	stream.indirect_vreg.gather [hbm4b:s3+s2], $0x80, v3, vm0, $0xb8;
	[tilespmem:$0x18100] =	vst v63  }
0x11c: {  	_ = 	snop  }
0x11d: {  	[tilespmem:s20], [sflag:$0x1] =	stream.indirect_vreg.gather [hbm4b:s4+s2], $0x80, v3, vm1, $0xb8;
	[tilespmem:$0x18100] =	vst v63  }
0x11e: {  	v3 =	vld [tilespmem:$0xE0];
	_ =	sdelay $0x4  }
0x11f: {  	v62 =	vshrl.u32 v3, $0x3  }
0x120: {  	v4 =	vmul.u32 $0x18, v62  }
0x121: {  	v3 =	vand.u32 $0x7, v3  }
0x122: {  	v3 =	vor.u32 v3, v4  }
0x123: {  	v4 =	vperm.xlane v3, v0;
	_ =	sdelay $0x1  }
0x124: {  	v4 =	vadd.s32 v1, v4;
	_ =	sdelay $0x1  }
0x125: {  	v3 =	vperm.xlane v3, v2;
	_ =	sdelay $0x1  }
0x126: {  	v3 =	vadd.s32 v1, v3  }
0x127: {  	[tilespmem:s21], [sflag:$0x1] =	stream.indirect_vreg.gather [hbm4b:s3+s2], $0x80, v4, vm0, $0xb8;
	[tilespmem:$0x18100] =	vst v63  }
0x128: {  	_ = 	snop  }
0x129: {  	[tilespmem:s22], [sflag:$0x1] =	stream.indirect_vreg.gather [hbm4b:s4+s2], $0x80, v4, vm1, $0xb8;
	[tilespmem:$0x18100] =	vst v63  }
0x12a: {  	_ = 	snop  }
0x12b: {  	[tilespmem:s23], [sflag:$0x1] =	stream.indirect_vreg.gather [hbm4b:s3+s2], $0x80, v3, vm0, $0xb8;
	[tilespmem:$0x18100] =	vst v63  }
0x12c: {  	_ = 	snop  }
0x12d: {  	[tilespmem:s24], [sflag:$0x1] =	stream.indirect_vreg.gather [hbm4b:s4+s2], $0x80, v3, vm1, $0xb8;
	[tilespmem:$0x18100] =	vst v63  }
0x12e: {  	v3 =	vld [tilespmem:$0xF0];
	_ =	sdelay $0x4  }
0x12f: {  	v63 =	vshrl.u32 v3, $0x3  }
0x130: {  	v4 =	vmul.u32 $0x18, v63  }
0x131: {  	v3 =	vand.u32 $0x7, v3  }
0x132: {  	v3 =	vor.u32 v3, v4  }
0x133: {  	v4 =	vperm.xlane v3, v0;
	_ =	sdelay $0x1  }
0x134: {  	v4 =	vadd.s32 v1, v4;
	_ =	sdelay $0x1  }
0x135: {  	v3 =	vperm.xlane v3, v2;
	_ =	sdelay $0x1  }
0x136: {  	v3 =	vadd.s32 v1, v3  }
0x137: {  	[tilespmem:s25], [sflag:$0x1] =	stream.indirect_vreg.gather [hbm4b:s3+s2], $0x80, v4, vm0, $0xb8;
	[tilespmem:$0x18100] =	vst v63  }
0x138: {  	_ = 	snop  }
0x139: {  	[tilespmem:s26], [sflag:$0x1] =	stream.indirect_vreg.gather [hbm4b:s4+s2], $0x80, v4, vm1, $0xb8;
	[tilespmem:$0x18100] =	vst v63  }
0x13a: {  	_ = 	snop  }
0x13b: {  	[tilespmem:s28], [sflag:$0x1] =	stream.indirect_vreg.gather [hbm4b:s3+s2], $0x80, v3, vm0, $0xb8;
	[tilespmem:$0x18100] =	vst v63  }
0x13c: {  	_ = 	snop  }
0x13d: {  	[tilespmem:s29], [sflag:$0x1] =	stream.indirect_vreg.gather [hbm4b:s4+s2], $0x80, v3, vm1, $0xb8;
	[tilespmem:$0x18100] =	vst v63  }
0x13e: {  	_ =	swait.ge [sflag:s30], $0x18000  }
0x13f: {  	p0 =	sne.s32 s1, $0x60;
	[sflag:s30] =	ssyncset.done $0x0  }
.Ltmp0:
0x140: {  	[sflag:s30] =	ssyncadd.s32 $0xFFFE8000;
	(pc) =	sbr.rel @p0 .LBB2_2-.Ltmp0, $4  }
0x141: {  	[hbm4b:s6+s2] =	stream.linear.scatter [tilespmem:s8], [sflag:$0x2], $0x18000, $0x38;
	[tilespmem:$0x18100] =	vst v63  }
0x142: {  	_ =	swait.ge [sflag:s7], $0x18000  }
0x143: {  	[sflag:s7] =	ssyncset.done $0x0  }
0x144: {  	s1 =	sadd.s32 $0x20, s1;
	s6 =	sadd.s32 $0x3000, s6;
	[sflag:s7] =	ssyncadd.s32 $0xFFFE8000  }
0x145: {  	s0 =	sld [smem:$0x7F7];
	_ =	sdelay $0x1  }
0x146: {  	s31 =	sadd.s32 $0x1, s31  }
0x147: {  	p0 =	sne.s32 s31, s0  }
.Ltmp1:
0x148: {  	_ = 	snop;
	(pc) =	sbr.rel @p0 .LBB2_1-.Ltmp1, $1  }
0x149: {  	_ =	sdelay $0x3  }
0x14a: {  	_ =	sfence.sel $0x180000  }
0x14b: {  	[bflag:$0x0] =	sbarrier.arrive $0xFFFF  }
0x14c: {  	_ =	strace $0x90000047  }
0x14d: {  	s0 =	stileid.u32;
	[bflag:$0x2] =	sbarrier.arrive $0xFFFF  }
0x14e: {  	p0 =	sne.s32 s0, $0x0;
	s0 =	rddreg [dreg:$0x1]  }
0x14f: {  	s0 =	sadd.s32 @!p0 $0x100000, s0  }
0x150: {  	[sflag:s0] =	ssyncadd.tile.s32 @!p0 $0x1;
	_ =	shalt  }
.Lfunc_end2:
_tile_overlayer_lowered:
.L_overlay_start_2:
0x151: {  	(tag) =	ssettag $0x2  }
0x152: {  	s0 =	rddreg [dreg:$0x0];
	s2 =	stileid.u32  }
0x153: {  	s1 =	rddreg [dreg:$0x1];
	p0 =	sne.s32 s2, $0x0  }
0x154: {  	s3 =	rddreg [dreg:$0x2];
	[bflag:$0x3] =	sbarrier.arrive $0xFFFF;
	s2 =	simm.s32 @!p0 $0x1C02  }
0x155: {  	[timem:s3], [sflag:s2] =	dma.local @!p0 [hbm:s0], s1  }
0x156: {  	s0 =	simm.s32 @!p0 $0x2  }
0x157: {  	_ =	swait.ge @!p0 [sflag:s0], s1  }
0x158: {  	s1 =	ssub.s32 @!p0 $0x0, s1;
	[sflag:s0] =	ssyncset.done @!p0 $0x0  }
0x159: {  	[sflag:s0] =	ssyncadd.s32 @!p0 s1  }
0x15a: {  	[bflag:$0x3] =	sbarrier.arrive $0xFFFF  }
0x15b: {  	_ =	shalt  }

</sc_bundles>
